<compile_context>
chip_gen: v7x
topology: tpu7x:2x2x1
jax: 0.10.2.dev20260603
libtpu: 0.0.44.dev20260713+nightly
codegen_flags: <defaults>
</compile_context>

<pallas_src>
import functools

import jax
import jax.numpy as jnp
from jax import lax
from jax.experimental import pallas as pl
from jax.experimental.pallas import tpu as pltpu
from jax.experimental.pallas import tpu_sc as plsc

NUM_EMB = 1000000
DIM = 64
BATCH = 16384
HIST = 50
B_TOTAL = BATCH * HIST

NC = 2
NS = 16
NW = NC * NS

CHUNK = 128
B_PER_W = B_TOTAL // NW
NCHUNKS = B_PER_W // CHUNK
IBLKS = BATCH // CHUNK

NBUF = 4
AHEAD = NBUF - 1
PITCH = 129


def _gather_kernel(table_hbm, idx_hbm, out_hbm, idx_v, bufs, tbufs, gsems, ssems):
    wid = lax.axis_index("s") * NC + lax.axis_index("c")
    base = wid * NCHUNKS

    pltpu.sync_copy(idx_hbm.at[wid], idx_v)

    lanes = lax.iota(jnp.int32, 16)
    khv = [(jnp.int32(g * 16) + lanes) >> 3 for g in range(4)]
    klv = [(jnp.int32(g * 16) + lanes) & 7 for g in range(4)]

    def gather(c, b):
        return pltpu.make_async_copy(table_hbm.at[idx_v.at[c]], bufs[b], gsems[b])

    def store(c, b):
        f = base + c
        j = f // IBLKS
        ib = f % IBLKS
        return pltpu.make_async_copy(
            tbufs[b].at[:, :, pl.ds(0, CHUNK)], out_hbm.at[j, :, ib], ssems[b]
        )

    for c in range(AHEAD):
        gather(c, c).start()

    def step(i, carry):
        g0 = i * NBUF
        for b in range(NBUF):
            c = g0 + b
            gather(c, b).wait()

            rows = bufs[b]
            tb = tbufs[b]

            def trow(r, carry2):
                for u in range(8):
                    il = r * 8 + u
                    ilv = jnp.full((16,), 0, jnp.int32) + il
                    for g in range(4):
                        vals = rows[il, pl.ds(g * 16, 16)]
                        plsc.store_scatter(tb, [khv[g], klv[g], ilv], vals)
                return carry2

            lax.fori_loop(0, CHUNK // 8, trow, 0)

            store(c, b).start()

            pb = (b - 1) % NBUF

            @pl.when(c >= 1)
            def _():
                store(c - 1, pb).wait()

            @pl.when(c + AHEAD < NCHUNKS)
            def _():
                gather(c + AHEAD, pb).start()
        return carry

    lax.fori_loop(0, NCHUNKS // NBUF, step, 0)
    store(NCHUNKS - 1, (NCHUNKS - 1) % NBUF).wait()


@functools.partial(
    pl.kernel,
    mesh=plsc.VectorSubcoreMesh(core_axis_name="c", subcore_axis_name="s"),
    out_type=jax.ShapeDtypeStruct((HIST, DIM // 8, IBLKS, 8, CHUNK), jnp.float32),
    scratch_types=[
        pltpu.VMEM((NCHUNKS, CHUNK), jnp.int32),
        [pltpu.VMEM((CHUNK, DIM), jnp.float32)] * NBUF,
        [pltpu.VMEM((DIM // 8, 8, PITCH), jnp.float32)] * NBUF,
        [pltpu.SemaphoreType.DMA] * NBUF,
        [pltpu.SemaphoreType.DMA] * NBUF,
    ],
    compiler_params=pltpu.CompilerParams(
        use_tc_tiling_on_sc=False, needs_layout_passes=False
    ),
)
def _lookup(table_hbm, idx_hbm, out_hbm, idx_v, bufs, tbufs, gsems, ssems):
    _gather_kernel(table_hbm, idx_hbm, out_hbm, idx_v, bufs, tbufs, gsems, ssems)


def kernel(x, table):
    batch, hist = x.shape
    idx = jnp.reshape(jnp.transpose(x).astype(jnp.int32), (NW, NCHUNKS, CHUNK))
    r5 = _lookup(table, idx)
    return jnp.reshape(jnp.transpose(r5, (2, 4, 0, 1, 3)), (batch, hist, DIM))

# --- scband reference (transcript-rebuilt; emitter-appended) ---
"""Pipeline reference for scband-poincare-42949673115 (READ-ONLY COPY).

The authoritative reference and input builder live on the scoring server;
editing this copy changes nothing except your own understanding.
"""

import jax, jax.numpy as jnp
import numpy as np

NUM_EMBEDDINGS = 1000000
EMBED_DIM = 64
BATCH = 16384
HIST = 50

def setup_inputs(seed: int = 0) -> dict:
    key = jax.random.key(seed)
    k_idx, k_w = jax.random.split(key)
    x = jax.random.randint(k_idx, (BATCH, HIST), 0, NUM_EMBEDDINGS, dtype=jnp.int64 if jax.config.jax_enable_x64 else jnp.int32)
    # Poincare init: Uniform(-0.001, 0.001)
    table = (2.0 * jax.random.uniform(k_w, (NUM_EMBEDDINGS, EMBED_DIM), dtype=jnp.float32) - 1.0) * 0.001
    return {"x": x, "table": table}

def reference(x, table):
    # Faithful translation of nn.Embedding lookup: out = table[x]
    return jnp.take(table, x, axis=0)

if __name__ == "__main__":
    import jax
    _d = setup_inputs()
    print(jax.jit(kernel)(*tuple(_d.values())))

</pallas_src>

<mosaic_0001>
#map = affine_map<(d0, d1) -> (0, 0)>
#map1 = affine_map<(d0, d1) -> (0, 0, 0)>
#map2 = affine_map<(d0, d1) -> (0, 0, 0, 0, 0)>
module attributes {stable_mosaic.version = 14 : i64} {
  func.func @_lookup(%arg0: i32, %arg1: i32, %arg2: memref<1000000x64xf32, #tpu.memory_space<hbm>>, %arg3: memref<32x200x128xi32, #tpu.memory_space<hbm>>, %arg4: memref<50x8x128x8x128xf32, #tpu.memory_space<hbm>>, %arg5: memref<200x128xi32, #tpu.memory_space<vmem>>, %arg6: memref<128x64xf32, #tpu.memory_space<vmem>>, %arg7: memref<128x64xf32, #tpu.memory_space<vmem>>, %arg8: memref<128x64xf32, #tpu.memory_space<vmem>>, %arg9: memref<128x64xf32, #tpu.memory_space<vmem>>, %arg10: memref<8x8x129xf32, #tpu.memory_space<vmem>>, %arg11: memref<8x8x129xf32, #tpu.memory_space<vmem>>, %arg12: memref<8x8x129xf32, #tpu.memory_space<vmem>>, %arg13: memref<8x8x129xf32, #tpu.memory_space<vmem>>, %arg14: memref<!tpu.dma_semaphore, #tpu.memory_space<semaphore_mem>>, %arg15: memref<!tpu.dma_semaphore, #tpu.memory_space<semaphore_mem>>, %arg16: memref<!tpu.dma_semaphore, #tpu.memory_space<semaphore_mem>>, %arg17: memref<!tpu.dma_semaphore, #tpu.memory_space<semaphore_mem>>, %arg18: memref<!tpu.dma_semaphore, #tpu.memory_space<semaphore_mem>>, %arg19: memref<!tpu.dma_semaphore, #tpu.memory_space<semaphore_mem>>, %arg20: memref<!tpu.dma_semaphore, #tpu.memory_space<semaphore_mem>>, %arg21: memref<!tpu.dma_semaphore, #tpu.memory_space<semaphore_mem>>) attributes {dimension_semantics = [#tpu.dimension_semantics<core_parallel>, #tpu.dimension_semantics<subcore_parallel>], iteration_bounds = array<i64: 2, 16>, scalar_prefetch = 0 : i64, scratch_operands = 17 : i64, tpu.core_type = #tpu.core_type<sc_vector_subcore>, window_params = [{transform_indices = #map}, {transform_indices = #map1}, {transform_indices = #map2}]} {
    %mul3A = arith.constant 2 : i32
    %mul3A_0 = arith.muli %arg1, %mul3A : i32
    %add3A = arith.addi %mul3A_0, %arg0 : i32
    %mul3A_1 = arith.constant 200 : i32
    %mul3A_2 = arith.muli %add3A, %mul3A_1 : i32
    "tpu.region"() ({
      %run_scoped3A = tpu.sem_alloc : memref<!tpu.dma_semaphore, #tpu.memory_space<semaphore_mem>>
      %dma_start3A_124 = arith.constant 0 : i32
      %dma_start3A_125 = arith.constant 0 : i32
      %dma_start3A_126 = tpu.memref_slice %arg3[%add3A, %dma_start3A_124, %dma_start3A_125] : memref<32x200x128xi32, #tpu.memory_space<hbm>> -> memref<1x200x128xi32, #tpu.memory_space<hbm>>
      %dma_start3A_127 = tpu.memref_squeeze %dma_start3A_126 : memref<1x200x128xi32, #tpu.memory_space<hbm>> -> memref<200x128xi32, #tpu.memory_space<hbm>>
      %dma_start3A_128 = arith.constant 0 : i32
      %dma_start3A_129 = arith.constant 0 : i32
      %dma_start3A_130 = tpu.memref_slice %arg3[%add3A, %dma_start3A_128, %dma_start3A_129] : memref<32x200x128xi32, #tpu.memory_space<hbm>> -> memref<1x200x128xi32, #tpu.memory_space<hbm>>
      %dma_start3A_131 = tpu.memref_squeeze %dma_start3A_130 : memref<1x200x128xi32, #tpu.memory_space<hbm>> -> memref<200x128xi32, #tpu.memory_space<hbm>>
      tpu.enqueue_dma source(%dma_start3A_131 : memref<200x128xi32, #tpu.memory_space<hbm>>) target(%arg5 : memref<200x128xi32, #tpu.memory_space<vmem>>) target_semaphore(%run_scoped3A : memref<!tpu.dma_semaphore, #tpu.memory_space<semaphore_mem>>)
      %dma_wait3A_132 = arith.constant 0 : i32
      %dma_wait3A_133 = arith.constant 0 : i32
      %dma_wait3A_134 = tpu.memref_slice %arg3[%add3A, %dma_wait3A_132, %dma_wait3A_133] : memref<32x200x128xi32, #tpu.memory_space<hbm>> -> memref<1x200x128xi32, #tpu.memory_space<hbm>>
      %dma_wait3A_135 = tpu.memref_squeeze %dma_wait3A_134 : memref<1x200x128xi32, #tpu.memory_space<hbm>> -> memref<200x128xi32, #tpu.memory_space<hbm>>
      %dma_wait3A_136 = arith.constant 0 : i32
      %dma_wait3A_137 = arith.constant 0 : i32
      %dma_wait3A_138 = tpu.memref_slice %arg3[%add3A, %dma_wait3A_136, %dma_wait3A_137] : memref<32x200x128xi32, #tpu.memory_space<hbm>> -> memref<1x200x128xi32, #tpu.memory_space<hbm>>
      %dma_wait3A_139 = tpu.memref_squeeze %dma_wait3A_138 : memref<1x200x128xi32, #tpu.memory_space<hbm>> -> memref<200x128xi32, #tpu.memory_space<hbm>>
      tpu.wait_dma2 semaphore(%run_scoped3A : memref<!tpu.dma_semaphore, #tpu.memory_space<semaphore_mem>>) src(%dma_wait3A_139 : memref<200x128xi32, #tpu.memory_space<hbm>>) dst(%arg5 : memref<200x128xi32, #tpu.memory_space<vmem>>)
      tpu.yield
    }) : () -> ()
    %iota3A = tpu.iota {dimensions = array<i32: 0>} : vector<16xi32>
    %add3A_3 = arith.constant 0 : i32
    %add3A_4 = vector.broadcast %add3A_3 : i32 to vector<16xi32>
    %add3A_5 = arith.addi %add3A_4, %iota3A : vector<16xi32>
    %shift_right_arithmetic3A = arith.constant 3 : i32
    %shift_right_arithmetic3A_6 = vector.broadcast %shift_right_arithmetic3A : i32 to vector<16xi32>
    %shift_right_arithmetic3A_7 = arith.shrsi %add3A_5, %shift_right_arithmetic3A_6 : vector<16xi32>
    %add3A_8 = arith.constant 16 : i32
    %add3A_9 = vector.broadcast %add3A_8 : i32 to vector<16xi32>
    %add3A_10 = arith.addi %add3A_9, %iota3A : vector<16xi32>
    %shift_right_arithmetic3A_11 = arith.constant 3 : i32
    %shift_right_arithmetic3A_12 = vector.broadcast %shift_right_arithmetic3A_11 : i32 to vector<16xi32>
    %shift_right_arithmetic3A_13 = arith.shrsi %add3A_10, %shift_right_arithmetic3A_12 : vector<16xi32>
    %add3A_14 = arith.constant 32 : i32
    %add3A_15 = vector.broadcast %add3A_14 : i32 to vector<16xi32>
    %add3A_16 = arith.addi %add3A_15, %iota3A : vector<16xi32>
    %shift_right_arithmetic3A_17 = arith.constant 3 : i32
    %shift_right_arithmetic3A_18 = vector.broadcast %shift_right_arithmetic3A_17 : i32 to vector<16xi32>
    %shift_right_arithmetic3A_19 = arith.shrsi %add3A_16, %shift_right_arithmetic3A_18 : vector<16xi32>
    %add3A_20 = arith.constant 48 : i32
    %add3A_21 = vector.broadcast %add3A_20 : i32 to vector<16xi32>
    %add3A_22 = arith.addi %add3A_21, %iota3A : vector<16xi32>
    %shift_right_arithmetic3A_23 = arith.constant 3 : i32
    %shift_right_arithmetic3A_24 = vector.broadcast %shift_right_arithmetic3A_23 : i32 to vector<16xi32>
    %shift_right_arithmetic3A_25 = arith.shrsi %add3A_22, %shift_right_arithmetic3A_24 : vector<16xi32>
    %add3A_26 = arith.constant 0 : i32
    %add3A_27 = vector.broadcast %add3A_26 : i32 to vector<16xi32>
    %add3A_28 = arith.addi %add3A_27, %iota3A : vector<16xi32>
    %and3A = arith.constant 7 : i32
    %and3A_29 = vector.broadcast %and3A : i32 to vector<16xi32>
    %and3A_30 = arith.andi %add3A_28, %and3A_29 : vector<16xi32>
    %add3A_31 = arith.constant 16 : i32
    %add3A_32 = vector.broadcast %add3A_31 : i32 to vector<16xi32>
    %add3A_33 = arith.addi %add3A_32, %iota3A : vector<16xi32>
    %and3A_34 = arith.constant 7 : i32
    %and3A_35 = vector.broadcast %and3A_34 : i32 to vector<16xi32>
    %and3A_36 = arith.andi %add3A_33, %and3A_35 : vector<16xi32>
    %add3A_37 = arith.constant 32 : i32
    %add3A_38 = vector.broadcast %add3A_37 : i32 to vector<16xi32>
    %add3A_39 = arith.addi %add3A_38, %iota3A : vector<16xi32>
    %and3A_40 = arith.constant 7 : i32
    %and3A_41 = vector.broadcast %and3A_40 : i32 to vector<16xi32>
    %and3A_42 = arith.andi %add3A_39, %and3A_41 : vector<16xi32>
    %add3A_43 = arith.constant 48 : i32
    %add3A_44 = vector.broadcast %add3A_43 : i32 to vector<16xi32>
    %add3A_45 = arith.addi %add3A_44, %iota3A : vector<16xi32>
    %and3A_46 = arith.constant 7 : i32
    %and3A_47 = vector.broadcast %and3A_46 : i32 to vector<16xi32>
    %and3A_48 = arith.andi %add3A_45, %and3A_47 : vector<16xi32>
    %dma_start3A = arith.constant 0 : i32
    %dma_start3A_49 = arith.constant 0 : i32
    %dma_start3A_50 = tpu.memref_slice %arg5[%dma_start3A, %dma_start3A_49] : memref<200x128xi32, #tpu.memory_space<vmem>> -> memref<1x128xi32, #tpu.memory_space<vmem>>
    %dma_start3A_51 = tpu.memref_squeeze %dma_start3A_50 : memref<1x128xi32, #tpu.memory_space<vmem>> -> memref<128xi32, #tpu.memory_space<vmem>>
    %dma_start3A_52 = arith.constant 0 : i32
    %dma_start3A_53 = arith.constant 0 : i32
    %dma_start3A_54 = tpu.memref_slice %arg2[%dma_start3A_52, %dma_start3A_53] : memref<1000000x64xf32, #tpu.memory_space<hbm>> -> memref<1000000x64xf32, #tpu.memory_space<hbm>>
    tpu.enqueue_indirect_dma source(%dma_start3A_54 : memref<1000000x64xf32, #tpu.memory_space<hbm>>) target(%arg6 : memref<128x64xf32, #tpu.memory_space<vmem>>) offsets(%dma_start3A_51 : memref<128xi32, #tpu.memory_space<vmem>>) semaphore(%arg14 : memref<!tpu.dma_semaphore, #tpu.memory_space<semaphore_mem>>)
    %dma_start3A_55 = arith.constant 1 : i32
    %dma_start3A_56 = arith.constant 0 : i32
    %dma_start3A_57 = tpu.memref_slice %arg5[%dma_start3A_55, %dma_start3A_56] : memref<200x128xi32, #tpu.memory_space<vmem>> -> memref<1x128xi32, #tpu.memory_space<vmem>>
    %dma_start3A_58 = tpu.memref_squeeze %dma_start3A_57 : memref<1x128xi32, #tpu.memory_space<vmem>> -> memref<128xi32, #tpu.memory_space<vmem>>
    %dma_start3A_59 = arith.constant 0 : i32
    %dma_start3A_60 = arith.constant 0 : i32
    %dma_start3A_61 = tpu.memref_slice %arg2[%dma_start3A_59, %dma_start3A_60] : memref<1000000x64xf32, #tpu.memory_space<hbm>> -> memref<1000000x64xf32, #tpu.memory_space<hbm>>
    tpu.enqueue_indirect_dma source(%dma_start3A_61 : memref<1000000x64xf32, #tpu.memory_space<hbm>>) target(%arg7 : memref<128x64xf32, #tpu.memory_space<vmem>>) offsets(%dma_start3A_58 : memref<128xi32, #tpu.memory_space<vmem>>) semaphore(%arg15 : memref<!tpu.dma_semaphore, #tpu.memory_space<semaphore_mem>>)
    %dma_start3A_62 = arith.constant 2 : i32
    %dma_start3A_63 = arith.constant 0 : i32
    %dma_start3A_64 = tpu.memref_slice %arg5[%dma_start3A_62, %dma_start3A_63] : memref<200x128xi32, #tpu.memory_space<vmem>> -> memref<1x128xi32, #tpu.memory_space<vmem>>
    %dma_start3A_65 = tpu.memref_squeeze %dma_start3A_64 : memref<1x128xi32, #tpu.memory_space<vmem>> -> memref<128xi32, #tpu.memory_space<vmem>>
    %dma_start3A_66 = arith.constant 0 : i32
    %dma_start3A_67 = arith.constant 0 : i32
    %dma_start3A_68 = tpu.memref_slice %arg2[%dma_start3A_66, %dma_start3A_67] : memref<1000000x64xf32, #tpu.memory_space<hbm>> -> memref<1000000x64xf32, #tpu.memory_space<hbm>>
    tpu.enqueue_indirect_dma source(%dma_start3A_68 : memref<1000000x64xf32, #tpu.memory_space<hbm>>) target(%arg8 : memref<128x64xf32, #tpu.memory_space<vmem>>) offsets(%dma_start3A_65 : memref<128xi32, #tpu.memory_space<vmem>>) semaphore(%arg16 : memref<!tpu.dma_semaphore, #tpu.memory_space<semaphore_mem>>)
    %scan3A = arith.constant 0 : i32
    %scan3A_69 = arith.constant 0 : i32
    %scan3A_70 = arith.constant 50 : i32
    %scan3A_71 = arith.addi %scan3A_69, %scan3A_70 : i32
    %scan3A_72 = arith.constant 1 : i32
    scf.for %scan3A_124 = %scan3A_69 to %scan3A_71 step %scan3A_72  : i32 {
      %mul3A_125 = arith.constant 4 : i32
      %mul3A_126 = arith.muli %scan3A_124, %mul3A_125 : i32
      %add3A_127 = arith.constant 0 : i32
      %add3A_128 = arith.addi %mul3A_126, %add3A_127 : i32
      %dma_wait3A_129 = arith.constant 0 : i32
      %dma_wait3A_130 = tpu.memref_slice %arg5[%add3A_128, %dma_wait3A_129] : memref<200x128xi32, #tpu.memory_space<vmem>> -> memref<1x128xi32, #tpu.memory_space<vmem>>
      %dma_wait3A_131 = tpu.memref_squeeze %dma_wait3A_130 : memref<1x128xi32, #tpu.memory_space<vmem>> -> memref<128xi32, #tpu.memory_space<vmem>>
      %dma_wait3A_132 = arith.constant 0 : i32
      %dma_wait3A_133 = arith.constant 0 : i32
      %dma_wait3A_134 = tpu.memref_slice %arg2[%dma_wait3A_132, %dma_wait3A_133] : memref<1000000x64xf32, #tpu.memory_space<hbm>> -> memref<1000000x64xf32, #tpu.memory_space<hbm>>
      tpu.wait_indirect_dma semaphore(%arg14 : memref<!tpu.dma_semaphore, #tpu.memory_space<semaphore_mem>>) src(%dma_wait3A_134 : memref<1000000x64xf32, #tpu.memory_space<hbm>>) dst(%arg6 : memref<128x64xf32, #tpu.memory_space<vmem>>)
      %scan3A_135 = arith.constant 0 : i32
      %scan3A_136 = arith.constant 0 : i32
      %scan3A_137 = arith.constant 16 : i32
      %scan3A_138 = arith.addi %scan3A_136, %scan3A_137 : i32
      %scan3A_139 = arith.constant 1 : i32
      scf.for %scan3A_464 = %scan3A_136 to %scan3A_138 step %scan3A_139  : i32 {
        %mul3A_465 = arith.constant 8 : i32
        %mul3A_466 = arith.muli %scan3A_464, %mul3A_465 : i32
        %add3A_467 = arith.constant 0 : i32
        %add3A_468 = arith.addi %mul3A_466, %add3A_467 : i32
        %broadcast_in_dim3A = arith.constant 0 : i32
        %broadcast_in_dim3A_469 = vector.broadcast %broadcast_in_dim3A : i32 to vector<16xi32>
        %add3A_470 = vector.broadcast %add3A_468 : i32 to vector<16xi32>
        %add3A_471 = arith.addi %broadcast_in_dim3A_469, %add3A_470 : vector<16xi32>
        %get3A = arith.index_cast %add3A_468 : i32 to index
        %get3A_472 = arith.constant 0 : index
        %get3A_473 = tpu.vector_load %arg6[%get3A, %get3A_472] {strides = array<i32>} : memref<128x64xf32, #tpu.memory_space<vmem>>, vector<16xf32>,
        tpu.vector_store_idx %arg10[%shift_right_arithmetic3A_7, %and3A_30, %add3A_471], %get3A_473 : memref<8x8x129xf32, #tpu.memory_space<vmem>>[vector<16xi32>, vector<16xi32>, vector<16xi32>], vector<16xf32>,
        %get3A_474 = arith.index_cast %add3A_468 : i32 to index
        %get3A_475 = arith.constant 16 : index
        %get3A_476 = tpu.vector_load %arg6[%get3A_474, %get3A_475] {strides = array<i32>} : memref<128x64xf32, #tpu.memory_space<vmem>>, vector<16xf32>,
        tpu.vector_store_idx %arg10[%shift_right_arithmetic3A_13, %and3A_36, %add3A_471], %get3A_476 : memref<8x8x129xf32, #tpu.memory_space<vmem>>[vector<16xi32>, vector<16xi32>, vector<16xi32>], vector<16xf32>,
        %get3A_477 = arith.index_cast %add3A_468 : i32 to index
        %get3A_478 = arith.constant 32 : index
        %get3A_479 = tpu.vector_load %arg6[%get3A_477, %get3A_478] {strides = array<i32>} : memref<128x64xf32, #tpu.memory_space<vmem>>, vector<16xf32>,
        tpu.vector_store_idx %arg10[%shift_right_arithmetic3A_19, %and3A_42, %add3A_471], %get3A_479 : memref<8x8x129xf32, #tpu.memory_space<vmem>>[vector<16xi32>, vector<16xi32>, vector<16xi32>], vector<16xf32>,
        %get3A_480 = arith.index_cast %add3A_468 : i32 to index
        %get3A_481 = arith.constant 48 : index
        %get3A_482 = tpu.vector_load %arg6[%get3A_480, %get3A_481] {strides = array<i32>} : memref<128x64xf32, #tpu.memory_space<vmem>>, vector<16xf32>,
        tpu.vector_store_idx %arg10[%shift_right_arithmetic3A_25, %and3A_48, %add3A_471], %get3A_482 : memref<8x8x129xf32, #tpu.memory_space<vmem>>[vector<16xi32>, vector<16xi32>, vector<16xi32>], vector<16xf32>,
        %mul3A_483 = arith.constant 8 : i32
        %mul3A_484 = arith.muli %scan3A_464, %mul3A_483 : i32
        %add3A_485 = arith.constant 1 : i32
        %add3A_486 = arith.addi %mul3A_484, %add3A_485 : i32
        %broadcast_in_dim3A_487 = arith.constant 0 : i32
        %broadcast_in_dim3A_488 = vector.broadcast %broadcast_in_dim3A_487 : i32 to vector<16xi32>
        %add3A_489 = vector.broadcast %add3A_486 : i32 to vector<16xi32>
        %add3A_490 = arith.addi %broadcast_in_dim3A_488, %add3A_489 : vector<16xi32>
        %get3A_491 = arith.index_cast %add3A_486 : i32 to index
        %get3A_492 = arith.constant 0 : index
        %get3A_493 = tpu.vector_load %arg6[%get3A_491, %get3A_492] {strides = array<i32>} : memref<128x64xf32, #tpu.memory_space<vmem>>, vector<16xf32>,
        tpu.vector_store_idx %arg10[%shift_right_arithmetic3A_7, %and3A_30, %add3A_490], %get3A_493 : memref<8x8x129xf32, #tpu.memory_space<vmem>>[vector<16xi32>, vector<16xi32>, vector<16xi32>], vector<16xf32>,
        %get3A_494 = arith.index_cast %add3A_486 : i32 to index
        %get3A_495 = arith.constant 16 : index
        %get3A_496 = tpu.vector_load %arg6[%get3A_494, %get3A_495] {strides = array<i32>} : memref<128x64xf32, #tpu.memory_space<vmem>>, vector<16xf32>,
        tpu.vector_store_idx %arg10[%shift_right_arithmetic3A_13, %and3A_36, %add3A_490], %get3A_496 : memref<8x8x129xf32, #tpu.memory_space<vmem>>[vector<16xi32>, vector<16xi32>, vector<16xi32>], vector<16xf32>,
        %get3A_497 = arith.index_cast %add3A_486 : i32 to index
        %get3A_498 = arith.constant 32 : index
        %get3A_499 = tpu.vector_load %arg6[%get3A_497, %get3A_498] {strides = array<i32>} : memref<128x64xf32, #tpu.memory_space<vmem>>, vector<16xf32>,
        tpu.vector_store_idx %arg10[%shift_right_arithmetic3A_19, %and3A_42, %add3A_490], %get3A_499 : memref<8x8x129xf32, #tpu.memory_space<vmem>>[vector<16xi32>, vector<16xi32>, vector<16xi32>], vector<16xf32>,
        %get3A_500 = arith.index_cast %add3A_486 : i32 to index
        %get3A_501 = arith.constant 48 : index
        %get3A_502 = tpu.vector_load %arg6[%get3A_500, %get3A_501] {strides = array<i32>} : memref<128x64xf32, #tpu.memory_space<vmem>>, vector<16xf32>,
        tpu.vector_store_idx %arg10[%shift_right_arithmetic3A_25, %and3A_48, %add3A_490], %get3A_502 : memref<8x8x129xf32, #tpu.memory_space<vmem>>[vector<16xi32>, vector<16xi32>, vector<16xi32>], vector<16xf32>,
        %mul3A_503 = arith.constant 8 : i32
        %mul3A_504 = arith.muli %scan3A_464, %mul3A_503 : i32
        %add3A_505 = arith.constant 2 : i32
        %add3A_506 = arith.addi %mul3A_504, %add3A_505 : i32
        %broadcast_in_dim3A_507 = arith.constant 0 : i32
        %broadcast_in_dim3A_508 = vector.broadcast %broadcast_in_dim3A_507 : i32 to vector<16xi32>
        %add3A_509 = vector.broadcast %add3A_506 : i32 to vector<16xi32>
        %add3A_510 = arith.addi %broadcast_in_dim3A_508, %add3A_509 : vector<16xi32>
        %get3A_511 = arith.index_cast %add3A_506 : i32 to index
        %get3A_512 = arith.constant 0 : index
        %get3A_513 = tpu.vector_load %arg6[%get3A_511, %get3A_512] {strides = array<i32>} : memref<128x64xf32, #tpu.memory_space<vmem>>, vector<16xf32>,
        tpu.vector_store_idx %arg10[%shift_right_arithmetic3A_7, %and3A_30, %add3A_510], %get3A_513 : memref<8x8x129xf32, #tpu.memory_space<vmem>>[vector<16xi32>, vector<16xi32>, vector<16xi32>], vector<16xf32>,
        %get3A_514 = arith.index_cast %add3A_506 : i32 to index
        %get3A_515 = arith.constant 16 : index
        %get3A_516 = tpu.vector_load %arg6[%get3A_514, %get3A_515] {strides = array<i32>} : memref<128x64xf32, #tpu.memory_space<vmem>>, vector<16xf32>,
        tpu.vector_store_idx %arg10[%shift_right_arithmetic3A_13, %and3A_36, %add3A_510], %get3A_516 : memref<8x8x129xf32, #tpu.memory_space<vmem>>[vector<16xi32>, vector<16xi32>, vector<16xi32>], vector<16xf32>,
        %get3A_517 = arith.index_cast %add3A_506 : i32 to index
        %get3A_518 = arith.constant 32 : index
        %get3A_519 = tpu.vector_load %arg6[%get3A_517, %get3A_518] {strides = array<i32>} : memref<128x64xf32, #tpu.memory_space<vmem>>, vector<16xf32>,
        tpu.vector_store_idx %arg10[%shift_right_arithmetic3A_19, %and3A_42, %add3A_510], %get3A_519 : memref<8x8x129xf32, #tpu.memory_space<vmem>>[vector<16xi32>, vector<16xi32>, vector<16xi32>], vector<16xf32>,
        %get3A_520 = arith.index_cast %add3A_506 : i32 to index
        %get3A_521 = arith.constant 48 : index
        %get3A_522 = tpu.vector_load %arg6[%get3A_520, %get3A_521] {strides = array<i32>} : memref<128x64xf32, #tpu.memory_space<vmem>>, vector<16xf32>,
        tpu.vector_store_idx %arg10[%shift_right_arithmetic3A_25, %and3A_48, %add3A_510], %get3A_522 : memref<8x8x129xf32, #tpu.memory_space<vmem>>[vector<16xi32>, vector<16xi32>, vector<16xi32>], vector<16xf32>,
        %mul3A_523 = arith.constant 8 : i32
        %mul3A_524 = arith.muli %scan3A_464, %mul3A_523 : i32
        %add3A_525 = arith.constant 3 : i32
        %add3A_526 = arith.addi %mul3A_524, %add3A_525 : i32
        %broadcast_in_dim3A_527 = arith.constant 0 : i32
        %broadcast_in_dim3A_528 = vector.broadcast %broadcast_in_dim3A_527 : i32 to vector<16xi32>
        %add3A_529 = vector.broadcast %add3A_526 : i32 to vector<16xi32>
        %add3A_530 = arith.addi %broadcast_in_dim3A_528, %add3A_529 : vector<16xi32>
        %get3A_531 = arith.index_cast %add3A_526 : i32 to index
        %get3A_532 = arith.constant 0 : index
        %get3A_533 = tpu.vector_load %arg6[%get3A_531, %get3A_532] {strides = array<i32>} : memref<128x64xf32, #tpu.memory_space<vmem>>, vector<16xf32>,
        tpu.vector_store_idx %arg10[%shift_right_arithmetic3A_7, %and3A_30, %add3A_530], %get3A_533 : memref<8x8x129xf32, #tpu.memory_space<vmem>>[vector<16xi32>, vector<16xi32>, vector<16xi32>], vector<16xf32>,
        %get3A_534 = arith.index_cast %add3A_526 : i32 to index
        %get3A_535 = arith.constant 16 : index
        %get3A_536 = tpu.vector_load %arg6[%get3A_534, %get3A_535] {strides = array<i32>} : memref<128x64xf32, #tpu.memory_space<vmem>>, vector<16xf32>,
        tpu.vector_store_idx %arg10[%shift_right_arithmetic3A_13, %and3A_36, %add3A_530], %get3A_536 : memref<8x8x129xf32, #tpu.memory_space<vmem>>[vector<16xi32>, vector<16xi32>, vector<16xi32>], vector<16xf32>,
        %get3A_537 = arith.index_cast %add3A_526 : i32 to index
        %get3A_538 = arith.constant 32 : index
        %get3A_539 = tpu.vector_load %arg6[%get3A_537, %get3A_538] {strides = array<i32>} : memref<128x64xf32, #tpu.memory_space<vmem>>, vector<16xf32>,
        tpu.vector_store_idx %arg10[%shift_right_arithmetic3A_19, %and3A_42, %add3A_530], %get3A_539 : memref<8x8x129xf32, #tpu.memory_space<vmem>>[vector<16xi32>, vector<16xi32>, vector<16xi32>], vector<16xf32>,
        %get3A_540 = arith.index_cast %add3A_526 : i32 to index
        %get3A_541 = arith.constant 48 : index
        %get3A_542 = tpu.vector_load %arg6[%get3A_540, %get3A_541] {strides = array<i32>} : memref<128x64xf32, #tpu.memory_space<vmem>>, vector<16xf32>,
        tpu.vector_store_idx %arg10[%shift_right_arithmetic3A_25, %and3A_48, %add3A_530], %get3A_542 : memref<8x8x129xf32, #tpu.memory_space<vmem>>[vector<16xi32>, vector<16xi32>, vector<16xi32>], vector<16xf32>,
        %mul3A_543 = arith.constant 8 : i32
        %mul3A_544 = arith.muli %scan3A_464, %mul3A_543 : i32
        %add3A_545 = arith.constant 4 : i32
        %add3A_546 = arith.addi %mul3A_544, %add3A_545 : i32
        %broadcast_in_dim3A_547 = arith.constant 0 : i32
        %broadcast_in_dim3A_548 = vector.broadcast %broadcast_in_dim3A_547 : i32 to vector<16xi32>
        %add3A_549 = vector.broadcast %add3A_546 : i32 to vector<16xi32>
        %add3A_550 = arith.addi %broadcast_in_dim3A_548, %add3A_549 : vector<16xi32>
        %get3A_551 = arith.index_cast %add3A_546 : i32 to index
        %get3A_552 = arith.constant 0 : index
        %get3A_553 = tpu.vector_load %arg6[%get3A_551, %get3A_552] {strides = array<i32>} : memref<128x64xf32, #tpu.memory_space<vmem>>, vector<16xf32>,
        tpu.vector_store_idx %arg10[%shift_right_arithmetic3A_7, %and3A_30, %add3A_550], %get3A_553 : memref<8x8x129xf32, #tpu.memory_space<vmem>>[vector<16xi32>, vector<16xi32>, vector<16xi32>], vector<16xf32>,
        %get3A_554 = arith.index_cast %add3A_546 : i32 to index
        %get3A_555 = arith.constant 16 : index
        %get3A_556 = tpu.vector_load %arg6[%get3A_554, %get3A_555] {strides = array<i32>} : memref<128x64xf32, #tpu.memory_space<vmem>>, vector<16xf32>,
        tpu.vector_store_idx %arg10[%shift_right_arithmetic3A_13, %and3A_36, %add3A_550], %get3A_556 : memref<8x8x129xf32, #tpu.memory_space<vmem>>[vector<16xi32>, vector<16xi32>, vector<16xi32>], vector<16xf32>,
        %get3A_557 = arith.index_cast %add3A_546 : i32 to index
        %get3A_558 = arith.constant 32 : index
        %get3A_559 = tpu.vector_load %arg6[%get3A_557, %get3A_558] {strides = array<i32>} : memref<128x64xf32, #tpu.memory_space<vmem>>, vector<16xf32>,
        tpu.vector_store_idx %arg10[%shift_right_arithmetic3A_19, %and3A_42, %add3A_550], %get3A_559 : memref<8x8x129xf32, #tpu.memory_space<vmem>>[vector<16xi32>, vector<16xi32>, vector<16xi32>], vector<16xf32>,
        %get3A_560 = arith.index_cast %add3A_546 : i32 to index
        %get3A_561 = arith.constant 48 : index
        %get3A_562 = tpu.vector_load %arg6[%get3A_560, %get3A_561] {strides = array<i32>} : memref<128x64xf32, #tpu.memory_space<vmem>>, vector<16xf32>,
        tpu.vector_store_idx %arg10[%shift_right_arithmetic3A_25, %and3A_48, %add3A_550], %get3A_562 : memref<8x8x129xf32, #tpu.memory_space<vmem>>[vector<16xi32>, vector<16xi32>, vector<16xi32>], vector<16xf32>,
        %mul3A_563 = arith.constant 8 : i32
        %mul3A_564 = arith.muli %scan3A_464, %mul3A_563 : i32
        %add3A_565 = arith.constant 5 : i32
        %add3A_566 = arith.addi %mul3A_564, %add3A_565 : i32
        %broadcast_in_dim3A_567 = arith.constant 0 : i32
        %broadcast_in_dim3A_568 = vector.broadcast %broadcast_in_dim3A_567 : i32 to vector<16xi32>
        %add3A_569 = vector.broadcast %add3A_566 : i32 to vector<16xi32>
        %add3A_570 = arith.addi %broadcast_in_dim3A_568, %add3A_569 : vector<16xi32>
        %get3A_571 = arith.index_cast %add3A_566 : i32 to index
        %get3A_572 = arith.constant 0 : index
        %get3A_573 = tpu.vector_load %arg6[%get3A_571, %get3A_572] {strides = array<i32>} : memref<128x64xf32, #tpu.memory_space<vmem>>, vector<16xf32>,
        tpu.vector_store_idx %arg10[%shift_right_arithmetic3A_7, %and3A_30, %add3A_570], %get3A_573 : memref<8x8x129xf32, #tpu.memory_space<vmem>>[vector<16xi32>, vector<16xi32>, vector<16xi32>], vector<16xf32>,
        %get3A_574 = arith.index_cast %add3A_566 : i32 to index
        %get3A_575 = arith.constant 16 : index
        %get3A_576 = tpu.vector_load %arg6[%get3A_574, %get3A_575] {strides = array<i32>} : memref<128x64xf32, #tpu.memory_space<vmem>>, vector<16xf32>,
        tpu.vector_store_idx %arg10[%shift_right_arithmetic3A_13, %and3A_36, %add3A_570], %get3A_576 : memref<8x8x129xf32, #tpu.memory_space<vmem>>[vector<16xi32>, vector<16xi32>, vector<16xi32>], vector<16xf32>,
        %get3A_577 = arith.index_cast %add3A_566 : i32 to index
        %get3A_578 = arith.constant 32 : index
        %get3A_579 = tpu.vector_load %arg6[%get3A_577, %get3A_578] {strides = array<i32>} : memref<128x64xf32, #tpu.memory_space<vmem>>, vector<16xf32>,
        tpu.vector_store_idx %arg10[%shift_right_arithmetic3A_19, %and3A_42, %add3A_570], %get3A_579 : memref<8x8x129xf32, #tpu.memory_space<vmem>>[vector<16xi32>, vector<16xi32>, vector<16xi32>], vector<16xf32>,
        %get3A_580 = arith.index_cast %add3A_566 : i32 to index
        %get3A_581 = arith.constant 48 : index
        %get3A_582 = tpu.vector_load %arg6[%get3A_580, %get3A_581] {strides = array<i32>} : memref<128x64xf32, #tpu.memory_space<vmem>>, vector<16xf32>,
        tpu.vector_store_idx %arg10[%shift_right_arithmetic3A_25, %and3A_48, %add3A_570], %get3A_582 : memref<8x8x129xf32, #tpu.memory_space<vmem>>[vector<16xi32>, vector<16xi32>, vector<16xi32>], vector<16xf32>,
        %mul3A_583 = arith.constant 8 : i32
        %mul3A_584 = arith.muli %scan3A_464, %mul3A_583 : i32
        %add3A_585 = arith.constant 6 : i32
        %add3A_586 = arith.addi %mul3A_584, %add3A_585 : i32
        %broadcast_in_dim3A_587 = arith.constant 0 : i32
        %broadcast_in_dim3A_588 = vector.broadcast %broadcast_in_dim3A_587 : i32 to vector<16xi32>
        %add3A_589 = vector.broadcast %add3A_586 : i32 to vector<16xi32>
        %add3A_590 = arith.addi %broadcast_in_dim3A_588, %add3A_589 : vector<16xi32>
        %get3A_591 = arith.index_cast %add3A_586 : i32 to index
        %get3A_592 = arith.constant 0 : index
        %get3A_593 = tpu.vector_load %arg6[%get3A_591, %get3A_592] {strides = array<i32>} : memref<128x64xf32, #tpu.memory_space<vmem>>, vector<16xf32>,
        tpu.vector_store_idx %arg10[%shift_right_arithmetic3A_7, %and3A_30, %add3A_590], %get3A_593 : memref<8x8x129xf32, #tpu.memory_space<vmem>>[vector<16xi32>, vector<16xi32>, vector<16xi32>], vector<16xf32>,
        %get3A_594 = arith.index_cast %add3A_586 : i32 to index
        %get3A_595 = arith.constant 16 : index
        %get3A_596 = tpu.vector_load %arg6[%get3A_594, %get3A_595] {strides = array<i32>} : memref<128x64xf32, #tpu.memory_space<vmem>>, vector<16xf32>,
        tpu.vector_store_idx %arg10[%shift_right_arithmetic3A_13, %and3A_36, %add3A_590], %get3A_596 : memref<8x8x129xf32, #tpu.memory_space<vmem>>[vector<16xi32>, vector<16xi32>, vector<16xi32>], vector<16xf32>,
        %get3A_597 = arith.index_cast %add3A_586 : i32 to index
        %get3A_598 = arith.constant 32 : index
        %get3A_599 = tpu.vector_load %arg6[%get3A_597, %get3A_598] {strides = array<i32>} : memref<128x64xf32, #tpu.memory_space<vmem>>, vector<16xf32>,
        tpu.vector_store_idx %arg10[%shift_right_arithmetic3A_19, %and3A_42, %add3A_590], %get3A_599 : memref<8x8x129xf32, #tpu.memory_space<vmem>>[vector<16xi32>, vector<16xi32>, vector<16xi32>], vector<16xf32>,
        %get3A_600 = arith.index_cast %add3A_586 : i32 to index
        %get3A_601 = arith.constant 48 : index
        %get3A_602 = tpu.vector_load %arg6[%get3A_600, %get3A_601] {strides = array<i32>} : memref<128x64xf32, #tpu.memory_space<vmem>>, vector<16xf32>,
        tpu.vector_store_idx %arg10[%shift_right_arithmetic3A_25, %and3A_48, %add3A_590], %get3A_602 : memref<8x8x129xf32, #tpu.memory_space<vmem>>[vector<16xi32>, vector<16xi32>, vector<16xi32>], vector<16xf32>,
        %mul3A_603 = arith.constant 8 : i32
        %mul3A_604 = arith.muli %scan3A_464, %mul3A_603 : i32
        %add3A_605 = arith.constant 7 : i32
        %add3A_606 = arith.addi %mul3A_604, %add3A_605 : i32
        %broadcast_in_dim3A_607 = arith.constant 0 : i32
        %broadcast_in_dim3A_608 = vector.broadcast %broadcast_in_dim3A_607 : i32 to vector<16xi32>
        %add3A_609 = vector.broadcast %add3A_606 : i32 to vector<16xi32>
        %add3A_610 = arith.addi %broadcast_in_dim3A_608, %add3A_609 : vector<16xi32>
        %get3A_611 = arith.index_cast %add3A_606 : i32 to index
        %get3A_612 = arith.constant 0 : index
        %get3A_613 = tpu.vector_load %arg6[%get3A_611, %get3A_612] {strides = array<i32>} : memref<128x64xf32, #tpu.memory_space<vmem>>, vector<16xf32>,
        tpu.vector_store_idx %arg10[%shift_right_arithmetic3A_7, %and3A_30, %add3A_610], %get3A_613 : memref<8x8x129xf32, #tpu.memory_space<vmem>>[vector<16xi32>, vector<16xi32>, vector<16xi32>], vector<16xf32>,
        %get3A_614 = arith.index_cast %add3A_606 : i32 to index
        %get3A_615 = arith.constant 16 : index
        %get3A_616 = tpu.vector_load %arg6[%get3A_614, %get3A_615] {strides = array<i32>} : memref<128x64xf32, #tpu.memory_space<vmem>>, vector<16xf32>,
        tpu.vector_store_idx %arg10[%shift_right_arithmetic3A_13, %and3A_36, %add3A_610], %get3A_616 : memref<8x8x129xf32, #tpu.memory_space<vmem>>[vector<16xi32>, vector<16xi32>, vector<16xi32>], vector<16xf32>,
        %get3A_617 = arith.index_cast %add3A_606 : i32 to index
        %get3A_618 = arith.constant 32 : index
        %get3A_619 = tpu.vector_load %arg6[%get3A_617, %get3A_618] {strides = array<i32>} : memref<128x64xf32, #tpu.memory_space<vmem>>, vector<16xf32>,
        tpu.vector_store_idx %arg10[%shift_right_arithmetic3A_19, %and3A_42, %add3A_610], %get3A_619 : memref<8x8x129xf32, #tpu.memory_space<vmem>>[vector<16xi32>, vector<16xi32>, vector<16xi32>], vector<16xf32>,
        %get3A_620 = arith.index_cast %add3A_606 : i32 to index
        %get3A_621 = arith.constant 48 : index
        %get3A_622 = tpu.vector_load %arg6[%get3A_620, %get3A_621] {strides = array<i32>} : memref<128x64xf32, #tpu.memory_space<vmem>>, vector<16xf32>,
        tpu.vector_store_idx %arg10[%shift_right_arithmetic3A_25, %and3A_48, %add3A_610], %get3A_622 : memref<8x8x129xf32, #tpu.memory_space<vmem>>[vector<16xi32>, vector<16xi32>, vector<16xi32>], vector<16xf32>,
      }
      %scan3A_140 = arith.constant 16 : i32
      %add3A_141 = arith.addi %mul3A_2, %add3A_128 : i32
      %jit3A_142 = arith.constant 128 : i32
      %div3A_143 = arith.divsi %add3A_141, %jit3A_142 : i32
      %sign3A_144 = arith.constant 0 : i32
      %sign3A_145 = arith.cmpi sgt, %add3A_141, %sign3A_144 : i32
      %sign3A_146 = arith.extui %sign3A_145 : i1 to i32
      %sign3A_147 = arith.constant 0 : i32
      %sign3A_148 = arith.cmpi slt, %add3A_141, %sign3A_147 : i32
      %sign3A_149 = arith.extui %sign3A_148 : i1 to i32
      %sign3A_150 = arith.subi %sign3A_146, %sign3A_149 : i32
      %sign3A_151 = arith.constant 0 : i32
      %sign3A_152 = arith.cmpi sgt, %jit3A_142, %sign3A_151 : i32
      %sign3A_153 = arith.extui %sign3A_152 : i1 to i32
      %sign3A_154 = arith.constant 0 : i32
      %sign3A_155 = arith.cmpi slt, %jit3A_142, %sign3A_154 : i32
      %sign3A_156 = arith.extui %sign3A_155 : i1 to i32
      %sign3A_157 = arith.subi %sign3A_153, %sign3A_156 : i32
      %ne3A_158 = arith.cmpi ne, %sign3A_150, %sign3A_157 : i32
      %rem3A_159 = arith.remsi %add3A_141, %jit3A_142 : i32
      %ne3A_160 = arith.constant 0 : i32
      %ne3A_161 = arith.cmpi ne, %rem3A_159, %ne3A_160 : i32
      %and3A_162 = arith.andi %ne3A_158, %ne3A_161 : i1
      %sub3A_163 = arith.constant 1 : i32
      %sub3A_164 = arith.subi %div3A_143, %sub3A_163 : i32
      %select_n3A_165 = arith.select %and3A_162, %sub3A_164, %div3A_143 : i32
      %jit3A_166 = arith.constant 128 : i32
      %eq3A_167 = arith.constant 0 : i32
      %eq3A_168 = arith.cmpi eq, %jit3A_166, %eq3A_167 : i32
      %jit3A_169 = arith.constant 1 : i32
      %select_n3A_170 = arith.select %eq3A_168, %jit3A_169, %jit3A_166 : i32
      %rem3A_171 = arith.remsi %add3A_141, %select_n3A_170 : i32
      %ne3A_172 = arith.constant 0 : i32
      %ne3A_173 = arith.cmpi ne, %rem3A_171, %ne3A_172 : i32
      %lt3A_174 = arith.constant 0 : i32
      %lt3A_175 = arith.cmpi slt, %rem3A_171, %lt3A_174 : i32
      %lt3A_176 = arith.constant 0 : i32
      %lt3A_177 = arith.cmpi slt, %select_n3A_170, %lt3A_176 : i32
      %ne3A_178 = arith.xori %lt3A_175, %lt3A_177 : i1
      %and3A_179 = arith.andi %ne3A_178, %ne3A_173 : i1
      %add3A_180 = arith.addi %rem3A_171, %select_n3A_170 : i32
      %select_n3A_181 = arith.select %and3A_179, %add3A_180, %rem3A_171 : i32
      %dma_start3A_182 = arith.constant 0 : i32
      %dma_start3A_183 = arith.constant 0 : i32
      %dma_start3A_184 = arith.constant 0 : i32
      %dma_start3A_185 = tpu.memref_slice %arg10[%dma_start3A_182, %dma_start3A_183, %dma_start3A_184] : memref<8x8x129xf32, #tpu.memory_space<vmem>> -> memref<8x8x128xf32, #tpu.memory_space<vmem>>
      %dma_start3A_186 = arith.constant 0 : i32
      %dma_start3A_187 = arith.constant 0 : i32
      %dma_start3A_188 = arith.constant 0 : i32
      %dma_start3A_189 = tpu.memref_slice %arg4[%select_n3A_165, %dma_start3A_186, %select_n3A_181, %dma_start3A_187, %dma_start3A_188] : memref<50x8x128x8x128xf32, #tpu.memory_space<hbm>> -> memref<1x8x1x8x128xf32, #tpu.memory_space<hbm>>
      %dma_start3A_190 = tpu.memref_squeeze %dma_start3A_189 : memref<1x8x1x8x128xf32, #tpu.memory_space<hbm>> -> memref<8x8x128xf32, #tpu.memory_space<hbm>>
      %dma_start3A_191 = arith.constant 0 : i32
      %dma_start3A_192 = arith.constant 0 : i32
      %dma_start3A_193 = arith.constant 0 : i32
      %dma_start3A_194 = tpu.memref_slice %arg4[%select_n3A_165, %dma_start3A_191, %select_n3A_181, %dma_start3A_192, %dma_start3A_193] : memref<50x8x128x8x128xf32, #tpu.memory_space<hbm>> -> memref<1x8x1x8x128xf32, #tpu.memory_space<hbm>>
      %dma_start3A_195 = tpu.memref_squeeze %dma_start3A_194 : memref<1x8x1x8x128xf32, #tpu.memory_space<hbm>> -> memref<8x8x128xf32, #tpu.memory_space<hbm>>
      %dma_start3A_196 = arith.constant 0 : i32
      %dma_start3A_197 = arith.constant 0 : i32
      %dma_start3A_198 = arith.constant 0 : i32
      %dma_start3A_199 = tpu.memref_slice %arg10[%dma_start3A_196, %dma_start3A_197, %dma_start3A_198] : memref<8x8x129xf32, #tpu.memory_space<vmem>> -> memref<8x8x128xf32, #tpu.memory_space<vmem>>
      tpu.enqueue_dma source(%dma_start3A_199 : memref<8x8x128xf32, #tpu.memory_space<vmem>>) target(%dma_start3A_195 : memref<8x8x128xf32, #tpu.memory_space<hbm>>) target_semaphore(%arg18 : memref<!tpu.dma_semaphore, #tpu.memory_space<semaphore_mem>>)
      %ge3A = arith.constant 1 : i32
      %ge3A_200 = arith.cmpi sge, %add3A_128, %ge3A : i32
      %convert_element_type3A = arith.extui %ge3A_200 : i1 to i32
      %cond3A = arith.constant 0 : i32
      %cond3A_201 = arith.cmpi ne, %convert_element_type3A, %cond3A : i32
      scf.if %cond3A_201 {
        %sub3A_464 = arith.constant 1 : i32
        %sub3A_465 = arith.subi %add3A_128, %sub3A_464 : i32
        %add3A_466 = arith.addi %mul3A_2, %sub3A_465 : i32
        %jit3A_467 = arith.constant 128 : i32
        %div3A_468 = arith.divsi %add3A_466, %jit3A_467 : i32
        %sign3A_469 = arith.constant 0 : i32
        %sign3A_470 = arith.cmpi sgt, %add3A_466, %sign3A_469 : i32
        %sign3A_471 = arith.extui %sign3A_470 : i1 to i32
        %sign3A_472 = arith.constant 0 : i32
        %sign3A_473 = arith.cmpi slt, %add3A_466, %sign3A_472 : i32
        %sign3A_474 = arith.extui %sign3A_473 : i1 to i32
        %sign3A_475 = arith.subi %sign3A_471, %sign3A_474 : i32
        %sign3A_476 = arith.constant 0 : i32
        %sign3A_477 = arith.cmpi sgt, %jit3A_467, %sign3A_476 : i32
        %sign3A_478 = arith.extui %sign3A_477 : i1 to i32
        %sign3A_479 = arith.constant 0 : i32
        %sign3A_480 = arith.cmpi slt, %jit3A_467, %sign3A_479 : i32
        %sign3A_481 = arith.extui %sign3A_480 : i1 to i32
        %sign3A_482 = arith.subi %sign3A_478, %sign3A_481 : i32
        %ne3A_483 = arith.cmpi ne, %sign3A_475, %sign3A_482 : i32
        %rem3A_484 = arith.remsi %add3A_466, %jit3A_467 : i32
        %ne3A_485 = arith.constant 0 : i32
        %ne3A_486 = arith.cmpi ne, %rem3A_484, %ne3A_485 : i32
        %and3A_487 = arith.andi %ne3A_483, %ne3A_486 : i1
        %sub3A_488 = arith.constant 1 : i32
        %sub3A_489 = arith.subi %div3A_468, %sub3A_488 : i32
        %select_n3A_490 = arith.select %and3A_487, %sub3A_489, %div3A_468 : i32
        %jit3A_491 = arith.constant 128 : i32
        %eq3A_492 = arith.constant 0 : i32
        %eq3A_493 = arith.cmpi eq, %jit3A_491, %eq3A_492 : i32
        %jit3A_494 = arith.constant 1 : i32
        %select_n3A_495 = arith.select %eq3A_493, %jit3A_494, %jit3A_491 : i32
        %rem3A_496 = arith.remsi %add3A_466, %select_n3A_495 : i32
        %ne3A_497 = arith.constant 0 : i32
        %ne3A_498 = arith.cmpi ne, %rem3A_496, %ne3A_497 : i32
        %lt3A_499 = arith.constant 0 : i32
        %lt3A_500 = arith.cmpi slt, %rem3A_496, %lt3A_499 : i32
        %lt3A_501 = arith.constant 0 : i32
        %lt3A_502 = arith.cmpi slt, %select_n3A_495, %lt3A_501 : i32
        %ne3A_503 = arith.xori %lt3A_500, %lt3A_502 : i1
        %and3A_504 = arith.andi %ne3A_503, %ne3A_498 : i1
        %add3A_505 = arith.addi %rem3A_496, %select_n3A_495 : i32
        %select_n3A_506 = arith.select %and3A_504, %add3A_505, %rem3A_496 : i32
        %dma_wait3A_507 = arith.constant 0 : i32
        %dma_wait3A_508 = arith.constant 0 : i32
        %dma_wait3A_509 = arith.constant 0 : i32
        %dma_wait3A_510 = tpu.memref_slice %arg13[%dma_wait3A_507, %dma_wait3A_508, %dma_wait3A_509] : memref<8x8x129xf32, #tpu.memory_space<vmem>> -> memref<8x8x128xf32, #tpu.memory_space<vmem>>
        %dma_wait3A_511 = arith.constant 0 : i32
        %dma_wait3A_512 = arith.constant 0 : i32
        %dma_wait3A_513 = arith.constant 0 : i32
        %dma_wait3A_514 = tpu.memref_slice %arg4[%select_n3A_490, %dma_wait3A_511, %select_n3A_506, %dma_wait3A_512, %dma_wait3A_513] : memref<50x8x128x8x128xf32, #tpu.memory_space<hbm>> -> memref<1x8x1x8x128xf32, #tpu.memory_space<hbm>>
        %dma_wait3A_515 = tpu.memref_squeeze %dma_wait3A_514 : memref<1x8x1x8x128xf32, #tpu.memory_space<hbm>> -> memref<8x8x128xf32, #tpu.memory_space<hbm>>
        %dma_wait3A_516 = arith.constant 0 : i32
        %dma_wait3A_517 = arith.constant 0 : i32
        %dma_wait3A_518 = arith.constant 0 : i32
        %dma_wait3A_519 = tpu.memref_slice %arg4[%select_n3A_490, %dma_wait3A_516, %select_n3A_506, %dma_wait3A_517, %dma_wait3A_518] : memref<50x8x128x8x128xf32, #tpu.memory_space<hbm>> -> memref<1x8x1x8x128xf32, #tpu.memory_space<hbm>>
        %dma_wait3A_520 = tpu.memref_squeeze %dma_wait3A_519 : memref<1x8x1x8x128xf32, #tpu.memory_space<hbm>> -> memref<8x8x128xf32, #tpu.memory_space<hbm>>
        %dma_wait3A_521 = arith.constant 0 : i32
        %dma_wait3A_522 = arith.constant 0 : i32
        %dma_wait3A_523 = arith.constant 0 : i32
        %dma_wait3A_524 = tpu.memref_slice %arg13[%dma_wait3A_521, %dma_wait3A_522, %dma_wait3A_523] : memref<8x8x129xf32, #tpu.memory_space<vmem>> -> memref<8x8x128xf32, #tpu.memory_space<vmem>>
        tpu.wait_dma2 semaphore(%arg21 : memref<!tpu.dma_semaphore, #tpu.memory_space<semaphore_mem>>) src(%dma_wait3A_524 : memref<8x8x128xf32, #tpu.memory_space<vmem>>) dst(%dma_wait3A_520 : memref<8x8x128xf32, #tpu.memory_space<hbm>>)
      } else {
      }
      %add3A_202 = arith.constant 3 : i32
      %add3A_203 = arith.addi %add3A_128, %add3A_202 : i32
      %lt3A_204 = arith.constant 200 : i32
      %lt3A_205 = arith.cmpi slt, %add3A_203, %lt3A_204 : i32
      %convert_element_type3A_206 = arith.extui %lt3A_205 : i1 to i32
      %cond3A_207 = arith.constant 0 : i32
      %cond3A_208 = arith.cmpi ne, %convert_element_type3A_206, %cond3A_207 : i32
      scf.if %cond3A_208 {
        %add3A_464 = arith.constant 3 : i32
        %add3A_465 = arith.addi %add3A_128, %add3A_464 : i32
        %dma_start3A_466 = arith.constant 0 : i32
        %dma_start3A_467 = tpu.memref_slice %arg5[%add3A_465, %dma_start3A_466] : memref<200x128xi32, #tpu.memory_space<vmem>> -> memref<1x128xi32, #tpu.memory_space<vmem>>
        %dma_start3A_468 = tpu.memref_squeeze %dma_start3A_467 : memref<1x128xi32, #tpu.memory_space<vmem>> -> memref<128xi32, #tpu.memory_space<vmem>>
        %dma_start3A_469 = arith.constant 0 : i32
        %dma_start3A_470 = arith.constant 0 : i32
        %dma_start3A_471 = tpu.memref_slice %arg2[%dma_start3A_469, %dma_start3A_470] : memref<1000000x64xf32, #tpu.memory_space<hbm>> -> memref<1000000x64xf32, #tpu.memory_space<hbm>>
        tpu.enqueue_indirect_dma source(%dma_start3A_471 : memref<1000000x64xf32, #tpu.memory_space<hbm>>) target(%arg9 : memref<128x64xf32, #tpu.memory_space<vmem>>) offsets(%dma_start3A_468 : memref<128xi32, #tpu.memory_space<vmem>>) semaphore(%arg17 : memref<!tpu.dma_semaphore, #tpu.memory_space<semaphore_mem>>)
      } else {
      }
      %add3A_209 = arith.constant 1 : i32
      %add3A_210 = arith.addi %mul3A_126, %add3A_209 : i32
      %dma_wait3A_211 = arith.constant 0 : i32
      %dma_wait3A_212 = tpu.memref_slice %arg5[%add3A_210, %dma_wait3A_211] : memref<200x128xi32, #tpu.memory_space<vmem>> -> memref<1x128xi32, #tpu.memory_space<vmem>>
      %dma_wait3A_213 = tpu.memref_squeeze %dma_wait3A_212 : memref<1x128xi32, #tpu.memory_space<vmem>> -> memref<128xi32, #tpu.memory_space<vmem>>
      %dma_wait3A_214 = arith.constant 0 : i32
      %dma_wait3A_215 = arith.constant 0 : i32
      %dma_wait3A_216 = tpu.memref_slice %arg2[%dma_wait3A_214, %dma_wait3A_215] : memref<1000000x64xf32, #tpu.memory_space<hbm>> -> memref<1000000x64xf32, #tpu.memory_space<hbm>>
      tpu.wait_indirect_dma semaphore(%arg15 : memref<!tpu.dma_semaphore, #tpu.memory_space<semaphore_mem>>) src(%dma_wait3A_216 : memref<1000000x64xf32, #tpu.memory_space<hbm>>) dst(%arg7 : memref<128x64xf32, #tpu.memory_space<vmem>>)
      %scan3A_217 = arith.constant 0 : i32
      %scan3A_218 = arith.constant 0 : i32
      %scan3A_219 = arith.constant 16 : i32
      %scan3A_220 = arith.addi %scan3A_218, %scan3A_219 : i32
      %scan3A_221 = arith.constant 1 : i32
      scf.for %scan3A_464 = %scan3A_218 to %scan3A_220 step %scan3A_221  : i32 {
        %mul3A_465 = arith.constant 8 : i32
        %mul3A_466 = arith.muli %scan3A_464, %mul3A_465 : i32
        %add3A_467 = arith.constant 0 : i32
        %add3A_468 = arith.addi %mul3A_466, %add3A_467 : i32
        %broadcast_in_dim3A = arith.constant 0 : i32
        %broadcast_in_dim3A_469 = vector.broadcast %broadcast_in_dim3A : i32 to vector<16xi32>
        %add3A_470 = vector.broadcast %add3A_468 : i32 to vector<16xi32>
        %add3A_471 = arith.addi %broadcast_in_dim3A_469, %add3A_470 : vector<16xi32>
        %get3A = arith.index_cast %add3A_468 : i32 to index
        %get3A_472 = arith.constant 0 : index
        %get3A_473 = tpu.vector_load %arg7[%get3A, %get3A_472] {strides = array<i32>} : memref<128x64xf32, #tpu.memory_space<vmem>>, vector<16xf32>,
        tpu.vector_store_idx %arg11[%shift_right_arithmetic3A_7, %and3A_30, %add3A_471], %get3A_473 : memref<8x8x129xf32, #tpu.memory_space<vmem>>[vector<16xi32>, vector<16xi32>, vector<16xi32>], vector<16xf32>,
        %get3A_474 = arith.index_cast %add3A_468 : i32 to index
        %get3A_475 = arith.constant 16 : index
        %get3A_476 = tpu.vector_load %arg7[%get3A_474, %get3A_475] {strides = array<i32>} : memref<128x64xf32, #tpu.memory_space<vmem>>, vector<16xf32>,
        tpu.vector_store_idx %arg11[%shift_right_arithmetic3A_13, %and3A_36, %add3A_471], %get3A_476 : memref<8x8x129xf32, #tpu.memory_space<vmem>>[vector<16xi32>, vector<16xi32>, vector<16xi32>], vector<16xf32>,
        %get3A_477 = arith.index_cast %add3A_468 : i32 to index
        %get3A_478 = arith.constant 32 : index
        %get3A_479 = tpu.vector_load %arg7[%get3A_477, %get3A_478] {strides = array<i32>} : memref<128x64xf32, #tpu.memory_space<vmem>>, vector<16xf32>,
        tpu.vector_store_idx %arg11[%shift_right_arithmetic3A_19, %and3A_42, %add3A_471], %get3A_479 : memref<8x8x129xf32, #tpu.memory_space<vmem>>[vector<16xi32>, vector<16xi32>, vector<16xi32>], vector<16xf32>,
        %get3A_480 = arith.index_cast %add3A_468 : i32 to index
        %get3A_481 = arith.constant 48 : index
        %get3A_482 = tpu.vector_load %arg7[%get3A_480, %get3A_481] {strides = array<i32>} : memref<128x64xf32, #tpu.memory_space<vmem>>, vector<16xf32>,
        tpu.vector_store_idx %arg11[%shift_right_arithmetic3A_25, %and3A_48, %add3A_471], %get3A_482 : memref<8x8x129xf32, #tpu.memory_space<vmem>>[vector<16xi32>, vector<16xi32>, vector<16xi32>], vector<16xf32>,
        %mul3A_483 = arith.constant 8 : i32
        %mul3A_484 = arith.muli %scan3A_464, %mul3A_483 : i32
        %add3A_485 = arith.constant 1 : i32
        %add3A_486 = arith.addi %mul3A_484, %add3A_485 : i32
        %broadcast_in_dim3A_487 = arith.constant 0 : i32
        %broadcast_in_dim3A_488 = vector.broadcast %broadcast_in_dim3A_487 : i32 to vector<16xi32>
        %add3A_489 = vector.broadcast %add3A_486 : i32 to vector<16xi32>
        %add3A_490 = arith.addi %broadcast_in_dim3A_488, %add3A_489 : vector<16xi32>
        %get3A_491 = arith.index_cast %add3A_486 : i32 to index
        %get3A_492 = arith.constant 0 : index
        %get3A_493 = tpu.vector_load %arg7[%get3A_491, %get3A_492] {strides = array<i32>} : memref<128x64xf32, #tpu.memory_space<vmem>>, vector<16xf32>,
        tpu.vector_store_idx %arg11[%shift_right_arithmetic3A_7, %and3A_30, %add3A_490], %get3A_493 : memref<8x8x129xf32, #tpu.memory_space<vmem>>[vector<16xi32>, vector<16xi32>, vector<16xi32>], vector<16xf32>,
        %get3A_494 = arith.index_cast %add3A_486 : i32 to index
        %get3A_495 = arith.constant 16 : index
        %get3A_496 = tpu.vector_load %arg7[%get3A_494, %get3A_495] {strides = array<i32>} : memref<128x64xf32, #tpu.memory_space<vmem>>, vector<16xf32>,
        tpu.vector_store_idx %arg11[%shift_right_arithmetic3A_13, %and3A_36, %add3A_490], %get3A_496 : memref<8x8x129xf32, #tpu.memory_space<vmem>>[vector<16xi32>, vector<16xi32>, vector<16xi32>], vector<16xf32>,
        %get3A_497 = arith.index_cast %add3A_486 : i32 to index
        %get3A_498 = arith.constant 32 : index
        %get3A_499 = tpu.vector_load %arg7[%get3A_497, %get3A_498] {strides = array<i32>} : memref<128x64xf32, #tpu.memory_space<vmem>>, vector<16xf32>,
        tpu.vector_store_idx %arg11[%shift_right_arithmetic3A_19, %and3A_42, %add3A_490], %get3A_499 : memref<8x8x129xf32, #tpu.memory_space<vmem>>[vector<16xi32>, vector<16xi32>, vector<16xi32>], vector<16xf32>,
        %get3A_500 = arith.index_cast %add3A_486 : i32 to index
        %get3A_501 = arith.constant 48 : index
        %get3A_502 = tpu.vector_load %arg7[%get3A_500, %get3A_501] {strides = array<i32>} : memref<128x64xf32, #tpu.memory_space<vmem>>, vector<16xf32>,
        tpu.vector_store_idx %arg11[%shift_right_arithmetic3A_25, %and3A_48, %add3A_490], %get3A_502 : memref<8x8x129xf32, #tpu.memory_space<vmem>>[vector<16xi32>, vector<16xi32>, vector<16xi32>], vector<16xf32>,
        %mul3A_503 = arith.constant 8 : i32
        %mul3A_504 = arith.muli %scan3A_464, %mul3A_503 : i32
        %add3A_505 = arith.constant 2 : i32
        %add3A_506 = arith.addi %mul3A_504, %add3A_505 : i32
        %broadcast_in_dim3A_507 = arith.constant 0 : i32
        %broadcast_in_dim3A_508 = vector.broadcast %broadcast_in_dim3A_507 : i32 to vector<16xi32>
        %add3A_509 = vector.broadcast %add3A_506 : i32 to vector<16xi32>
        %add3A_510 = arith.addi %broadcast_in_dim3A_508, %add3A_509 : vector<16xi32>
        %get3A_511 = arith.index_cast %add3A_506 : i32 to index
        %get3A_512 = arith.constant 0 : index
        %get3A_513 = tpu.vector_load %arg7[%get3A_511, %get3A_512] {strides = array<i32>} : memref<128x64xf32, #tpu.memory_space<vmem>>, vector<16xf32>,
        tpu.vector_store_idx %arg11[%shift_right_arithmetic3A_7, %and3A_30, %add3A_510], %get3A_513 : memref<8x8x129xf32, #tpu.memory_space<vmem>>[vector<16xi32>, vector<16xi32>, vector<16xi32>], vector<16xf32>,
        %get3A_514 = arith.index_cast %add3A_506 : i32 to index
        %get3A_515 = arith.constant 16 : index
        %get3A_516 = tpu.vector_load %arg7[%get3A_514, %get3A_515] {strides = array<i32>} : memref<128x64xf32, #tpu.memory_space<vmem>>, vector<16xf32>,
        tpu.vector_store_idx %arg11[%shift_right_arithmetic3A_13, %and3A_36, %add3A_510], %get3A_516 : memref<8x8x129xf32, #tpu.memory_space<vmem>>[vector<16xi32>, vector<16xi32>, vector<16xi32>], vector<16xf32>,
        %get3A_517 = arith.index_cast %add3A_506 : i32 to index
        %get3A_518 = arith.constant 32 : index
        %get3A_519 = tpu.vector_load %arg7[%get3A_517, %get3A_518] {strides = array<i32>} : memref<128x64xf32, #tpu.memory_space<vmem>>, vector<16xf32>,
        tpu.vector_store_idx %arg11[%shift_right_arithmetic3A_19, %and3A_42, %add3A_510], %get3A_519 : memref<8x8x129xf32, #tpu.memory_space<vmem>>[vector<16xi32>, vector<16xi32>, vector<16xi32>], vector<16xf32>,
        %get3A_520 = arith.index_cast %add3A_506 : i32 to index
        %get3A_521 = arith.constant 48 : index
        %get3A_522 = tpu.vector_load %arg7[%get3A_520, %get3A_521] {strides = array<i32>} : memref<128x64xf32, #tpu.memory_space<vmem>>, vector<16xf32>,
        tpu.vector_store_idx %arg11[%shift_right_arithmetic3A_25, %and3A_48, %add3A_510], %get3A_522 : memref<8x8x129xf32, #tpu.memory_space<vmem>>[vector<16xi32>, vector<16xi32>, vector<16xi32>], vector<16xf32>,
        %mul3A_523 = arith.constant 8 : i32
        %mul3A_524 = arith.muli %scan3A_464, %mul3A_523 : i32
        %add3A_525 = arith.constant 3 : i32
        %add3A_526 = arith.addi %mul3A_524, %add3A_525 : i32
        %broadcast_in_dim3A_527 = arith.constant 0 : i32
        %broadcast_in_dim3A_528 = vector.broadcast %broadcast_in_dim3A_527 : i32 to vector<16xi32>
        %add3A_529 = vector.broadcast %add3A_526 : i32 to vector<16xi32>
        %add3A_530 = arith.addi %broadcast_in_dim3A_528, %add3A_529 : vector<16xi32>
        %get3A_531 = arith.index_cast %add3A_526 : i32 to index
        %get3A_532 = arith.constant 0 : index
        %get3A_533 = tpu.vector_load %arg7[%get3A_531, %get3A_532] {strides = array<i32>} : memref<128x64xf32, #tpu.memory_space<vmem>>, vector<16xf32>,
        tpu.vector_store_idx %arg11[%shift_right_arithmetic3A_7, %and3A_30, %add3A_530], %get3A_533 : memref<8x8x129xf32, #tpu.memory_space<vmem>>[vector<16xi32>, vector<16xi32>, vector<16xi32>], vector<16xf32>,
        %get3A_534 = arith.index_cast %add3A_526 : i32 to index
        %get3A_535 = arith.constant 16 : index
        %get3A_536 = tpu.vector_load %arg7[%get3A_534, %get3A_535] {strides = array<i32>} : memref<128x64xf32, #tpu.memory_space<vmem>>, vector<16xf32>,
        tpu.vector_store_idx %arg11[%shift_right_arithmetic3A_13, %and3A_36, %add3A_530], %get3A_536 : memref<8x8x129xf32, #tpu.memory_space<vmem>>[vector<16xi32>, vector<16xi32>, vector<16xi32>], vector<16xf32>,
        %get3A_537 = arith.index_cast %add3A_526 : i32 to index
        %get3A_538 = arith.constant 32 : index
        %get3A_539 = tpu.vector_load %arg7[%get3A_537, %get3A_538] {strides = array<i32>} : memref<128x64xf32, #tpu.memory_space<vmem>>, vector<16xf32>,
        tpu.vector_store_idx %arg11[%shift_right_arithmetic3A_19, %and3A_42, %add3A_530], %get3A_539 : memref<8x8x129xf32, #tpu.memory_space<vmem>>[vector<16xi32>, vector<16xi32>, vector<16xi32>], vector<16xf32>,
        %get3A_540 = arith.index_cast %add3A_526 : i32 to index
        %get3A_541 = arith.constant 48 : index
        %get3A_542 = tpu.vector_load %arg7[%get3A_540, %get3A_541] {strides = array<i32>} : memref<128x64xf32, #tpu.memory_space<vmem>>, vector<16xf32>,
        tpu.vector_store_idx %arg11[%shift_right_arithmetic3A_25, %and3A_48, %add3A_530], %get3A_542 : memref<8x8x129xf32, #tpu.memory_space<vmem>>[vector<16xi32>, vector<16xi32>, vector<16xi32>], vector<16xf32>,
        %mul3A_543 = arith.constant 8 : i32
        %mul3A_544 = arith.muli %scan3A_464, %mul3A_543 : i32
        %add3A_545 = arith.constant 4 : i32
        %add3A_546 = arith.addi %mul3A_544, %add3A_545 : i32
        %broadcast_in_dim3A_547 = arith.constant 0 : i32
        %broadcast_in_dim3A_548 = vector.broadcast %broadcast_in_dim3A_547 : i32 to vector<16xi32>
        %add3A_549 = vector.broadcast %add3A_546 : i32 to vector<16xi32>
        %add3A_550 = arith.addi %broadcast_in_dim3A_548, %add3A_549 : vector<16xi32>
        %get3A_551 = arith.index_cast %add3A_546 : i32 to index
        %get3A_552 = arith.constant 0 : index
        %get3A_553 = tpu.vector_load %arg7[%get3A_551, %get3A_552] {strides = array<i32>} : memref<128x64xf32, #tpu.memory_space<vmem>>, vector<16xf32>,
        tpu.vector_store_idx %arg11[%shift_right_arithmetic3A_7, %and3A_30, %add3A_550], %get3A_553 : memref<8x8x129xf32, #tpu.memory_space<vmem>>[vector<16xi32>, vector<16xi32>, vector<16xi32>], vector<16xf32>,
        %get3A_554 = arith.index_cast %add3A_546 : i32 to index
        %get3A_555 = arith.constant 16 : index
        %get3A_556 = tpu.vector_load %arg7[%get3A_554, %get3A_555] {strides = array<i32>} : memref<128x64xf32, #tpu.memory_space<vmem>>, vector<16xf32>,
        tpu.vector_store_idx %arg11[%shift_right_arithmetic3A_13, %and3A_36, %add3A_550], %get3A_556 : memref<8x8x129xf32, #tpu.memory_space<vmem>>[vector<16xi32>, vector<16xi32>, vector<16xi32>], vector<16xf32>,
        %get3A_557 = arith.index_cast %add3A_546 : i32 to index
        %get3A_558 = arith.constant 32 : index
        %get3A_559 = tpu.vector_load %arg7[%get3A_557, %get3A_558] {strides = array<i32>} : memref<128x64xf32, #tpu.memory_space<vmem>>, vector<16xf32>,
        tpu.vector_store_idx %arg11[%shift_right_arithmetic3A_19, %and3A_42, %add3A_550], %get3A_559 : memref<8x8x129xf32, #tpu.memory_space<vmem>>[vector<16xi32>, vector<16xi32>, vector<16xi32>], vector<16xf32>,
        %get3A_560 = arith.index_cast %add3A_546 : i32 to index
        %get3A_561 = arith.constant 48 : index
        %get3A_562 = tpu.vector_load %arg7[%get3A_560, %get3A_561] {strides = array<i32>} : memref<128x64xf32, #tpu.memory_space<vmem>>, vector<16xf32>,
        tpu.vector_store_idx %arg11[%shift_right_arithmetic3A_25, %and3A_48, %add3A_550], %get3A_562 : memref<8x8x129xf32, #tpu.memory_space<vmem>>[vector<16xi32>, vector<16xi32>, vector<16xi32>], vector<16xf32>,
        %mul3A_563 = arith.constant 8 : i32
        %mul3A_564 = arith.muli %scan3A_464, %mul3A_563 : i32
        %add3A_565 = arith.constant 5 : i32
        %add3A_566 = arith.addi %mul3A_564, %add3A_565 : i32
        %broadcast_in_dim3A_567 = arith.constant 0 : i32
        %broadcast_in_dim3A_568 = vector.broadcast %broadcast_in_dim3A_567 : i32 to vector<16xi32>
        %add3A_569 = vector.broadcast %add3A_566 : i32 to vector<16xi32>
        %add3A_570 = arith.addi %broadcast_in_dim3A_568, %add3A_569 : vector<16xi32>
        %get3A_571 = arith.index_cast %add3A_566 : i32 to index
        %get3A_572 = arith.constant 0 : index
        %get3A_573 = tpu.vector_load %arg7[%get3A_571, %get3A_572] {strides = array<i32>} : memref<128x64xf32, #tpu.memory_space<vmem>>, vector<16xf32>,
        tpu.vector_store_idx %arg11[%shift_right_arithmetic3A_7, %and3A_30, %add3A_570], %get3A_573 : memref<8x8x129xf32, #tpu.memory_space<vmem>>[vector<16xi32>, vector<16xi32>, vector<16xi32>], vector<16xf32>,
        %get3A_574 = arith.index_cast %add3A_566 : i32 to index
        %get3A_575 = arith.constant 16 : index
        %get3A_576 = tpu.vector_load %arg7[%get3A_574, %get3A_575] {strides = array<i32>} : memref<128x64xf32, #tpu.memory_space<vmem>>, vector<16xf32>,
        tpu.vector_store_idx %arg11[%shift_right_arithmetic3A_13, %and3A_36, %add3A_570], %get3A_576 : memref<8x8x129xf32, #tpu.memory_space<vmem>>[vector<16xi32>, vector<16xi32>, vector<16xi32>], vector<16xf32>,
        %get3A_577 = arith.index_cast %add3A_566 : i32 to index
        %get3A_578 = arith.constant 32 : index
        %get3A_579 = tpu.vector_load %arg7[%get3A_577, %get3A_578] {strides = array<i32>} : memref<128x64xf32, #tpu.memory_space<vmem>>, vector<16xf32>,
        tpu.vector_store_idx %arg11[%shift_right_arithmetic3A_19, %and3A_42, %add3A_570], %get3A_579 : memref<8x8x129xf32, #tpu.memory_space<vmem>>[vector<16xi32>, vector<16xi32>, vector<16xi32>], vector<16xf32>,
        %get3A_580 = arith.index_cast %add3A_566 : i32 to index
        %get3A_581 = arith.constant 48 : index
        %get3A_582 = tpu.vector_load %arg7[%get3A_580, %get3A_581] {strides = array<i32>} : memref<128x64xf32, #tpu.memory_space<vmem>>, vector<16xf32>,
        tpu.vector_store_idx %arg11[%shift_right_arithmetic3A_25, %and3A_48, %add3A_570], %get3A_582 : memref<8x8x129xf32, #tpu.memory_space<vmem>>[vector<16xi32>, vector<16xi32>, vector<16xi32>], vector<16xf32>,
        %mul3A_583 = arith.constant 8 : i32
        %mul3A_584 = arith.muli %scan3A_464, %mul3A_583 : i32
        %add3A_585 = arith.constant 6 : i32
        %add3A_586 = arith.addi %mul3A_584, %add3A_585 : i32
        %broadcast_in_dim3A_587 = arith.constant 0 : i32
        %broadcast_in_dim3A_588 = vector.broadcast %broadcast_in_dim3A_587 : i32 to vector<16xi32>
        %add3A_589 = vector.broadcast %add3A_586 : i32 to vector<16xi32>
        %add3A_590 = arith.addi %broadcast_in_dim3A_588, %add3A_589 : vector<16xi32>
        %get3A_591 = arith.index_cast %add3A_586 : i32 to index
        %get3A_592 = arith.constant 0 : index
        %get3A_593 = tpu.vector_load %arg7[%get3A_591, %get3A_592] {strides = array<i32>} : memref<128x64xf32, #tpu.memory_space<vmem>>, vector<16xf32>,
        tpu.vector_store_idx %arg11[%shift_right_arithmetic3A_7, %and3A_30, %add3A_590], %get3A_593 : memref<8x8x129xf32, #tpu.memory_space<vmem>>[vector<16xi32>, vector<16xi32>, vector<16xi32>], vector<16xf32>,
        %get3A_594 = arith.index_cast %add3A_586 : i32 to index
        %get3A_595 = arith.constant 16 : index
        %get3A_596 = tpu.vector_load %arg7[%get3A_594, %get3A_595] {strides = array<i32>} : memref<128x64xf32, #tpu.memory_space<vmem>>, vector<16xf32>,
        tpu.vector_store_idx %arg11[%shift_right_arithmetic3A_13, %and3A_36, %add3A_590], %get3A_596 : memref<8x8x129xf32, #tpu.memory_space<vmem>>[vector<16xi32>, vector<16xi32>, vector<16xi32>], vector<16xf32>,
        %get3A_597 = arith.index_cast %add3A_586 : i32 to index
        %get3A_598 = arith.constant 32 : index
        %get3A_599 = tpu.vector_load %arg7[%get3A_597, %get3A_598] {strides = array<i32>} : memref<128x64xf32, #tpu.memory_space<vmem>>, vector<16xf32>,
        tpu.vector_store_idx %arg11[%shift_right_arithmetic3A_19, %and3A_42, %add3A_590], %get3A_599 : memref<8x8x129xf32, #tpu.memory_space<vmem>>[vector<16xi32>, vector<16xi32>, vector<16xi32>], vector<16xf32>,
        %get3A_600 = arith.index_cast %add3A_586 : i32 to index
        %get3A_601 = arith.constant 48 : index
        %get3A_602 = tpu.vector_load %arg7[%get3A_600, %get3A_601] {strides = array<i32>} : memref<128x64xf32, #tpu.memory_space<vmem>>, vector<16xf32>,
        tpu.vector_store_idx %arg11[%shift_right_arithmetic3A_25, %and3A_48, %add3A_590], %get3A_602 : memref<8x8x129xf32, #tpu.memory_space<vmem>>[vector<16xi32>, vector<16xi32>, vector<16xi32>], vector<16xf32>,
        %mul3A_603 = arith.constant 8 : i32
        %mul3A_604 = arith.muli %scan3A_464, %mul3A_603 : i32
        %add3A_605 = arith.constant 7 : i32
        %add3A_606 = arith.addi %mul3A_604, %add3A_605 : i32
        %broadcast_in_dim3A_607 = arith.constant 0 : i32
        %broadcast_in_dim3A_608 = vector.broadcast %broadcast_in_dim3A_607 : i32 to vector<16xi32>
        %add3A_609 = vector.broadcast %add3A_606 : i32 to vector<16xi32>
        %add3A_610 = arith.addi %broadcast_in_dim3A_608, %add3A_609 : vector<16xi32>
        %get3A_611 = arith.index_cast %add3A_606 : i32 to index
        %get3A_612 = arith.constant 0 : index
        %get3A_613 = tpu.vector_load %arg7[%get3A_611, %get3A_612] {strides = array<i32>} : memref<128x64xf32, #tpu.memory_space<vmem>>, vector<16xf32>,
        tpu.vector_store_idx %arg11[%shift_right_arithmetic3A_7, %and3A_30, %add3A_610], %get3A_613 : memref<8x8x129xf32, #tpu.memory_space<vmem>>[vector<16xi32>, vector<16xi32>, vector<16xi32>], vector<16xf32>,
        %get3A_614 = arith.index_cast %add3A_606 : i32 to index
        %get3A_615 = arith.constant 16 : index
        %get3A_616 = tpu.vector_load %arg7[%get3A_614, %get3A_615] {strides = array<i32>} : memref<128x64xf32, #tpu.memory_space<vmem>>, vector<16xf32>,
        tpu.vector_store_idx %arg11[%shift_right_arithmetic3A_13, %and3A_36, %add3A_610], %get3A_616 : memref<8x8x129xf32, #tpu.memory_space<vmem>>[vector<16xi32>, vector<16xi32>, vector<16xi32>], vector<16xf32>,
        %get3A_617 = arith.index_cast %add3A_606 : i32 to index
        %get3A_618 = arith.constant 32 : index
        %get3A_619 = tpu.vector_load %arg7[%get3A_617, %get3A_618] {strides = array<i32>} : memref<128x64xf32, #tpu.memory_space<vmem>>, vector<16xf32>,
        tpu.vector_store_idx %arg11[%shift_right_arithmetic3A_19, %and3A_42, %add3A_610], %get3A_619 : memref<8x8x129xf32, #tpu.memory_space<vmem>>[vector<16xi32>, vector<16xi32>, vector<16xi32>], vector<16xf32>,
        %get3A_620 = arith.index_cast %add3A_606 : i32 to index
        %get3A_621 = arith.constant 48 : index
        %get3A_622 = tpu.vector_load %arg7[%get3A_620, %get3A_621] {strides = array<i32>} : memref<128x64xf32, #tpu.memory_space<vmem>>, vector<16xf32>,
        tpu.vector_store_idx %arg11[%shift_right_arithmetic3A_25, %and3A_48, %add3A_610], %get3A_622 : memref<8x8x129xf32, #tpu.memory_space<vmem>>[vector<16xi32>, vector<16xi32>, vector<16xi32>], vector<16xf32>,
      }
      %scan3A_222 = arith.constant 16 : i32
      %add3A_223 = arith.addi %mul3A_2, %add3A_210 : i32
      %jit3A_224 = arith.constant 128 : i32
      %div3A_225 = arith.divsi %add3A_223, %jit3A_224 : i32
      %sign3A_226 = arith.constant 0 : i32
      %sign3A_227 = arith.cmpi sgt, %add3A_223, %sign3A_226 : i32
      %sign3A_228 = arith.extui %sign3A_227 : i1 to i32
      %sign3A_229 = arith.constant 0 : i32
      %sign3A_230 = arith.cmpi slt, %add3A_223, %sign3A_229 : i32
      %sign3A_231 = arith.extui %sign3A_230 : i1 to i32
      %sign3A_232 = arith.subi %sign3A_228, %sign3A_231 : i32
      %sign3A_233 = arith.constant 0 : i32
      %sign3A_234 = arith.cmpi sgt, %jit3A_224, %sign3A_233 : i32
      %sign3A_235 = arith.extui %sign3A_234 : i1 to i32
      %sign3A_236 = arith.constant 0 : i32
      %sign3A_237 = arith.cmpi slt, %jit3A_224, %sign3A_236 : i32
      %sign3A_238 = arith.extui %sign3A_237 : i1 to i32
      %sign3A_239 = arith.subi %sign3A_235, %sign3A_238 : i32
      %ne3A_240 = arith.cmpi ne, %sign3A_232, %sign3A_239 : i32
      %rem3A_241 = arith.remsi %add3A_223, %jit3A_224 : i32
      %ne3A_242 = arith.constant 0 : i32
      %ne3A_243 = arith.cmpi ne, %rem3A_241, %ne3A_242 : i32
      %and3A_244 = arith.andi %ne3A_240, %ne3A_243 : i1
      %sub3A_245 = arith.constant 1 : i32
      %sub3A_246 = arith.subi %div3A_225, %sub3A_245 : i32
      %select_n3A_247 = arith.select %and3A_244, %sub3A_246, %div3A_225 : i32
      %jit3A_248 = arith.constant 128 : i32
      %eq3A_249 = arith.constant 0 : i32
      %eq3A_250 = arith.cmpi eq, %jit3A_248, %eq3A_249 : i32
      %jit3A_251 = arith.constant 1 : i32
      %select_n3A_252 = arith.select %eq3A_250, %jit3A_251, %jit3A_248 : i32
      %rem3A_253 = arith.remsi %add3A_223, %select_n3A_252 : i32
      %ne3A_254 = arith.constant 0 : i32
      %ne3A_255 = arith.cmpi ne, %rem3A_253, %ne3A_254 : i32
      %lt3A_256 = arith.constant 0 : i32
      %lt3A_257 = arith.cmpi slt, %rem3A_253, %lt3A_256 : i32
      %lt3A_258 = arith.constant 0 : i32
      %lt3A_259 = arith.cmpi slt, %select_n3A_252, %lt3A_258 : i32
      %ne3A_260 = arith.xori %lt3A_257, %lt3A_259 : i1
      %and3A_261 = arith.andi %ne3A_260, %ne3A_255 : i1
      %add3A_262 = arith.addi %rem3A_253, %select_n3A_252 : i32
      %select_n3A_263 = arith.select %and3A_261, %add3A_262, %rem3A_253 : i32
      %dma_start3A_264 = arith.constant 0 : i32
      %dma_start3A_265 = arith.constant 0 : i32
      %dma_start3A_266 = arith.constant 0 : i32
      %dma_start3A_267 = tpu.memref_slice %arg11[%dma_start3A_264, %dma_start3A_265, %dma_start3A_266] : memref<8x8x129xf32, #tpu.memory_space<vmem>> -> memref<8x8x128xf32, #tpu.memory_space<vmem>>
      %dma_start3A_268 = arith.constant 0 : i32
      %dma_start3A_269 = arith.constant 0 : i32
      %dma_start3A_270 = arith.constant 0 : i32
      %dma_start3A_271 = tpu.memref_slice %arg4[%select_n3A_247, %dma_start3A_268, %select_n3A_263, %dma_start3A_269, %dma_start3A_270] : memref<50x8x128x8x128xf32, #tpu.memory_space<hbm>> -> memref<1x8x1x8x128xf32, #tpu.memory_space<hbm>>
      %dma_start3A_272 = tpu.memref_squeeze %dma_start3A_271 : memref<1x8x1x8x128xf32, #tpu.memory_space<hbm>> -> memref<8x8x128xf32, #tpu.memory_space<hbm>>
      %dma_start3A_273 = arith.constant 0 : i32
      %dma_start3A_274 = arith.constant 0 : i32
      %dma_start3A_275 = arith.constant 0 : i32
      %dma_start3A_276 = tpu.memref_slice %arg4[%select_n3A_247, %dma_start3A_273, %select_n3A_263, %dma_start3A_274, %dma_start3A_275] : memref<50x8x128x8x128xf32, #tpu.memory_space<hbm>> -> memref<1x8x1x8x128xf32, #tpu.memory_space<hbm>>
      %dma_start3A_277 = tpu.memref_squeeze %dma_start3A_276 : memref<1x8x1x8x128xf32, #tpu.memory_space<hbm>> -> memref<8x8x128xf32, #tpu.memory_space<hbm>>
      %dma_start3A_278 = arith.constant 0 : i32
      %dma_start3A_279 = arith.constant 0 : i32
      %dma_start3A_280 = arith.constant 0 : i32
      %dma_start3A_281 = tpu.memref_slice %arg11[%dma_start3A_278, %dma_start3A_279, %dma_start3A_280] : memref<8x8x129xf32, #tpu.memory_space<vmem>> -> memref<8x8x128xf32, #tpu.memory_space<vmem>>
      tpu.enqueue_dma source(%dma_start3A_281 : memref<8x8x128xf32, #tpu.memory_space<vmem>>) target(%dma_start3A_277 : memref<8x8x128xf32, #tpu.memory_space<hbm>>) target_semaphore(%arg19 : memref<!tpu.dma_semaphore, #tpu.memory_space<semaphore_mem>>)
      %ge3A_282 = arith.constant 1 : i32
      %ge3A_283 = arith.cmpi sge, %add3A_210, %ge3A_282 : i32
      %convert_element_type3A_284 = arith.extui %ge3A_283 : i1 to i32
      %cond3A_285 = arith.constant 0 : i32
      %cond3A_286 = arith.cmpi ne, %convert_element_type3A_284, %cond3A_285 : i32
      scf.if %cond3A_286 {
        %sub3A_464 = arith.constant 1 : i32
        %sub3A_465 = arith.subi %add3A_210, %sub3A_464 : i32
        %add3A_466 = arith.addi %mul3A_2, %sub3A_465 : i32
        %jit3A_467 = arith.constant 128 : i32
        %div3A_468 = arith.divsi %add3A_466, %jit3A_467 : i32
        %sign3A_469 = arith.constant 0 : i32
        %sign3A_470 = arith.cmpi sgt, %add3A_466, %sign3A_469 : i32
        %sign3A_471 = arith.extui %sign3A_470 : i1 to i32
        %sign3A_472 = arith.constant 0 : i32
        %sign3A_473 = arith.cmpi slt, %add3A_466, %sign3A_472 : i32
        %sign3A_474 = arith.extui %sign3A_473 : i1 to i32
        %sign3A_475 = arith.subi %sign3A_471, %sign3A_474 : i32
        %sign3A_476 = arith.constant 0 : i32
        %sign3A_477 = arith.cmpi sgt, %jit3A_467, %sign3A_476 : i32
        %sign3A_478 = arith.extui %sign3A_477 : i1 to i32
        %sign3A_479 = arith.constant 0 : i32
        %sign3A_480 = arith.cmpi slt, %jit3A_467, %sign3A_479 : i32
        %sign3A_481 = arith.extui %sign3A_480 : i1 to i32
        %sign3A_482 = arith.subi %sign3A_478, %sign3A_481 : i32
        %ne3A_483 = arith.cmpi ne, %sign3A_475, %sign3A_482 : i32
        %rem3A_484 = arith.remsi %add3A_466, %jit3A_467 : i32
        %ne3A_485 = arith.constant 0 : i32
        %ne3A_486 = arith.cmpi ne, %rem3A_484, %ne3A_485 : i32
        %and3A_487 = arith.andi %ne3A_483, %ne3A_486 : i1
        %sub3A_488 = arith.constant 1 : i32
        %sub3A_489 = arith.subi %div3A_468, %sub3A_488 : i32
        %select_n3A_490 = arith.select %and3A_487, %sub3A_489, %div3A_468 : i32
        %jit3A_491 = arith.constant 128 : i32
        %eq3A_492 = arith.constant 0 : i32
        %eq3A_493 = arith.cmpi eq, %jit3A_491, %eq3A_492 : i32
        %jit3A_494 = arith.constant 1 : i32
        %select_n3A_495 = arith.select %eq3A_493, %jit3A_494, %jit3A_491 : i32
        %rem3A_496 = arith.remsi %add3A_466, %select_n3A_495 : i32
        %ne3A_497 = arith.constant 0 : i32
        %ne3A_498 = arith.cmpi ne, %rem3A_496, %ne3A_497 : i32
        %lt3A_499 = arith.constant 0 : i32
        %lt3A_500 = arith.cmpi slt, %rem3A_496, %lt3A_499 : i32
        %lt3A_501 = arith.constant 0 : i32
        %lt3A_502 = arith.cmpi slt, %select_n3A_495, %lt3A_501 : i32
        %ne3A_503 = arith.xori %lt3A_500, %lt3A_502 : i1
        %and3A_504 = arith.andi %ne3A_503, %ne3A_498 : i1
        %add3A_505 = arith.addi %rem3A_496, %select_n3A_495 : i32
        %select_n3A_506 = arith.select %and3A_504, %add3A_505, %rem3A_496 : i32
        %dma_wait3A_507 = arith.constant 0 : i32
        %dma_wait3A_508 = arith.constant 0 : i32
        %dma_wait3A_509 = arith.constant 0 : i32
        %dma_wait3A_510 = tpu.memref_slice %arg10[%dma_wait3A_507, %dma_wait3A_508, %dma_wait3A_509] : memref<8x8x129xf32, #tpu.memory_space<vmem>> -> memref<8x8x128xf32, #tpu.memory_space<vmem>>
        %dma_wait3A_511 = arith.constant 0 : i32
        %dma_wait3A_512 = arith.constant 0 : i32
        %dma_wait3A_513 = arith.constant 0 : i32
        %dma_wait3A_514 = tpu.memref_slice %arg4[%select_n3A_490, %dma_wait3A_511, %select_n3A_506, %dma_wait3A_512, %dma_wait3A_513] : memref<50x8x128x8x128xf32, #tpu.memory_space<hbm>> -> memref<1x8x1x8x128xf32, #tpu.memory_space<hbm>>
        %dma_wait3A_515 = tpu.memref_squeeze %dma_wait3A_514 : memref<1x8x1x8x128xf32, #tpu.memory_space<hbm>> -> memref<8x8x128xf32, #tpu.memory_space<hbm>>
        %dma_wait3A_516 = arith.constant 0 : i32
        %dma_wait3A_517 = arith.constant 0 : i32
        %dma_wait3A_518 = arith.constant 0 : i32
        %dma_wait3A_519 = tpu.memref_slice %arg4[%select_n3A_490, %dma_wait3A_516, %select_n3A_506, %dma_wait3A_517, %dma_wait3A_518] : memref<50x8x128x8x128xf32, #tpu.memory_space<hbm>> -> memref<1x8x1x8x128xf32, #tpu.memory_space<hbm>>
        %dma_wait3A_520 = tpu.memref_squeeze %dma_wait3A_519 : memref<1x8x1x8x128xf32, #tpu.memory_space<hbm>> -> memref<8x8x128xf32, #tpu.memory_space<hbm>>
        %dma_wait3A_521 = arith.constant 0 : i32
        %dma_wait3A_522 = arith.constant 0 : i32
        %dma_wait3A_523 = arith.constant 0 : i32
        %dma_wait3A_524 = tpu.memref_slice %arg10[%dma_wait3A_521, %dma_wait3A_522, %dma_wait3A_523] : memref<8x8x129xf32, #tpu.memory_space<vmem>> -> memref<8x8x128xf32, #tpu.memory_space<vmem>>
        tpu.wait_dma2 semaphore(%arg18 : memref<!tpu.dma_semaphore, #tpu.memory_space<semaphore_mem>>) src(%dma_wait3A_524 : memref<8x8x128xf32, #tpu.memory_space<vmem>>) dst(%dma_wait3A_520 : memref<8x8x128xf32, #tpu.memory_space<hbm>>)
      } else {
      }
      %add3A_287 = arith.constant 3 : i32
      %add3A_288 = arith.addi %add3A_210, %add3A_287 : i32
      %lt3A_289 = arith.constant 200 : i32
      %lt3A_290 = arith.cmpi slt, %add3A_288, %lt3A_289 : i32
      %convert_element_type3A_291 = arith.extui %lt3A_290 : i1 to i32
      %cond3A_292 = arith.constant 0 : i32
      %cond3A_293 = arith.cmpi ne, %convert_element_type3A_291, %cond3A_292 : i32
      scf.if %cond3A_293 {
        %add3A_464 = arith.constant 3 : i32
        %add3A_465 = arith.addi %add3A_210, %add3A_464 : i32
        %dma_start3A_466 = arith.constant 0 : i32
        %dma_start3A_467 = tpu.memref_slice %arg5[%add3A_465, %dma_start3A_466] : memref<200x128xi32, #tpu.memory_space<vmem>> -> memref<1x128xi32, #tpu.memory_space<vmem>>
        %dma_start3A_468 = tpu.memref_squeeze %dma_start3A_467 : memref<1x128xi32, #tpu.memory_space<vmem>> -> memref<128xi32, #tpu.memory_space<vmem>>
        %dma_start3A_469 = arith.constant 0 : i32
        %dma_start3A_470 = arith.constant 0 : i32
        %dma_start3A_471 = tpu.memref_slice %arg2[%dma_start3A_469, %dma_start3A_470] : memref<1000000x64xf32, #tpu.memory_space<hbm>> -> memref<1000000x64xf32, #tpu.memory_space<hbm>>
        tpu.enqueue_indirect_dma source(%dma_start3A_471 : memref<1000000x64xf32, #tpu.memory_space<hbm>>) target(%arg6 : memref<128x64xf32, #tpu.memory_space<vmem>>) offsets(%dma_start3A_468 : memref<128xi32, #tpu.memory_space<vmem>>) semaphore(%arg14 : memref<!tpu.dma_semaphore, #tpu.memory_space<semaphore_mem>>)
      } else {
      }
      %add3A_294 = arith.constant 2 : i32
      %add3A_295 = arith.addi %mul3A_126, %add3A_294 : i32
      %dma_wait3A_296 = arith.constant 0 : i32
      %dma_wait3A_297 = tpu.memref_slice %arg5[%add3A_295, %dma_wait3A_296] : memref<200x128xi32, #tpu.memory_space<vmem>> -> memref<1x128xi32, #tpu.memory_space<vmem>>
      %dma_wait3A_298 = tpu.memref_squeeze %dma_wait3A_297 : memref<1x128xi32, #tpu.memory_space<vmem>> -> memref<128xi32, #tpu.memory_space<vmem>>
      %dma_wait3A_299 = arith.constant 0 : i32
      %dma_wait3A_300 = arith.constant 0 : i32
      %dma_wait3A_301 = tpu.memref_slice %arg2[%dma_wait3A_299, %dma_wait3A_300] : memref<1000000x64xf32, #tpu.memory_space<hbm>> -> memref<1000000x64xf32, #tpu.memory_space<hbm>>
      tpu.wait_indirect_dma semaphore(%arg16 : memref<!tpu.dma_semaphore, #tpu.memory_space<semaphore_mem>>) src(%dma_wait3A_301 : memref<1000000x64xf32, #tpu.memory_space<hbm>>) dst(%arg8 : memref<128x64xf32, #tpu.memory_space<vmem>>)
      %scan3A_302 = arith.constant 0 : i32
      %scan3A_303 = arith.constant 0 : i32
      %scan3A_304 = arith.constant 16 : i32
      %scan3A_305 = arith.addi %scan3A_303, %scan3A_304 : i32
      %scan3A_306 = arith.constant 1 : i32
      scf.for %scan3A_464 = %scan3A_303 to %scan3A_305 step %scan3A_306  : i32 {
        %mul3A_465 = arith.constant 8 : i32
        %mul3A_466 = arith.muli %scan3A_464, %mul3A_465 : i32
        %add3A_467 = arith.constant 0 : i32
        %add3A_468 = arith.addi %mul3A_466, %add3A_467 : i32
        %broadcast_in_dim3A = arith.constant 0 : i32
        %broadcast_in_dim3A_469 = vector.broadcast %broadcast_in_dim3A : i32 to vector<16xi32>
        %add3A_470 = vector.broadcast %add3A_468 : i32 to vector<16xi32>
        %add3A_471 = arith.addi %broadcast_in_dim3A_469, %add3A_470 : vector<16xi32>
        %get3A = arith.index_cast %add3A_468 : i32 to index
        %get3A_472 = arith.constant 0 : index
        %get3A_473 = tpu.vector_load %arg8[%get3A, %get3A_472] {strides = array<i32>} : memref<128x64xf32, #tpu.memory_space<vmem>>, vector<16xf32>,
        tpu.vector_store_idx %arg12[%shift_right_arithmetic3A_7, %and3A_30, %add3A_471], %get3A_473 : memref<8x8x129xf32, #tpu.memory_space<vmem>>[vector<16xi32>, vector<16xi32>, vector<16xi32>], vector<16xf32>,
        %get3A_474 = arith.index_cast %add3A_468 : i32 to index
        %get3A_475 = arith.constant 16 : index
        %get3A_476 = tpu.vector_load %arg8[%get3A_474, %get3A_475] {strides = array<i32>} : memref<128x64xf32, #tpu.memory_space<vmem>>, vector<16xf32>,
        tpu.vector_store_idx %arg12[%shift_right_arithmetic3A_13, %and3A_36, %add3A_471], %get3A_476 : memref<8x8x129xf32, #tpu.memory_space<vmem>>[vector<16xi32>, vector<16xi32>, vector<16xi32>], vector<16xf32>,
        %get3A_477 = arith.index_cast %add3A_468 : i32 to index
        %get3A_478 = arith.constant 32 : index
        %get3A_479 = tpu.vector_load %arg8[%get3A_477, %get3A_478] {strides = array<i32>} : memref<128x64xf32, #tpu.memory_space<vmem>>, vector<16xf32>,
        tpu.vector_store_idx %arg12[%shift_right_arithmetic3A_19, %and3A_42, %add3A_471], %get3A_479 : memref<8x8x129xf32, #tpu.memory_space<vmem>>[vector<16xi32>, vector<16xi32>, vector<16xi32>], vector<16xf32>,
        %get3A_480 = arith.index_cast %add3A_468 : i32 to index
        %get3A_481 = arith.constant 48 : index
        %get3A_482 = tpu.vector_load %arg8[%get3A_480, %get3A_481] {strides = array<i32>} : memref<128x64xf32, #tpu.memory_space<vmem>>, vector<16xf32>,
        tpu.vector_store_idx %arg12[%shift_right_arithmetic3A_25, %and3A_48, %add3A_471], %get3A_482 : memref<8x8x129xf32, #tpu.memory_space<vmem>>[vector<16xi32>, vector<16xi32>, vector<16xi32>], vector<16xf32>,
        %mul3A_483 = arith.constant 8 : i32
        %mul3A_484 = arith.muli %scan3A_464, %mul3A_483 : i32
        %add3A_485 = arith.constant 1 : i32
        %add3A_486 = arith.addi %mul3A_484, %add3A_485 : i32
        %broadcast_in_dim3A_487 = arith.constant 0 : i32
        %broadcast_in_dim3A_488 = vector.broadcast %broadcast_in_dim3A_487 : i32 to vector<16xi32>
        %add3A_489 = vector.broadcast %add3A_486 : i32 to vector<16xi32>
        %add3A_490 = arith.addi %broadcast_in_dim3A_488, %add3A_489 : vector<16xi32>
        %get3A_491 = arith.index_cast %add3A_486 : i32 to index
        %get3A_492 = arith.constant 0 : index
        %get3A_493 = tpu.vector_load %arg8[%get3A_491, %get3A_492] {strides = array<i32>} : memref<128x64xf32, #tpu.memory_space<vmem>>, vector<16xf32>,
        tpu.vector_store_idx %arg12[%shift_right_arithmetic3A_7, %and3A_30, %add3A_490], %get3A_493 : memref<8x8x129xf32, #tpu.memory_space<vmem>>[vector<16xi32>, vector<16xi32>, vector<16xi32>], vector<16xf32>,
        %get3A_494 = arith.index_cast %add3A_486 : i32 to index
        %get3A_495 = arith.constant 16 : index
        %get3A_496 = tpu.vector_load %arg8[%get3A_494, %get3A_495] {strides = array<i32>} : memref<128x64xf32, #tpu.memory_space<vmem>>, vector<16xf32>,
        tpu.vector_store_idx %arg12[%shift_right_arithmetic3A_13, %and3A_36, %add3A_490], %get3A_496 : memref<8x8x129xf32, #tpu.memory_space<vmem>>[vector<16xi32>, vector<16xi32>, vector<16xi32>], vector<16xf32>,
        %get3A_497 = arith.index_cast %add3A_486 : i32 to index
        %get3A_498 = arith.constant 32 : index
        %get3A_499 = tpu.vector_load %arg8[%get3A_497, %get3A_498] {strides = array<i32>} : memref<128x64xf32, #tpu.memory_space<vmem>>, vector<16xf32>,
        tpu.vector_store_idx %arg12[%shift_right_arithmetic3A_19, %and3A_42, %add3A_490], %get3A_499 : memref<8x8x129xf32, #tpu.memory_space<vmem>>[vector<16xi32>, vector<16xi32>, vector<16xi32>], vector<16xf32>,
        %get3A_500 = arith.index_cast %add3A_486 : i32 to index
        %get3A_501 = arith.constant 48 : index
        %get3A_502 = tpu.vector_load %arg8[%get3A_500, %get3A_501] {strides = array<i32>} : memref<128x64xf32, #tpu.memory_space<vmem>>, vector<16xf32>,
        tpu.vector_store_idx %arg12[%shift_right_arithmetic3A_25, %and3A_48, %add3A_490], %get3A_502 : memref<8x8x129xf32, #tpu.memory_space<vmem>>[vector<16xi32>, vector<16xi32>, vector<16xi32>], vector<16xf32>,
        %mul3A_503 = arith.constant 8 : i32
        %mul3A_504 = arith.muli %scan3A_464, %mul3A_503 : i32
        %add3A_505 = arith.constant 2 : i32
        %add3A_506 = arith.addi %mul3A_504, %add3A_505 : i32
        %broadcast_in_dim3A_507 = arith.constant 0 : i32
        %broadcast_in_dim3A_508 = vector.broadcast %broadcast_in_dim3A_507 : i32 to vector<16xi32>
        %add3A_509 = vector.broadcast %add3A_506 : i32 to vector<16xi32>
        %add3A_510 = arith.addi %broadcast_in_dim3A_508, %add3A_509 : vector<16xi32>
        %get3A_511 = arith.index_cast %add3A_506 : i32 to index
        %get3A_512 = arith.constant 0 : index
        %get3A_513 = tpu.vector_load %arg8[%get3A_511, %get3A_512] {strides = array<i32>} : memref<128x64xf32, #tpu.memory_space<vmem>>, vector<16xf32>,
        tpu.vector_store_idx %arg12[%shift_right_arithmetic3A_7, %and3A_30, %add3A_510], %get3A_513 : memref<8x8x129xf32, #tpu.memory_space<vmem>>[vector<16xi32>, vector<16xi32>, vector<16xi32>], vector<16xf32>,
        %get3A_514 = arith.index_cast %add3A_506 : i32 to index
        %get3A_515 = arith.constant 16 : index
        %get3A_516 = tpu.vector_load %arg8[%get3A_514, %get3A_515] {strides = array<i32>} : memref<128x64xf32, #tpu.memory_space<vmem>>, vector<16xf32>,
        tpu.vector_store_idx %arg12[%shift_right_arithmetic3A_13, %and3A_36, %add3A_510], %get3A_516 : memref<8x8x129xf32, #tpu.memory_space<vmem>>[vector<16xi32>, vector<16xi32>, vector<16xi32>], vector<16xf32>,
        %get3A_517 = arith.index_cast %add3A_506 : i32 to index
        %get3A_518 = arith.constant 32 : index
        %get3A_519 = tpu.vector_load %arg8[%get3A_517, %get3A_518] {strides = array<i32>} : memref<128x64xf32, #tpu.memory_space<vmem>>, vector<16xf32>,
        tpu.vector_store_idx %arg12[%shift_right_arithmetic3A_19, %and3A_42, %add3A_510], %get3A_519 : memref<8x8x129xf32, #tpu.memory_space<vmem>>[vector<16xi32>, vector<16xi32>, vector<16xi32>], vector<16xf32>,
        %get3A_520 = arith.index_cast %add3A_506 : i32 to index
        %get3A_521 = arith.constant 48 : index
        %get3A_522 = tpu.vector_load %arg8[%get3A_520, %get3A_521] {strides = array<i32>} : memref<128x64xf32, #tpu.memory_space<vmem>>, vector<16xf32>,
        tpu.vector_store_idx %arg12[%shift_right_arithmetic3A_25, %and3A_48, %add3A_510], %get3A_522 : memref<8x8x129xf32, #tpu.memory_space<vmem>>[vector<16xi32>, vector<16xi32>, vector<16xi32>], vector<16xf32>,
        %mul3A_523 = arith.constant 8 : i32
        %mul3A_524 = arith.muli %scan3A_464, %mul3A_523 : i32
        %add3A_525 = arith.constant 3 : i32
        %add3A_526 = arith.addi %mul3A_524, %add3A_525 : i32
        %broadcast_in_dim3A_527 = arith.constant 0 : i32
        %broadcast_in_dim3A_528 = vector.broadcast %broadcast_in_dim3A_527 : i32 to vector<16xi32>
        %add3A_529 = vector.broadcast %add3A_526 : i32 to vector<16xi32>
        %add3A_530 = arith.addi %broadcast_in_dim3A_528, %add3A_529 : vector<16xi32>
        %get3A_531 = arith.index_cast %add3A_526 : i32 to index
        %get3A_532 = arith.constant 0 : index
        %get3A_533 = tpu.vector_load %arg8[%get3A_531, %get3A_532] {strides = array<i32>} : memref<128x64xf32, #tpu.memory_space<vmem>>, vector<16xf32>,
        tpu.vector_store_idx %arg12[%shift_right_arithmetic3A_7, %and3A_30, %add3A_530], %get3A_533 : memref<8x8x129xf32, #tpu.memory_space<vmem>>[vector<16xi32>, vector<16xi32>, vector<16xi32>], vector<16xf32>,
        %get3A_534 = arith.index_cast %add3A_526 : i32 to index
        %get3A_535 = arith.constant 16 : index
        %get3A_536 = tpu.vector_load %arg8[%get3A_534, %get3A_535] {strides = array<i32>} : memref<128x64xf32, #tpu.memory_space<vmem>>, vector<16xf32>,
        tpu.vector_store_idx %arg12[%shift_right_arithmetic3A_13, %and3A_36, %add3A_530], %get3A_536 : memref<8x8x129xf32, #tpu.memory_space<vmem>>[vector<16xi32>, vector<16xi32>, vector<16xi32>], vector<16xf32>,
        %get3A_537 = arith.index_cast %add3A_526 : i32 to index
        %get3A_538 = arith.constant 32 : index
        %get3A_539 = tpu.vector_load %arg8[%get3A_537, %get3A_538] {strides = array<i32>} : memref<128x64xf32, #tpu.memory_space<vmem>>, vector<16xf32>,
        tpu.vector_store_idx %arg12[%shift_right_arithmetic3A_19, %and3A_42, %add3A_530], %get3A_539 : memref<8x8x129xf32, #tpu.memory_space<vmem>>[vector<16xi32>, vector<16xi32>, vector<16xi32>], vector<16xf32>,
        %get3A_540 = arith.index_cast %add3A_526 : i32 to index
        %get3A_541 = arith.constant 48 : index
        %get3A_542 = tpu.vector_load %arg8[%get3A_540, %get3A_541] {strides = array<i32>} : memref<128x64xf32, #tpu.memory_space<vmem>>, vector<16xf32>,
        tpu.vector_store_idx %arg12[%shift_right_arithmetic3A_25, %and3A_48, %add3A_530], %get3A_542 : memref<8x8x129xf32, #tpu.memory_space<vmem>>[vector<16xi32>, vector<16xi32>, vector<16xi32>], vector<16xf32>,
        %mul3A_543 = arith.constant 8 : i32
        %mul3A_544 = arith.muli %scan3A_464, %mul3A_543 : i32
        %add3A_545 = arith.constant 4 : i32
        %add3A_546 = arith.addi %mul3A_544, %add3A_545 : i32
        %broadcast_in_dim3A_547 = arith.constant 0 : i32
        %broadcast_in_dim3A_548 = vector.broadcast %broadcast_in_dim3A_547 : i32 to vector<16xi32>
        %add3A_549 = vector.broadcast %add3A_546 : i32 to vector<16xi32>
        %add3A_550 = arith.addi %broadcast_in_dim3A_548, %add3A_549 : vector<16xi32>
        %get3A_551 = arith.index_cast %add3A_546 : i32 to index
        %get3A_552 = arith.constant 0 : index
        %get3A_553 = tpu.vector_load %arg8[%get3A_551, %get3A_552] {strides = array<i32>} : memref<128x64xf32, #tpu.memory_space<vmem>>, vector<16xf32>,
        tpu.vector_store_idx %arg12[%shift_right_arithmetic3A_7, %and3A_30, %add3A_550], %get3A_553 : memref<8x8x129xf32, #tpu.memory_space<vmem>>[vector<16xi32>, vector<16xi32>, vector<16xi32>], vector<16xf32>,
        %get3A_554 = arith.index_cast %add3A_546 : i32 to index
        %get3A_555 = arith.constant 16 : index
        %get3A_556 = tpu.vector_load %arg8[%get3A_554, %get3A_555] {strides = array<i32>} : memref<128x64xf32, #tpu.memory_space<vmem>>, vector<16xf32>,
        tpu.vector_store_idx %arg12[%shift_right_arithmetic3A_13, %and3A_36, %add3A_550], %get3A_556 : memref<8x8x129xf32, #tpu.memory_space<vmem>>[vector<16xi32>, vector<16xi32>, vector<16xi32>], vector<16xf32>,
        %get3A_557 = arith.index_cast %add3A_546 : i32 to index
        %get3A_558 = arith.constant 32 : index
        %get3A_559 = tpu.vector_load %arg8[%get3A_557, %get3A_558] {strides = array<i32>} : memref<128x64xf32, #tpu.memory_space<vmem>>, vector<16xf32>,
        tpu.vector_store_idx %arg12[%shift_right_arithmetic3A_19, %and3A_42, %add3A_550], %get3A_559 : memref<8x8x129xf32, #tpu.memory_space<vmem>>[vector<16xi32>, vector<16xi32>, vector<16xi32>], vector<16xf32>,
        %get3A_560 = arith.index_cast %add3A_546 : i32 to index
        %get3A_561 = arith.constant 48 : index
        %get3A_562 = tpu.vector_load %arg8[%get3A_560, %get3A_561] {strides = array<i32>} : memref<128x64xf32, #tpu.memory_space<vmem>>, vector<16xf32>,
        tpu.vector_store_idx %arg12[%shift_right_arithmetic3A_25, %and3A_48, %add3A_550], %get3A_562 : memref<8x8x129xf32, #tpu.memory_space<vmem>>[vector<16xi32>, vector<16xi32>, vector<16xi32>], vector<16xf32>,
        %mul3A_563 = arith.constant 8 : i32
        %mul3A_564 = arith.muli %scan3A_464, %mul3A_563 : i32
        %add3A_565 = arith.constant 5 : i32
        %add3A_566 = arith.addi %mul3A_564, %add3A_565 : i32
        %broadcast_in_dim3A_567 = arith.constant 0 : i32
        %broadcast_in_dim3A_568 = vector.broadcast %broadcast_in_dim3A_567 : i32 to vector<16xi32>
        %add3A_569 = vector.broadcast %add3A_566 : i32 to vector<16xi32>
        %add3A_570 = arith.addi %broadcast_in_dim3A_568, %add3A_569 : vector<16xi32>
        %get3A_571 = arith.index_cast %add3A_566 : i32 to index
        %get3A_572 = arith.constant 0 : index
        %get3A_573 = tpu.vector_load %arg8[%get3A_571, %get3A_572] {strides = array<i32>} : memref<128x64xf32, #tpu.memory_space<vmem>>, vector<16xf32>,
        tpu.vector_store_idx %arg12[%shift_right_arithmetic3A_7, %and3A_30, %add3A_570], %get3A_573 : memref<8x8x129xf32, #tpu.memory_space<vmem>>[vector<16xi32>, vector<16xi32>, vector<16xi32>], vector<16xf32>,
        %get3A_574 = arith.index_cast %add3A_566 : i32 to index
        %get3A_575 = arith.constant 16 : index
        %get3A_576 = tpu.vector_load %arg8[%get3A_574, %get3A_575] {strides = array<i32>} : memref<128x64xf32, #tpu.memory_space<vmem>>, vector<16xf32>,
        tpu.vector_store_idx %arg12[%shift_right_arithmetic3A_13, %and3A_36, %add3A_570], %get3A_576 : memref<8x8x129xf32, #tpu.memory_space<vmem>>[vector<16xi32>, vector<16xi32>, vector<16xi32>], vector<16xf32>,
        %get3A_577 = arith.index_cast %add3A_566 : i32 to index
        %get3A_578 = arith.constant 32 : index
        %get3A_579 = tpu.vector_load %arg8[%get3A_577, %get3A_578] {strides = array<i32>} : memref<128x64xf32, #tpu.memory_space<vmem>>, vector<16xf32>,
        tpu.vector_store_idx %arg12[%shift_right_arithmetic3A_19, %and3A_42, %add3A_570], %get3A_579 : memref<8x8x129xf32, #tpu.memory_space<vmem>>[vector<16xi32>, vector<16xi32>, vector<16xi32>], vector<16xf32>,
        %get3A_580 = arith.index_cast %add3A_566 : i32 to index
        %get3A_581 = arith.constant 48 : index
        %get3A_582 = tpu.vector_load %arg8[%get3A_580, %get3A_581] {strides = array<i32>} : memref<128x64xf32, #tpu.memory_space<vmem>>, vector<16xf32>,
        tpu.vector_store_idx %arg12[%shift_right_arithmetic3A_25, %and3A_48, %add3A_570], %get3A_582 : memref<8x8x129xf32, #tpu.memory_space<vmem>>[vector<16xi32>, vector<16xi32>, vector<16xi32>], vector<16xf32>,
        %mul3A_583 = arith.constant 8 : i32
        %mul3A_584 = arith.muli %scan3A_464, %mul3A_583 : i32
        %add3A_585 = arith.constant 6 : i32
        %add3A_586 = arith.addi %mul3A_584, %add3A_585 : i32
        %broadcast_in_dim3A_587 = arith.constant 0 : i32
        %broadcast_in_dim3A_588 = vector.broadcast %broadcast_in_dim3A_587 : i32 to vector<16xi32>
        %add3A_589 = vector.broadcast %add3A_586 : i32 to vector<16xi32>
        %add3A_590 = arith.addi %broadcast_in_dim3A_588, %add3A_589 : vector<16xi32>
        %get3A_591 = arith.index_cast %add3A_586 : i32 to index
        %get3A_592 = arith.constant 0 : index
        %get3A_593 = tpu.vector_load %arg8[%get3A_591, %get3A_592] {strides = array<i32>} : memref<128x64xf32, #tpu.memory_space<vmem>>, vector<16xf32>,
        tpu.vector_store_idx %arg12[%shift_right_arithmetic3A_7, %and3A_30, %add3A_590], %get3A_593 : memref<8x8x129xf32, #tpu.memory_space<vmem>>[vector<16xi32>, vector<16xi32>, vector<16xi32>], vector<16xf32>,
        %get3A_594 = arith.index_cast %add3A_586 : i32 to index
        %get3A_595 = arith.constant 16 : index
        %get3A_596 = tpu.vector_load %arg8[%get3A_594, %get3A_595] {strides = array<i32>} : memref<128x64xf32, #tpu.memory_space<vmem>>, vector<16xf32>,
        tpu.vector_store_idx %arg12[%shift_right_arithmetic3A_13, %and3A_36, %add3A_590], %get3A_596 : memref<8x8x129xf32, #tpu.memory_space<vmem>>[vector<16xi32>, vector<16xi32>, vector<16xi32>], vector<16xf32>,
        %get3A_597 = arith.index_cast %add3A_586 : i32 to index
        %get3A_598 = arith.constant 32 : index
        %get3A_599 = tpu.vector_load %arg8[%get3A_597, %get3A_598] {strides = array<i32>} : memref<128x64xf32, #tpu.memory_space<vmem>>, vector<16xf32>,
        tpu.vector_store_idx %arg12[%shift_right_arithmetic3A_19, %and3A_42, %add3A_590], %get3A_599 : memref<8x8x129xf32, #tpu.memory_space<vmem>>[vector<16xi32>, vector<16xi32>, vector<16xi32>], vector<16xf32>,
        %get3A_600 = arith.index_cast %add3A_586 : i32 to index
        %get3A_601 = arith.constant 48 : index
        %get3A_602 = tpu.vector_load %arg8[%get3A_600, %get3A_601] {strides = array<i32>} : memref<128x64xf32, #tpu.memory_space<vmem>>, vector<16xf32>,
        tpu.vector_store_idx %arg12[%shift_right_arithmetic3A_25, %and3A_48, %add3A_590], %get3A_602 : memref<8x8x129xf32, #tpu.memory_space<vmem>>[vector<16xi32>, vector<16xi32>, vector<16xi32>], vector<16xf32>,
        %mul3A_603 = arith.constant 8 : i32
        %mul3A_604 = arith.muli %scan3A_464, %mul3A_603 : i32
        %add3A_605 = arith.constant 7 : i32
        %add3A_606 = arith.addi %mul3A_604, %add3A_605 : i32
        %broadcast_in_dim3A_607 = arith.constant 0 : i32
        %broadcast_in_dim3A_608 = vector.broadcast %broadcast_in_dim3A_607 : i32 to vector<16xi32>
        %add3A_609 = vector.broadcast %add3A_606 : i32 to vector<16xi32>
        %add3A_610 = arith.addi %broadcast_in_dim3A_608, %add3A_609 : vector<16xi32>
        %get3A_611 = arith.index_cast %add3A_606 : i32 to index
        %get3A_612 = arith.constant 0 : index
        %get3A_613 = tpu.vector_load %arg8[%get3A_611, %get3A_612] {strides = array<i32>} : memref<128x64xf32, #tpu.memory_space<vmem>>, vector<16xf32>,
        tpu.vector_store_idx %arg12[%shift_right_arithmetic3A_7, %and3A_30, %add3A_610], %get3A_613 : memref<8x8x129xf32, #tpu.memory_space<vmem>>[vector<16xi32>, vector<16xi32>, vector<16xi32>], vector<16xf32>,
        %get3A_614 = arith.index_cast %add3A_606 : i32 to index
        %get3A_615 = arith.constant 16 : index
        %get3A_616 = tpu.vector_load %arg8[%get3A_614, %get3A_615] {strides = array<i32>} : memref<128x64xf32, #tpu.memory_space<vmem>>, vector<16xf32>,
        tpu.vector_store_idx %arg12[%shift_right_arithmetic3A_13, %and3A_36, %add3A_610], %get3A_616 : memref<8x8x129xf32, #tpu.memory_space<vmem>>[vector<16xi32>, vector<16xi32>, vector<16xi32>], vector<16xf32>,
        %get3A_617 = arith.index_cast %add3A_606 : i32 to index
        %get3A_618 = arith.constant 32 : index
        %get3A_619 = tpu.vector_load %arg8[%get3A_617, %get3A_618] {strides = array<i32>} : memref<128x64xf32, #tpu.memory_space<vmem>>, vector<16xf32>,
        tpu.vector_store_idx %arg12[%shift_right_arithmetic3A_19, %and3A_42, %add3A_610], %get3A_619 : memref<8x8x129xf32, #tpu.memory_space<vmem>>[vector<16xi32>, vector<16xi32>, vector<16xi32>], vector<16xf32>,
        %get3A_620 = arith.index_cast %add3A_606 : i32 to index
        %get3A_621 = arith.constant 48 : index
        %get3A_622 = tpu.vector_load %arg8[%get3A_620, %get3A_621] {strides = array<i32>} : memref<128x64xf32, #tpu.memory_space<vmem>>, vector<16xf32>,
        tpu.vector_store_idx %arg12[%shift_right_arithmetic3A_25, %and3A_48, %add3A_610], %get3A_622 : memref<8x8x129xf32, #tpu.memory_space<vmem>>[vector<16xi32>, vector<16xi32>, vector<16xi32>], vector<16xf32>,
      }
      %scan3A_307 = arith.constant 16 : i32
      %add3A_308 = arith.addi %mul3A_2, %add3A_295 : i32
      %jit3A_309 = arith.constant 128 : i32
      %div3A_310 = arith.divsi %add3A_308, %jit3A_309 : i32
      %sign3A_311 = arith.constant 0 : i32
      %sign3A_312 = arith.cmpi sgt, %add3A_308, %sign3A_311 : i32
      %sign3A_313 = arith.extui %sign3A_312 : i1 to i32
      %sign3A_314 = arith.constant 0 : i32
      %sign3A_315 = arith.cmpi slt, %add3A_308, %sign3A_314 : i32
      %sign3A_316 = arith.extui %sign3A_315 : i1 to i32
      %sign3A_317 = arith.subi %sign3A_313, %sign3A_316 : i32
      %sign3A_318 = arith.constant 0 : i32
      %sign3A_319 = arith.cmpi sgt, %jit3A_309, %sign3A_318 : i32
      %sign3A_320 = arith.extui %sign3A_319 : i1 to i32
      %sign3A_321 = arith.constant 0 : i32
      %sign3A_322 = arith.cmpi slt, %jit3A_309, %sign3A_321 : i32
      %sign3A_323 = arith.extui %sign3A_322 : i1 to i32
      %sign3A_324 = arith.subi %sign3A_320, %sign3A_323 : i32
      %ne3A_325 = arith.cmpi ne, %sign3A_317, %sign3A_324 : i32
      %rem3A_326 = arith.remsi %add3A_308, %jit3A_309 : i32
      %ne3A_327 = arith.constant 0 : i32
      %ne3A_328 = arith.cmpi ne, %rem3A_326, %ne3A_327 : i32
      %and3A_329 = arith.andi %ne3A_325, %ne3A_328 : i1
      %sub3A_330 = arith.constant 1 : i32
      %sub3A_331 = arith.subi %div3A_310, %sub3A_330 : i32
      %select_n3A_332 = arith.select %and3A_329, %sub3A_331, %div3A_310 : i32
      %jit3A_333 = arith.constant 128 : i32
      %eq3A_334 = arith.constant 0 : i32
      %eq3A_335 = arith.cmpi eq, %jit3A_333, %eq3A_334 : i32
      %jit3A_336 = arith.constant 1 : i32
      %select_n3A_337 = arith.select %eq3A_335, %jit3A_336, %jit3A_333 : i32
      %rem3A_338 = arith.remsi %add3A_308, %select_n3A_337 : i32
      %ne3A_339 = arith.constant 0 : i32
      %ne3A_340 = arith.cmpi ne, %rem3A_338, %ne3A_339 : i32
      %lt3A_341 = arith.constant 0 : i32
      %lt3A_342 = arith.cmpi slt, %rem3A_338, %lt3A_341 : i32
      %lt3A_343 = arith.constant 0 : i32
      %lt3A_344 = arith.cmpi slt, %select_n3A_337, %lt3A_343 : i32
      %ne3A_345 = arith.xori %lt3A_342, %lt3A_344 : i1
      %and3A_346 = arith.andi %ne3A_345, %ne3A_340 : i1
      %add3A_347 = arith.addi %rem3A_338, %select_n3A_337 : i32
      %select_n3A_348 = arith.select %and3A_346, %add3A_347, %rem3A_338 : i32
      %dma_start3A_349 = arith.constant 0 : i32
      %dma_start3A_350 = arith.constant 0 : i32
      %dma_start3A_351 = arith.constant 0 : i32
      %dma_start3A_352 = tpu.memref_slice %arg12[%dma_start3A_349, %dma_start3A_350, %dma_start3A_351] : memref<8x8x129xf32, #tpu.memory_space<vmem>> -> memref<8x8x128xf32, #tpu.memory_space<vmem>>
      %dma_start3A_353 = arith.constant 0 : i32
      %dma_start3A_354 = arith.constant 0 : i32
      %dma_start3A_355 = arith.constant 0 : i32
      %dma_start3A_356 = tpu.memref_slice %arg4[%select_n3A_332, %dma_start3A_353, %select_n3A_348, %dma_start3A_354, %dma_start3A_355] : memref<50x8x128x8x128xf32, #tpu.memory_space<hbm>> -> memref<1x8x1x8x128xf32, #tpu.memory_space<hbm>>
      %dma_start3A_357 = tpu.memref_squeeze %dma_start3A_356 : memref<1x8x1x8x128xf32, #tpu.memory_space<hbm>> -> memref<8x8x128xf32, #tpu.memory_space<hbm>>
      %dma_start3A_358 = arith.constant 0 : i32
      %dma_start3A_359 = arith.constant 0 : i32
      %dma_start3A_360 = arith.constant 0 : i32
      %dma_start3A_361 = tpu.memref_slice %arg4[%select_n3A_332, %dma_start3A_358, %select_n3A_348, %dma_start3A_359, %dma_start3A_360] : memref<50x8x128x8x128xf32, #tpu.memory_space<hbm>> -> memref<1x8x1x8x128xf32, #tpu.memory_space<hbm>>
      %dma_start3A_362 = tpu.memref_squeeze %dma_start3A_361 : memref<1x8x1x8x128xf32, #tpu.memory_space<hbm>> -> memref<8x8x128xf32, #tpu.memory_space<hbm>>
      %dma_start3A_363 = arith.constant 0 : i32
      %dma_start3A_364 = arith.constant 0 : i32
      %dma_start3A_365 = arith.constant 0 : i32
      %dma_start3A_366 = tpu.memref_slice %arg12[%dma_start3A_363, %dma_start3A_364, %dma_start3A_365] : memref<8x8x129xf32, #tpu.memory_space<vmem>> -> memref<8x8x128xf32, #tpu.memory_space<vmem>>
      tpu.enqueue_dma source(%dma_start3A_366 : memref<8x8x128xf32, #tpu.memory_space<vmem>>) target(%dma_start3A_362 : memref<8x8x128xf32, #tpu.memory_space<hbm>>) target_semaphore(%arg20 : memref<!tpu.dma_semaphore, #tpu.memory_space<semaphore_mem>>)
      %ge3A_367 = arith.constant 1 : i32
      %ge3A_368 = arith.cmpi sge, %add3A_295, %ge3A_367 : i32
      %convert_element_type3A_369 = arith.extui %ge3A_368 : i1 to i32
      %cond3A_370 = arith.constant 0 : i32
      %cond3A_371 = arith.cmpi ne, %convert_element_type3A_369, %cond3A_370 : i32
      scf.if %cond3A_371 {
        %sub3A_464 = arith.constant 1 : i32
        %sub3A_465 = arith.subi %add3A_295, %sub3A_464 : i32
        %add3A_466 = arith.addi %mul3A_2, %sub3A_465 : i32
        %jit3A_467 = arith.constant 128 : i32
        %div3A_468 = arith.divsi %add3A_466, %jit3A_467 : i32
        %sign3A_469 = arith.constant 0 : i32
        %sign3A_470 = arith.cmpi sgt, %add3A_466, %sign3A_469 : i32
        %sign3A_471 = arith.extui %sign3A_470 : i1 to i32
        %sign3A_472 = arith.constant 0 : i32
        %sign3A_473 = arith.cmpi slt, %add3A_466, %sign3A_472 : i32
        %sign3A_474 = arith.extui %sign3A_473 : i1 to i32
        %sign3A_475 = arith.subi %sign3A_471, %sign3A_474 : i32
        %sign3A_476 = arith.constant 0 : i32
        %sign3A_477 = arith.cmpi sgt, %jit3A_467, %sign3A_476 : i32
        %sign3A_478 = arith.extui %sign3A_477 : i1 to i32
        %sign3A_479 = arith.constant 0 : i32
        %sign3A_480 = arith.cmpi slt, %jit3A_467, %sign3A_479 : i32
        %sign3A_481 = arith.extui %sign3A_480 : i1 to i32
        %sign3A_482 = arith.subi %sign3A_478, %sign3A_481 : i32
        %ne3A_483 = arith.cmpi ne, %sign3A_475, %sign3A_482 : i32
        %rem3A_484 = arith.remsi %add3A_466, %jit3A_467 : i32
        %ne3A_485 = arith.constant 0 : i32
        %ne3A_486 = arith.cmpi ne, %rem3A_484, %ne3A_485 : i32
        %and3A_487 = arith.andi %ne3A_483, %ne3A_486 : i1
        %sub3A_488 = arith.constant 1 : i32
        %sub3A_489 = arith.subi %div3A_468, %sub3A_488 : i32
        %select_n3A_490 = arith.select %and3A_487, %sub3A_489, %div3A_468 : i32
        %jit3A_491 = arith.constant 128 : i32
        %eq3A_492 = arith.constant 0 : i32
        %eq3A_493 = arith.cmpi eq, %jit3A_491, %eq3A_492 : i32
        %jit3A_494 = arith.constant 1 : i32
        %select_n3A_495 = arith.select %eq3A_493, %jit3A_494, %jit3A_491 : i32
        %rem3A_496 = arith.remsi %add3A_466, %select_n3A_495 : i32
        %ne3A_497 = arith.constant 0 : i32
        %ne3A_498 = arith.cmpi ne, %rem3A_496, %ne3A_497 : i32
        %lt3A_499 = arith.constant 0 : i32
        %lt3A_500 = arith.cmpi slt, %rem3A_496, %lt3A_499 : i32
        %lt3A_501 = arith.constant 0 : i32
        %lt3A_502 = arith.cmpi slt, %select_n3A_495, %lt3A_501 : i32
        %ne3A_503 = arith.xori %lt3A_500, %lt3A_502 : i1
        %and3A_504 = arith.andi %ne3A_503, %ne3A_498 : i1
        %add3A_505 = arith.addi %rem3A_496, %select_n3A_495 : i32
        %select_n3A_506 = arith.select %and3A_504, %add3A_505, %rem3A_496 : i32
        %dma_wait3A_507 = arith.constant 0 : i32
        %dma_wait3A_508 = arith.constant 0 : i32
        %dma_wait3A_509 = arith.constant 0 : i32
        %dma_wait3A_510 = tpu.memref_slice %arg11[%dma_wait3A_507, %dma_wait3A_508, %dma_wait3A_509] : memref<8x8x129xf32, #tpu.memory_space<vmem>> -> memref<8x8x128xf32, #tpu.memory_space<vmem>>
        %dma_wait3A_511 = arith.constant 0 : i32
        %dma_wait3A_512 = arith.constant 0 : i32
        %dma_wait3A_513 = arith.constant 0 : i32
        %dma_wait3A_514 = tpu.memref_slice %arg4[%select_n3A_490, %dma_wait3A_511, %select_n3A_506, %dma_wait3A_512, %dma_wait3A_513] : memref<50x8x128x8x128xf32, #tpu.memory_space<hbm>> -> memref<1x8x1x8x128xf32, #tpu.memory_space<hbm>>
        %dma_wait3A_515 = tpu.memref_squeeze %dma_wait3A_514 : memref<1x8x1x8x128xf32, #tpu.memory_space<hbm>> -> memref<8x8x128xf32, #tpu.memory_space<hbm>>
        %dma_wait3A_516 = arith.constant 0 : i32
        %dma_wait3A_517 = arith.constant 0 : i32
        %dma_wait3A_518 = arith.constant 0 : i32
        %dma_wait3A_519 = tpu.memref_slice %arg4[%select_n3A_490, %dma_wait3A_516, %select_n3A_506, %dma_wait3A_517, %dma_wait3A_518] : memref<50x8x128x8x128xf32, #tpu.memory_space<hbm>> -> memref<1x8x1x8x128xf32, #tpu.memory_space<hbm>>
        %dma_wait3A_520 = tpu.memref_squeeze %dma_wait3A_519 : memref<1x8x1x8x128xf32, #tpu.memory_space<hbm>> -> memref<8x8x128xf32, #tpu.memory_space<hbm>>
        %dma_wait3A_521 = arith.constant 0 : i32
        %dma_wait3A_522 = arith.constant 0 : i32
        %dma_wait3A_523 = arith.constant 0 : i32
        %dma_wait3A_524 = tpu.memref_slice %arg11[%dma_wait3A_521, %dma_wait3A_522, %dma_wait3A_523] : memref<8x8x129xf32, #tpu.memory_space<vmem>> -> memref<8x8x128xf32, #tpu.memory_space<vmem>>
        tpu.wait_dma2 semaphore(%arg19 : memref<!tpu.dma_semaphore, #tpu.memory_space<semaphore_mem>>) src(%dma_wait3A_524 : memref<8x8x128xf32, #tpu.memory_space<vmem>>) dst(%dma_wait3A_520 : memref<8x8x128xf32, #tpu.memory_space<hbm>>)
      } else {
      }
      %add3A_372 = arith.constant 3 : i32
      %add3A_373 = arith.addi %add3A_295, %add3A_372 : i32
      %lt3A_374 = arith.constant 200 : i32
      %lt3A_375 = arith.cmpi slt, %add3A_373, %lt3A_374 : i32
      %convert_element_type3A_376 = arith.extui %lt3A_375 : i1 to i32
      %cond3A_377 = arith.constant 0 : i32
      %cond3A_378 = arith.cmpi ne, %convert_element_type3A_376, %cond3A_377 : i32
      scf.if %cond3A_378 {
        %add3A_464 = arith.constant 3 : i32
        %add3A_465 = arith.addi %add3A_295, %add3A_464 : i32
        %dma_start3A_466 = arith.constant 0 : i32
        %dma_start3A_467 = tpu.memref_slice %arg5[%add3A_465, %dma_start3A_466] : memref<200x128xi32, #tpu.memory_space<vmem>> -> memref<1x128xi32, #tpu.memory_space<vmem>>
        %dma_start3A_468 = tpu.memref_squeeze %dma_start3A_467 : memref<1x128xi32, #tpu.memory_space<vmem>> -> memref<128xi32, #tpu.memory_space<vmem>>
        %dma_start3A_469 = arith.constant 0 : i32
        %dma_start3A_470 = arith.constant 0 : i32
        %dma_start3A_471 = tpu.memref_slice %arg2[%dma_start3A_469, %dma_start3A_470] : memref<1000000x64xf32, #tpu.memory_space<hbm>> -> memref<1000000x64xf32, #tpu.memory_space<hbm>>
        tpu.enqueue_indirect_dma source(%dma_start3A_471 : memref<1000000x64xf32, #tpu.memory_space<hbm>>) target(%arg7 : memref<128x64xf32, #tpu.memory_space<vmem>>) offsets(%dma_start3A_468 : memref<128xi32, #tpu.memory_space<vmem>>) semaphore(%arg15 : memref<!tpu.dma_semaphore, #tpu.memory_space<semaphore_mem>>)
      } else {
      }
      %add3A_379 = arith.constant 3 : i32
      %add3A_380 = arith.addi %mul3A_126, %add3A_379 : i32
      %dma_wait3A_381 = arith.constant 0 : i32
      %dma_wait3A_382 = tpu.memref_slice %arg5[%add3A_380, %dma_wait3A_381] : memref<200x128xi32, #tpu.memory_space<vmem>> -> memref<1x128xi32, #tpu.memory_space<vmem>>
      %dma_wait3A_383 = tpu.memref_squeeze %dma_wait3A_382 : memref<1x128xi32, #tpu.memory_space<vmem>> -> memref<128xi32, #tpu.memory_space<vmem>>
      %dma_wait3A_384 = arith.constant 0 : i32
      %dma_wait3A_385 = arith.constant 0 : i32
      %dma_wait3A_386 = tpu.memref_slice %arg2[%dma_wait3A_384, %dma_wait3A_385] : memref<1000000x64xf32, #tpu.memory_space<hbm>> -> memref<1000000x64xf32, #tpu.memory_space<hbm>>
      tpu.wait_indirect_dma semaphore(%arg17 : memref<!tpu.dma_semaphore, #tpu.memory_space<semaphore_mem>>) src(%dma_wait3A_386 : memref<1000000x64xf32, #tpu.memory_space<hbm>>) dst(%arg9 : memref<128x64xf32, #tpu.memory_space<vmem>>)
      %scan3A_387 = arith.constant 0 : i32
      %scan3A_388 = arith.constant 0 : i32
      %scan3A_389 = arith.constant 16 : i32
      %scan3A_390 = arith.addi %scan3A_388, %scan3A_389 : i32
      %scan3A_391 = arith.constant 1 : i32
      scf.for %scan3A_464 = %scan3A_388 to %scan3A_390 step %scan3A_391  : i32 {
        %mul3A_465 = arith.constant 8 : i32
        %mul3A_466 = arith.muli %scan3A_464, %mul3A_465 : i32
        %add3A_467 = arith.constant 0 : i32
        %add3A_468 = arith.addi %mul3A_466, %add3A_467 : i32
        %broadcast_in_dim3A = arith.constant 0 : i32
        %broadcast_in_dim3A_469 = vector.broadcast %broadcast_in_dim3A : i32 to vector<16xi32>
        %add3A_470 = vector.broadcast %add3A_468 : i32 to vector<16xi32>
        %add3A_471 = arith.addi %broadcast_in_dim3A_469, %add3A_470 : vector<16xi32>
        %get3A = arith.index_cast %add3A_468 : i32 to index
        %get3A_472 = arith.constant 0 : index
        %get3A_473 = tpu.vector_load %arg9[%get3A, %get3A_472] {strides = array<i32>} : memref<128x64xf32, #tpu.memory_space<vmem>>, vector<16xf32>,
        tpu.vector_store_idx %arg13[%shift_right_arithmetic3A_7, %and3A_30, %add3A_471], %get3A_473 : memref<8x8x129xf32, #tpu.memory_space<vmem>>[vector<16xi32>, vector<16xi32>, vector<16xi32>], vector<16xf32>,
        %get3A_474 = arith.index_cast %add3A_468 : i32 to index
        %get3A_475 = arith.constant 16 : index
        %get3A_476 = tpu.vector_load %arg9[%get3A_474, %get3A_475] {strides = array<i32>} : memref<128x64xf32, #tpu.memory_space<vmem>>, vector<16xf32>,
        tpu.vector_store_idx %arg13[%shift_right_arithmetic3A_13, %and3A_36, %add3A_471], %get3A_476 : memref<8x8x129xf32, #tpu.memory_space<vmem>>[vector<16xi32>, vector<16xi32>, vector<16xi32>], vector<16xf32>,
        %get3A_477 = arith.index_cast %add3A_468 : i32 to index
        %get3A_478 = arith.constant 32 : index
        %get3A_479 = tpu.vector_load %arg9[%get3A_477, %get3A_478] {strides = array<i32>} : memref<128x64xf32, #tpu.memory_space<vmem>>, vector<16xf32>,
        tpu.vector_store_idx %arg13[%shift_right_arithmetic3A_19, %and3A_42, %add3A_471], %get3A_479 : memref<8x8x129xf32, #tpu.memory_space<vmem>>[vector<16xi32>, vector<16xi32>, vector<16xi32>], vector<16xf32>,
        %get3A_480 = arith.index_cast %add3A_468 : i32 to index
        %get3A_481 = arith.constant 48 : index
        %get3A_482 = tpu.vector_load %arg9[%get3A_480, %get3A_481] {strides = array<i32>} : memref<128x64xf32, #tpu.memory_space<vmem>>, vector<16xf32>,
        tpu.vector_store_idx %arg13[%shift_right_arithmetic3A_25, %and3A_48, %add3A_471], %get3A_482 : memref<8x8x129xf32, #tpu.memory_space<vmem>>[vector<16xi32>, vector<16xi32>, vector<16xi32>], vector<16xf32>,
        %mul3A_483 = arith.constant 8 : i32
        %mul3A_484 = arith.muli %scan3A_464, %mul3A_483 : i32
        %add3A_485 = arith.constant 1 : i32
        %add3A_486 = arith.addi %mul3A_484, %add3A_485 : i32
        %broadcast_in_dim3A_487 = arith.constant 0 : i32
        %broadcast_in_dim3A_488 = vector.broadcast %broadcast_in_dim3A_487 : i32 to vector<16xi32>
        %add3A_489 = vector.broadcast %add3A_486 : i32 to vector<16xi32>
        %add3A_490 = arith.addi %broadcast_in_dim3A_488, %add3A_489 : vector<16xi32>
        %get3A_491 = arith.index_cast %add3A_486 : i32 to index
        %get3A_492 = arith.constant 0 : index
        %get3A_493 = tpu.vector_load %arg9[%get3A_491, %get3A_492] {strides = array<i32>} : memref<128x64xf32, #tpu.memory_space<vmem>>, vector<16xf32>,
        tpu.vector_store_idx %arg13[%shift_right_arithmetic3A_7, %and3A_30, %add3A_490], %get3A_493 : memref<8x8x129xf32, #tpu.memory_space<vmem>>[vector<16xi32>, vector<16xi32>, vector<16xi32>], vector<16xf32>,
        %get3A_494 = arith.index_cast %add3A_486 : i32 to index
        %get3A_495 = arith.constant 16 : index
        %get3A_496 = tpu.vector_load %arg9[%get3A_494, %get3A_495] {strides = array<i32>} : memref<128x64xf32, #tpu.memory_space<vmem>>, vector<16xf32>,
        tpu.vector_store_idx %arg13[%shift_right_arithmetic3A_13, %and3A_36, %add3A_490], %get3A_496 : memref<8x8x129xf32, #tpu.memory_space<vmem>>[vector<16xi32>, vector<16xi32>, vector<16xi32>], vector<16xf32>,
        %get3A_497 = arith.index_cast %add3A_486 : i32 to index
        %get3A_498 = arith.constant 32 : index
        %get3A_499 = tpu.vector_load %arg9[%get3A_497, %get3A_498] {strides = array<i32>} : memref<128x64xf32, #tpu.memory_space<vmem>>, vector<16xf32>,
        tpu.vector_store_idx %arg13[%shift_right_arithmetic3A_19, %and3A_42, %add3A_490], %get3A_499 : memref<8x8x129xf32, #tpu.memory_space<vmem>>[vector<16xi32>, vector<16xi32>, vector<16xi32>], vector<16xf32>,
        %get3A_500 = arith.index_cast %add3A_486 : i32 to index
        %get3A_501 = arith.constant 48 : index
        %get3A_502 = tpu.vector_load %arg9[%get3A_500, %get3A_501] {strides = array<i32>} : memref<128x64xf32, #tpu.memory_space<vmem>>, vector<16xf32>,
        tpu.vector_store_idx %arg13[%shift_right_arithmetic3A_25, %and3A_48, %add3A_490], %get3A_502 : memref<8x8x129xf32, #tpu.memory_space<vmem>>[vector<16xi32>, vector<16xi32>, vector<16xi32>], vector<16xf32>,
        %mul3A_503 = arith.constant 8 : i32
        %mul3A_504 = arith.muli %scan3A_464, %mul3A_503 : i32
        %add3A_505 = arith.constant 2 : i32
        %add3A_506 = arith.addi %mul3A_504, %add3A_505 : i32
        %broadcast_in_dim3A_507 = arith.constant 0 : i32
        %broadcast_in_dim3A_508 = vector.broadcast %broadcast_in_dim3A_507 : i32 to vector<16xi32>
        %add3A_509 = vector.broadcast %add3A_506 : i32 to vector<16xi32>
        %add3A_510 = arith.addi %broadcast_in_dim3A_508, %add3A_509 : vector<16xi32>
        %get3A_511 = arith.index_cast %add3A_506 : i32 to index
        %get3A_512 = arith.constant 0 : index
        %get3A_513 = tpu.vector_load %arg9[%get3A_511, %get3A_512] {strides = array<i32>} : memref<128x64xf32, #tpu.memory_space<vmem>>, vector<16xf32>,
        tpu.vector_store_idx %arg13[%shift_right_arithmetic3A_7, %and3A_30, %add3A_510], %get3A_513 : memref<8x8x129xf32, #tpu.memory_space<vmem>>[vector<16xi32>, vector<16xi32>, vector<16xi32>], vector<16xf32>,
        %get3A_514 = arith.index_cast %add3A_506 : i32 to index
        %get3A_515 = arith.constant 16 : index
        %get3A_516 = tpu.vector_load %arg9[%get3A_514, %get3A_515] {strides = array<i32>} : memref<128x64xf32, #tpu.memory_space<vmem>>, vector<16xf32>,
        tpu.vector_store_idx %arg13[%shift_right_arithmetic3A_13, %and3A_36, %add3A_510], %get3A_516 : memref<8x8x129xf32, #tpu.memory_space<vmem>>[vector<16xi32>, vector<16xi32>, vector<16xi32>], vector<16xf32>,
        %get3A_517 = arith.index_cast %add3A_506 : i32 to index
        %get3A_518 = arith.constant 32 : index
        %get3A_519 = tpu.vector_load %arg9[%get3A_517, %get3A_518] {strides = array<i32>} : memref<128x64xf32, #tpu.memory_space<vmem>>, vector<16xf32>,
        tpu.vector_store_idx %arg13[%shift_right_arithmetic3A_19, %and3A_42, %add3A_510], %get3A_519 : memref<8x8x129xf32, #tpu.memory_space<vmem>>[vector<16xi32>, vector<16xi32>, vector<16xi32>], vector<16xf32>,
        %get3A_520 = arith.index_cast %add3A_506 : i32 to index
        %get3A_521 = arith.constant 48 : index
        %get3A_522 = tpu.vector_load %arg9[%get3A_520, %get3A_521] {strides = array<i32>} : memref<128x64xf32, #tpu.memory_space<vmem>>, vector<16xf32>,
        tpu.vector_store_idx %arg13[%shift_right_arithmetic3A_25, %and3A_48, %add3A_510], %get3A_522 : memref<8x8x129xf32, #tpu.memory_space<vmem>>[vector<16xi32>, vector<16xi32>, vector<16xi32>], vector<16xf32>,
        %mul3A_523 = arith.constant 8 : i32
        %mul3A_524 = arith.muli %scan3A_464, %mul3A_523 : i32
        %add3A_525 = arith.constant 3 : i32
        %add3A_526 = arith.addi %mul3A_524, %add3A_525 : i32
        %broadcast_in_dim3A_527 = arith.constant 0 : i32
        %broadcast_in_dim3A_528 = vector.broadcast %broadcast_in_dim3A_527 : i32 to vector<16xi32>
        %add3A_529 = vector.broadcast %add3A_526 : i32 to vector<16xi32>
        %add3A_530 = arith.addi %broadcast_in_dim3A_528, %add3A_529 : vector<16xi32>
        %get3A_531 = arith.index_cast %add3A_526 : i32 to index
        %get3A_532 = arith.constant 0 : index
        %get3A_533 = tpu.vector_load %arg9[%get3A_531, %get3A_532] {strides = array<i32>} : memref<128x64xf32, #tpu.memory_space<vmem>>, vector<16xf32>,
        tpu.vector_store_idx %arg13[%shift_right_arithmetic3A_7, %and3A_30, %add3A_530], %get3A_533 : memref<8x8x129xf32, #tpu.memory_space<vmem>>[vector<16xi32>, vector<16xi32>, vector<16xi32>], vector<16xf32>,
        %get3A_534 = arith.index_cast %add3A_526 : i32 to index
        %get3A_535 = arith.constant 16 : index
        %get3A_536 = tpu.vector_load %arg9[%get3A_534, %get3A_535] {strides = array<i32>} : memref<128x64xf32, #tpu.memory_space<vmem>>, vector<16xf32>,
        tpu.vector_store_idx %arg13[%shift_right_arithmetic3A_13, %and3A_36, %add3A_530], %get3A_536 : memref<8x8x129xf32, #tpu.memory_space<vmem>>[vector<16xi32>, vector<16xi32>, vector<16xi32>], vector<16xf32>,
        %get3A_537 = arith.index_cast %add3A_526 : i32 to index
        %get3A_538 = arith.constant 32 : index
        %get3A_539 = tpu.vector_load %arg9[%get3A_537, %get3A_538] {strides = array<i32>} : memref<128x64xf32, #tpu.memory_space<vmem>>, vector<16xf32>,
        tpu.vector_store_idx %arg13[%shift_right_arithmetic3A_19, %and3A_42, %add3A_530], %get3A_539 : memref<8x8x129xf32, #tpu.memory_space<vmem>>[vector<16xi32>, vector<16xi32>, vector<16xi32>], vector<16xf32>,
        %get3A_540 = arith.index_cast %add3A_526 : i32 to index
        %get3A_541 = arith.constant 48 : index
        %get3A_542 = tpu.vector_load %arg9[%get3A_540, %get3A_541] {strides = array<i32>} : memref<128x64xf32, #tpu.memory_space<vmem>>, vector<16xf32>,
        tpu.vector_store_idx %arg13[%shift_right_arithmetic3A_25, %and3A_48, %add3A_530], %get3A_542 : memref<8x8x129xf32, #tpu.memory_space<vmem>>[vector<16xi32>, vector<16xi32>, vector<16xi32>], vector<16xf32>,
        %mul3A_543 = arith.constant 8 : i32
        %mul3A_544 = arith.muli %scan3A_464, %mul3A_543 : i32
        %add3A_545 = arith.constant 4 : i32
        %add3A_546 = arith.addi %mul3A_544, %add3A_545 : i32
        %broadcast_in_dim3A_547 = arith.constant 0 : i32
        %broadcast_in_dim3A_548 = vector.broadcast %broadcast_in_dim3A_547 : i32 to vector<16xi32>
        %add3A_549 = vector.broadcast %add3A_546 : i32 to vector<16xi32>
        %add3A_550 = arith.addi %broadcast_in_dim3A_548, %add3A_549 : vector<16xi32>
        %get3A_551 = arith.index_cast %add3A_546 : i32 to index
        %get3A_552 = arith.constant 0 : index
        %get3A_553 = tpu.vector_load %arg9[%get3A_551, %get3A_552] {strides = array<i32>} : memref<128x64xf32, #tpu.memory_space<vmem>>, vector<16xf32>,
        tpu.vector_store_idx %arg13[%shift_right_arithmetic3A_7, %and3A_30, %add3A_550], %get3A_553 : memref<8x8x129xf32, #tpu.memory_space<vmem>>[vector<16xi32>, vector<16xi32>, vector<16xi32>], vector<16xf32>,
        %get3A_554 = arith.index_cast %add3A_546 : i32 to index
        %get3A_555 = arith.constant 16 : index
        %get3A_556 = tpu.vector_load %arg9[%get3A_554, %get3A_555] {strides = array<i32>} : memref<128x64xf32, #tpu.memory_space<vmem>>, vector<16xf32>,
        tpu.vector_store_idx %arg13[%shift_right_arithmetic3A_13, %and3A_36, %add3A_550], %get3A_556 : memref<8x8x129xf32, #tpu.memory_space<vmem>>[vector<16xi32>, vector<16xi32>, vector<16xi32>], vector<16xf32>,
        %get3A_557 = arith.index_cast %add3A_546 : i32 to index
        %get3A_558 = arith.constant 32 : index
        %get3A_559 = tpu.vector_load %arg9[%get3A_557, %get3A_558] {strides = array<i32>} : memref<128x64xf32, #tpu.memory_space<vmem>>, vector<16xf32>,
        tpu.vector_store_idx %arg13[%shift_right_arithmetic3A_19, %and3A_42, %add3A_550], %get3A_559 : memref<8x8x129xf32, #tpu.memory_space<vmem>>[vector<16xi32>, vector<16xi32>, vector<16xi32>], vector<16xf32>,
        %get3A_560 = arith.index_cast %add3A_546 : i32 to index
        %get3A_561 = arith.constant 48 : index
        %get3A_562 = tpu.vector_load %arg9[%get3A_560, %get3A_561] {strides = array<i32>} : memref<128x64xf32, #tpu.memory_space<vmem>>, vector<16xf32>,
        tpu.vector_store_idx %arg13[%shift_right_arithmetic3A_25, %and3A_48, %add3A_550], %get3A_562 : memref<8x8x129xf32, #tpu.memory_space<vmem>>[vector<16xi32>, vector<16xi32>, vector<16xi32>], vector<16xf32>,
        %mul3A_563 = arith.constant 8 : i32
        %mul3A_564 = arith.muli %scan3A_464, %mul3A_563 : i32
        %add3A_565 = arith.constant 5 : i32
        %add3A_566 = arith.addi %mul3A_564, %add3A_565 : i32
        %broadcast_in_dim3A_567 = arith.constant 0 : i32
        %broadcast_in_dim3A_568 = vector.broadcast %broadcast_in_dim3A_567 : i32 to vector<16xi32>
        %add3A_569 = vector.broadcast %add3A_566 : i32 to vector<16xi32>
        %add3A_570 = arith.addi %broadcast_in_dim3A_568, %add3A_569 : vector<16xi32>
        %get3A_571 = arith.index_cast %add3A_566 : i32 to index
        %get3A_572 = arith.constant 0 : index
        %get3A_573 = tpu.vector_load %arg9[%get3A_571, %get3A_572] {strides = array<i32>} : memref<128x64xf32, #tpu.memory_space<vmem>>, vector<16xf32>,
        tpu.vector_store_idx %arg13[%shift_right_arithmetic3A_7, %and3A_30, %add3A_570], %get3A_573 : memref<8x8x129xf32, #tpu.memory_space<vmem>>[vector<16xi32>, vector<16xi32>, vector<16xi32>], vector<16xf32>,
        %get3A_574 = arith.index_cast %add3A_566 : i32 to index
        %get3A_575 = arith.constant 16 : index
        %get3A_576 = tpu.vector_load %arg9[%get3A_574, %get3A_575] {strides = array<i32>} : memref<128x64xf32, #tpu.memory_space<vmem>>, vector<16xf32>,
        tpu.vector_store_idx %arg13[%shift_right_arithmetic3A_13, %and3A_36, %add3A_570], %get3A_576 : memref<8x8x129xf32, #tpu.memory_space<vmem>>[vector<16xi32>, vector<16xi32>, vector<16xi32>], vector<16xf32>,
        %get3A_577 = arith.index_cast %add3A_566 : i32 to index
        %get3A_578 = arith.constant 32 : index
        %get3A_579 = tpu.vector_load %arg9[%get3A_577, %get3A_578] {strides = array<i32>} : memref<128x64xf32, #tpu.memory_space<vmem>>, vector<16xf32>,
        tpu.vector_store_idx %arg13[%shift_right_arithmetic3A_19, %and3A_42, %add3A_570], %get3A_579 : memref<8x8x129xf32, #tpu.memory_space<vmem>>[vector<16xi32>, vector<16xi32>, vector<16xi32>], vector<16xf32>,
        %get3A_580 = arith.index_cast %add3A_566 : i32 to index
        %get3A_581 = arith.constant 48 : index
        %get3A_582 = tpu.vector_load %arg9[%get3A_580, %get3A_581] {strides = array<i32>} : memref<128x64xf32, #tpu.memory_space<vmem>>, vector<16xf32>,
        tpu.vector_store_idx %arg13[%shift_right_arithmetic3A_25, %and3A_48, %add3A_570], %get3A_582 : memref<8x8x129xf32, #tpu.memory_space<vmem>>[vector<16xi32>, vector<16xi32>, vector<16xi32>], vector<16xf32>,
        %mul3A_583 = arith.constant 8 : i32
        %mul3A_584 = arith.muli %scan3A_464, %mul3A_583 : i32
        %add3A_585 = arith.constant 6 : i32
        %add3A_586 = arith.addi %mul3A_584, %add3A_585 : i32
        %broadcast_in_dim3A_587 = arith.constant 0 : i32
        %broadcast_in_dim3A_588 = vector.broadcast %broadcast_in_dim3A_587 : i32 to vector<16xi32>
        %add3A_589 = vector.broadcast %add3A_586 : i32 to vector<16xi32>
        %add3A_590 = arith.addi %broadcast_in_dim3A_588, %add3A_589 : vector<16xi32>
        %get3A_591 = arith.index_cast %add3A_586 : i32 to index
        %get3A_592 = arith.constant 0 : index
        %get3A_593 = tpu.vector_load %arg9[%get3A_591, %get3A_592] {strides = array<i32>} : memref<128x64xf32, #tpu.memory_space<vmem>>, vector<16xf32>,
        tpu.vector_store_idx %arg13[%shift_right_arithmetic3A_7, %and3A_30, %add3A_590], %get3A_593 : memref<8x8x129xf32, #tpu.memory_space<vmem>>[vector<16xi32>, vector<16xi32>, vector<16xi32>], vector<16xf32>,
        %get3A_594 = arith.index_cast %add3A_586 : i32 to index
        %get3A_595 = arith.constant 16 : index
        %get3A_596 = tpu.vector_load %arg9[%get3A_594, %get3A_595] {strides = array<i32>} : memref<128x64xf32, #tpu.memory_space<vmem>>, vector<16xf32>,
        tpu.vector_store_idx %arg13[%shift_right_arithmetic3A_13, %and3A_36, %add3A_590], %get3A_596 : memref<8x8x129xf32, #tpu.memory_space<vmem>>[vector<16xi32>, vector<16xi32>, vector<16xi32>], vector<16xf32>,
        %get3A_597 = arith.index_cast %add3A_586 : i32 to index
        %get3A_598 = arith.constant 32 : index
        %get3A_599 = tpu.vector_load %arg9[%get3A_597, %get3A_598] {strides = array<i32>} : memref<128x64xf32, #tpu.memory_space<vmem>>, vector<16xf32>,
        tpu.vector_store_idx %arg13[%shift_right_arithmetic3A_19, %and3A_42, %add3A_590], %get3A_599 : memref<8x8x129xf32, #tpu.memory_space<vmem>>[vector<16xi32>, vector<16xi32>, vector<16xi32>], vector<16xf32>,
        %get3A_600 = arith.index_cast %add3A_586 : i32 to index
        %get3A_601 = arith.constant 48 : index
        %get3A_602 = tpu.vector_load %arg9[%get3A_600, %get3A_601] {strides = array<i32>} : memref<128x64xf32, #tpu.memory_space<vmem>>, vector<16xf32>,
        tpu.vector_store_idx %arg13[%shift_right_arithmetic3A_25, %and3A_48, %add3A_590], %get3A_602 : memref<8x8x129xf32, #tpu.memory_space<vmem>>[vector<16xi32>, vector<16xi32>, vector<16xi32>], vector<16xf32>,
        %mul3A_603 = arith.constant 8 : i32
        %mul3A_604 = arith.muli %scan3A_464, %mul3A_603 : i32
        %add3A_605 = arith.constant 7 : i32
        %add3A_606 = arith.addi %mul3A_604, %add3A_605 : i32
        %broadcast_in_dim3A_607 = arith.constant 0 : i32
        %broadcast_in_dim3A_608 = vector.broadcast %broadcast_in_dim3A_607 : i32 to vector<16xi32>
        %add3A_609 = vector.broadcast %add3A_606 : i32 to vector<16xi32>
        %add3A_610 = arith.addi %broadcast_in_dim3A_608, %add3A_609 : vector<16xi32>
        %get3A_611 = arith.index_cast %add3A_606 : i32 to index
        %get3A_612 = arith.constant 0 : index
        %get3A_613 = tpu.vector_load %arg9[%get3A_611, %get3A_612] {strides = array<i32>} : memref<128x64xf32, #tpu.memory_space<vmem>>, vector<16xf32>,
        tpu.vector_store_idx %arg13[%shift_right_arithmetic3A_7, %and3A_30, %add3A_610], %get3A_613 : memref<8x8x129xf32, #tpu.memory_space<vmem>>[vector<16xi32>, vector<16xi32>, vector<16xi32>], vector<16xf32>,
        %get3A_614 = arith.index_cast %add3A_606 : i32 to index
        %get3A_615 = arith.constant 16 : index
        %get3A_616 = tpu.vector_load %arg9[%get3A_614, %get3A_615] {strides = array<i32>} : memref<128x64xf32, #tpu.memory_space<vmem>>, vector<16xf32>,
        tpu.vector_store_idx %arg13[%shift_right_arithmetic3A_13, %and3A_36, %add3A_610], %get3A_616 : memref<8x8x129xf32, #tpu.memory_space<vmem>>[vector<16xi32>, vector<16xi32>, vector<16xi32>], vector<16xf32>,
        %get3A_617 = arith.index_cast %add3A_606 : i32 to index
        %get3A_618 = arith.constant 32 : index
        %get3A_619 = tpu.vector_load %arg9[%get3A_617, %get3A_618] {strides = array<i32>} : memref<128x64xf32, #tpu.memory_space<vmem>>, vector<16xf32>,
        tpu.vector_store_idx %arg13[%shift_right_arithmetic3A_19, %and3A_42, %add3A_610], %get3A_619 : memref<8x8x129xf32, #tpu.memory_space<vmem>>[vector<16xi32>, vector<16xi32>, vector<16xi32>], vector<16xf32>,
        %get3A_620 = arith.index_cast %add3A_606 : i32 to index
        %get3A_621 = arith.constant 48 : index
        %get3A_622 = tpu.vector_load %arg9[%get3A_620, %get3A_621] {strides = array<i32>} : memref<128x64xf32, #tpu.memory_space<vmem>>, vector<16xf32>,
        tpu.vector_store_idx %arg13[%shift_right_arithmetic3A_25, %and3A_48, %add3A_610], %get3A_622 : memref<8x8x129xf32, #tpu.memory_space<vmem>>[vector<16xi32>, vector<16xi32>, vector<16xi32>], vector<16xf32>,
      }
      %scan3A_392 = arith.constant 16 : i32
      %add3A_393 = arith.addi %mul3A_2, %add3A_380 : i32
      %jit3A_394 = arith.constant 128 : i32
      %div3A_395 = arith.divsi %add3A_393, %jit3A_394 : i32
      %sign3A_396 = arith.constant 0 : i32
      %sign3A_397 = arith.cmpi sgt, %add3A_393, %sign3A_396 : i32
      %sign3A_398 = arith.extui %sign3A_397 : i1 to i32
      %sign3A_399 = arith.constant 0 : i32
      %sign3A_400 = arith.cmpi slt, %add3A_393, %sign3A_399 : i32
      %sign3A_401 = arith.extui %sign3A_400 : i1 to i32
      %sign3A_402 = arith.subi %sign3A_398, %sign3A_401 : i32
      %sign3A_403 = arith.constant 0 : i32
      %sign3A_404 = arith.cmpi sgt, %jit3A_394, %sign3A_403 : i32
      %sign3A_405 = arith.extui %sign3A_404 : i1 to i32
      %sign3A_406 = arith.constant 0 : i32
      %sign3A_407 = arith.cmpi slt, %jit3A_394, %sign3A_406 : i32
      %sign3A_408 = arith.extui %sign3A_407 : i1 to i32
      %sign3A_409 = arith.subi %sign3A_405, %sign3A_408 : i32
      %ne3A_410 = arith.cmpi ne, %sign3A_402, %sign3A_409 : i32
      %rem3A_411 = arith.remsi %add3A_393, %jit3A_394 : i32
      %ne3A_412 = arith.constant 0 : i32
      %ne3A_413 = arith.cmpi ne, %rem3A_411, %ne3A_412 : i32
      %and3A_414 = arith.andi %ne3A_410, %ne3A_413 : i1
      %sub3A_415 = arith.constant 1 : i32
      %sub3A_416 = arith.subi %div3A_395, %sub3A_415 : i32
      %select_n3A_417 = arith.select %and3A_414, %sub3A_416, %div3A_395 : i32
      %jit3A_418 = arith.constant 128 : i32
      %eq3A_419 = arith.constant 0 : i32
      %eq3A_420 = arith.cmpi eq, %jit3A_418, %eq3A_419 : i32
      %jit3A_421 = arith.constant 1 : i32
      %select_n3A_422 = arith.select %eq3A_420, %jit3A_421, %jit3A_418 : i32
      %rem3A_423 = arith.remsi %add3A_393, %select_n3A_422 : i32
      %ne3A_424 = arith.constant 0 : i32
      %ne3A_425 = arith.cmpi ne, %rem3A_423, %ne3A_424 : i32
      %lt3A_426 = arith.constant 0 : i32
      %lt3A_427 = arith.cmpi slt, %rem3A_423, %lt3A_426 : i32
      %lt3A_428 = arith.constant 0 : i32
      %lt3A_429 = arith.cmpi slt, %select_n3A_422, %lt3A_428 : i32
      %ne3A_430 = arith.xori %lt3A_427, %lt3A_429 : i1
      %and3A_431 = arith.andi %ne3A_430, %ne3A_425 : i1
      %add3A_432 = arith.addi %rem3A_423, %select_n3A_422 : i32
      %select_n3A_433 = arith.select %and3A_431, %add3A_432, %rem3A_423 : i32
      %dma_start3A_434 = arith.constant 0 : i32
      %dma_start3A_435 = arith.constant 0 : i32
      %dma_start3A_436 = arith.constant 0 : i32
      %dma_start3A_437 = tpu.memref_slice %arg13[%dma_start3A_434, %dma_start3A_435, %dma_start3A_436] : memref<8x8x129xf32, #tpu.memory_space<vmem>> -> memref<8x8x128xf32, #tpu.memory_space<vmem>>
      %dma_start3A_438 = arith.constant 0 : i32
      %dma_start3A_439 = arith.constant 0 : i32
      %dma_start3A_440 = arith.constant 0 : i32
      %dma_start3A_441 = tpu.memref_slice %arg4[%select_n3A_417, %dma_start3A_438, %select_n3A_433, %dma_start3A_439, %dma_start3A_440] : memref<50x8x128x8x128xf32, #tpu.memory_space<hbm>> -> memref<1x8x1x8x128xf32, #tpu.memory_space<hbm>>
      %dma_start3A_442 = tpu.memref_squeeze %dma_start3A_441 : memref<1x8x1x8x128xf32, #tpu.memory_space<hbm>> -> memref<8x8x128xf32, #tpu.memory_space<hbm>>
      %dma_start3A_443 = arith.constant 0 : i32
      %dma_start3A_444 = arith.constant 0 : i32
      %dma_start3A_445 = arith.constant 0 : i32
      %dma_start3A_446 = tpu.memref_slice %arg4[%select_n3A_417, %dma_start3A_443, %select_n3A_433, %dma_start3A_444, %dma_start3A_445] : memref<50x8x128x8x128xf32, #tpu.memory_space<hbm>> -> memref<1x8x1x8x128xf32, #tpu.memory_space<hbm>>
      %dma_start3A_447 = tpu.memref_squeeze %dma_start3A_446 : memref<1x8x1x8x128xf32, #tpu.memory_space<hbm>> -> memref<8x8x128xf32, #tpu.memory_space<hbm>>
      %dma_start3A_448 = arith.constant 0 : i32
      %dma_start3A_449 = arith.constant 0 : i32
      %dma_start3A_450 = arith.constant 0 : i32
      %dma_start3A_451 = tpu.memref_slice %arg13[%dma_start3A_448, %dma_start3A_449, %dma_start3A_450] : memref<8x8x129xf32, #tpu.memory_space<vmem>> -> memref<8x8x128xf32, #tpu.memory_space<vmem>>
      tpu.enqueue_dma source(%dma_start3A_451 : memref<8x8x128xf32, #tpu.memory_space<vmem>>) target(%dma_start3A_447 : memref<8x8x128xf32, #tpu.memory_space<hbm>>) target_semaphore(%arg21 : memref<!tpu.dma_semaphore, #tpu.memory_space<semaphore_mem>>)
      %ge3A_452 = arith.constant 1 : i32
      %ge3A_453 = arith.cmpi sge, %add3A_380, %ge3A_452 : i32
      %convert_element_type3A_454 = arith.extui %ge3A_453 : i1 to i32
      %cond3A_455 = arith.constant 0 : i32
      %cond3A_456 = arith.cmpi ne, %convert_element_type3A_454, %cond3A_455 : i32
      scf.if %cond3A_456 {
        %sub3A_464 = arith.constant 1 : i32
        %sub3A_465 = arith.subi %add3A_380, %sub3A_464 : i32
        %add3A_466 = arith.addi %mul3A_2, %sub3A_465 : i32
        %jit3A_467 = arith.constant 128 : i32
        %div3A_468 = arith.divsi %add3A_466, %jit3A_467 : i32
        %sign3A_469 = arith.constant 0 : i32
        %sign3A_470 = arith.cmpi sgt, %add3A_466, %sign3A_469 : i32
        %sign3A_471 = arith.extui %sign3A_470 : i1 to i32
        %sign3A_472 = arith.constant 0 : i32
        %sign3A_473 = arith.cmpi slt, %add3A_466, %sign3A_472 : i32
        %sign3A_474 = arith.extui %sign3A_473 : i1 to i32
        %sign3A_475 = arith.subi %sign3A_471, %sign3A_474 : i32
        %sign3A_476 = arith.constant 0 : i32
        %sign3A_477 = arith.cmpi sgt, %jit3A_467, %sign3A_476 : i32
        %sign3A_478 = arith.extui %sign3A_477 : i1 to i32
        %sign3A_479 = arith.constant 0 : i32
        %sign3A_480 = arith.cmpi slt, %jit3A_467, %sign3A_479 : i32
        %sign3A_481 = arith.extui %sign3A_480 : i1 to i32
        %sign3A_482 = arith.subi %sign3A_478, %sign3A_481 : i32
        %ne3A_483 = arith.cmpi ne, %sign3A_475, %sign3A_482 : i32
        %rem3A_484 = arith.remsi %add3A_466, %jit3A_467 : i32
        %ne3A_485 = arith.constant 0 : i32
        %ne3A_486 = arith.cmpi ne, %rem3A_484, %ne3A_485 : i32
        %and3A_487 = arith.andi %ne3A_483, %ne3A_486 : i1
        %sub3A_488 = arith.constant 1 : i32
        %sub3A_489 = arith.subi %div3A_468, %sub3A_488 : i32
        %select_n3A_490 = arith.select %and3A_487, %sub3A_489, %div3A_468 : i32
        %jit3A_491 = arith.constant 128 : i32
        %eq3A_492 = arith.constant 0 : i32
        %eq3A_493 = arith.cmpi eq, %jit3A_491, %eq3A_492 : i32
        %jit3A_494 = arith.constant 1 : i32
        %select_n3A_495 = arith.select %eq3A_493, %jit3A_494, %jit3A_491 : i32
        %rem3A_496 = arith.remsi %add3A_466, %select_n3A_495 : i32
        %ne3A_497 = arith.constant 0 : i32
        %ne3A_498 = arith.cmpi ne, %rem3A_496, %ne3A_497 : i32
        %lt3A_499 = arith.constant 0 : i32
        %lt3A_500 = arith.cmpi slt, %rem3A_496, %lt3A_499 : i32
        %lt3A_501 = arith.constant 0 : i32
        %lt3A_502 = arith.cmpi slt, %select_n3A_495, %lt3A_501 : i32
        %ne3A_503 = arith.xori %lt3A_500, %lt3A_502 : i1
        %and3A_504 = arith.andi %ne3A_503, %ne3A_498 : i1
        %add3A_505 = arith.addi %rem3A_496, %select_n3A_495 : i32
        %select_n3A_506 = arith.select %and3A_504, %add3A_505, %rem3A_496 : i32
        %dma_wait3A_507 = arith.constant 0 : i32
        %dma_wait3A_508 = arith.constant 0 : i32
        %dma_wait3A_509 = arith.constant 0 : i32
        %dma_wait3A_510 = tpu.memref_slice %arg12[%dma_wait3A_507, %dma_wait3A_508, %dma_wait3A_509] : memref<8x8x129xf32, #tpu.memory_space<vmem>> -> memref<8x8x128xf32, #tpu.memory_space<vmem>>
        %dma_wait3A_511 = arith.constant 0 : i32
        %dma_wait3A_512 = arith.constant 0 : i32
        %dma_wait3A_513 = arith.constant 0 : i32
        %dma_wait3A_514 = tpu.memref_slice %arg4[%select_n3A_490, %dma_wait3A_511, %select_n3A_506, %dma_wait3A_512, %dma_wait3A_513] : memref<50x8x128x8x128xf32, #tpu.memory_space<hbm>> -> memref<1x8x1x8x128xf32, #tpu.memory_space<hbm>>
        %dma_wait3A_515 = tpu.memref_squeeze %dma_wait3A_514 : memref<1x8x1x8x128xf32, #tpu.memory_space<hbm>> -> memref<8x8x128xf32, #tpu.memory_space<hbm>>
        %dma_wait3A_516 = arith.constant 0 : i32
        %dma_wait3A_517 = arith.constant 0 : i32
        %dma_wait3A_518 = arith.constant 0 : i32
        %dma_wait3A_519 = tpu.memref_slice %arg4[%select_n3A_490, %dma_wait3A_516, %select_n3A_506, %dma_wait3A_517, %dma_wait3A_518] : memref<50x8x128x8x128xf32, #tpu.memory_space<hbm>> -> memref<1x8x1x8x128xf32, #tpu.memory_space<hbm>>
        %dma_wait3A_520 = tpu.memref_squeeze %dma_wait3A_519 : memref<1x8x1x8x128xf32, #tpu.memory_space<hbm>> -> memref<8x8x128xf32, #tpu.memory_space<hbm>>
        %dma_wait3A_521 = arith.constant 0 : i32
        %dma_wait3A_522 = arith.constant 0 : i32
        %dma_wait3A_523 = arith.constant 0 : i32
        %dma_wait3A_524 = tpu.memref_slice %arg12[%dma_wait3A_521, %dma_wait3A_522, %dma_wait3A_523] : memref<8x8x129xf32, #tpu.memory_space<vmem>> -> memref<8x8x128xf32, #tpu.memory_space<vmem>>
        tpu.wait_dma2 semaphore(%arg20 : memref<!tpu.dma_semaphore, #tpu.memory_space<semaphore_mem>>) src(%dma_wait3A_524 : memref<8x8x128xf32, #tpu.memory_space<vmem>>) dst(%dma_wait3A_520 : memref<8x8x128xf32, #tpu.memory_space<hbm>>)
      } else {
      }
      %add3A_457 = arith.constant 3 : i32
      %add3A_458 = arith.addi %add3A_380, %add3A_457 : i32
      %lt3A_459 = arith.constant 200 : i32
      %lt3A_460 = arith.cmpi slt, %add3A_458, %lt3A_459 : i32
      %convert_element_type3A_461 = arith.extui %lt3A_460 : i1 to i32
      %cond3A_462 = arith.constant 0 : i32
      %cond3A_463 = arith.cmpi ne, %convert_element_type3A_461, %cond3A_462 : i32
      scf.if %cond3A_463 {
        %add3A_464 = arith.constant 3 : i32
        %add3A_465 = arith.addi %add3A_380, %add3A_464 : i32
        %dma_start3A_466 = arith.constant 0 : i32
        %dma_start3A_467 = tpu.memref_slice %arg5[%add3A_465, %dma_start3A_466] : memref<200x128xi32, #tpu.memory_space<vmem>> -> memref<1x128xi32, #tpu.memory_space<vmem>>
        %dma_start3A_468 = tpu.memref_squeeze %dma_start3A_467 : memref<1x128xi32, #tpu.memory_space<vmem>> -> memref<128xi32, #tpu.memory_space<vmem>>
        %dma_start3A_469 = arith.constant 0 : i32
        %dma_start3A_470 = arith.constant 0 : i32
        %dma_start3A_471 = tpu.memref_slice %arg2[%dma_start3A_469, %dma_start3A_470] : memref<1000000x64xf32, #tpu.memory_space<hbm>> -> memref<1000000x64xf32, #tpu.memory_space<hbm>>
        tpu.enqueue_indirect_dma source(%dma_start3A_471 : memref<1000000x64xf32, #tpu.memory_space<hbm>>) target(%arg8 : memref<128x64xf32, #tpu.memory_space<vmem>>) offsets(%dma_start3A_468 : memref<128xi32, #tpu.memory_space<vmem>>) semaphore(%arg16 : memref<!tpu.dma_semaphore, #tpu.memory_space<semaphore_mem>>)
      } else {
      }
    }
    %scan3A_73 = arith.constant 50 : i32
    %add3A_74 = arith.constant 199 : i32
    %add3A_75 = arith.addi %mul3A_2, %add3A_74 : i32
    %jit3A = arith.constant 128 : i32
    %div3A = arith.divsi %add3A_75, %jit3A : i32
    %sign3A = arith.constant 0 : i32
    %sign3A_76 = arith.cmpi sgt, %add3A_75, %sign3A : i32
    %sign3A_77 = arith.extui %sign3A_76 : i1 to i32
    %sign3A_78 = arith.constant 0 : i32
    %sign3A_79 = arith.cmpi slt, %add3A_75, %sign3A_78 : i32
    %sign3A_80 = arith.extui %sign3A_79 : i1 to i32
    %sign3A_81 = arith.subi %sign3A_77, %sign3A_80 : i32
    %sign3A_82 = arith.constant 0 : i32
    %sign3A_83 = arith.cmpi sgt, %jit3A, %sign3A_82 : i32
    %sign3A_84 = arith.extui %sign3A_83 : i1 to i32
    %sign3A_85 = arith.constant 0 : i32
    %sign3A_86 = arith.cmpi slt, %jit3A, %sign3A_85 : i32
    %sign3A_87 = arith.extui %sign3A_86 : i1 to i32
    %sign3A_88 = arith.subi %sign3A_84, %sign3A_87 : i32
    %ne3A = arith.cmpi ne, %sign3A_81, %sign3A_88 : i32
    %rem3A = arith.remsi %add3A_75, %jit3A : i32
    %ne3A_89 = arith.constant 0 : i32
    %ne3A_90 = arith.cmpi ne, %rem3A, %ne3A_89 : i32
    %and3A_91 = arith.andi %ne3A, %ne3A_90 : i1
    %sub3A = arith.constant 1 : i32
    %sub3A_92 = arith.subi %div3A, %sub3A : i32
    %select_n3A = arith.select %and3A_91, %sub3A_92, %div3A : i32
    %jit3A_93 = arith.constant 128 : i32
    %eq3A = arith.constant 0 : i32
    %eq3A_94 = arith.cmpi eq, %jit3A_93, %eq3A : i32
    %jit3A_95 = arith.constant 1 : i32
    %select_n3A_96 = arith.select %eq3A_94, %jit3A_95, %jit3A_93 : i32
    %rem3A_97 = arith.remsi %add3A_75, %select_n3A_96 : i32
    %ne3A_98 = arith.constant 0 : i32
    %ne3A_99 = arith.cmpi ne, %rem3A_97, %ne3A_98 : i32
    %lt3A = arith.constant 0 : i32
    %lt3A_100 = arith.cmpi slt, %rem3A_97, %lt3A : i32
    %lt3A_101 = arith.constant 0 : i32
    %lt3A_102 = arith.cmpi slt, %select_n3A_96, %lt3A_101 : i32
    %ne3A_103 = arith.xori %lt3A_100, %lt3A_102 : i1
    %and3A_104 = arith.andi %ne3A_103, %ne3A_99 : i1
    %add3A_105 = arith.addi %rem3A_97, %select_n3A_96 : i32
    %select_n3A_106 = arith.select %and3A_104, %add3A_105, %rem3A_97 : i32
    %dma_wait3A = arith.constant 0 : i32
    %dma_wait3A_107 = arith.constant 0 : i32
    %dma_wait3A_108 = arith.constant 0 : i32
    %dma_wait3A_109 = tpu.memref_slice %arg13[%dma_wait3A, %dma_wait3A_107, %dma_wait3A_108] : memref<8x8x129xf32, #tpu.memory_space<vmem>> -> memref<8x8x128xf32, #tpu.memory_space<vmem>>
    %dma_wait3A_110 = arith.constant 0 : i32
    %dma_wait3A_111 = arith.constant 0 : i32
    %dma_wait3A_112 = arith.constant 0 : i32
    %dma_wait3A_113 = tpu.memref_slice %arg4[%select_n3A, %dma_wait3A_110, %select_n3A_106, %dma_wait3A_111, %dma_wait3A_112] : memref<50x8x128x8x128xf32, #tpu.memory_space<hbm>> -> memref<1x8x1x8x128xf32, #tpu.memory_space<hbm>>
    %dma_wait3A_114 = tpu.memref_squeeze %dma_wait3A_113 : memref<1x8x1x8x128xf32, #tpu.memory_space<hbm>> -> memref<8x8x128xf32, #tpu.memory_space<hbm>>
    %dma_wait3A_115 = arith.constant 0 : i32
    %dma_wait3A_116 = arith.constant 0 : i32
    %dma_wait3A_117 = arith.constant 0 : i32
    %dma_wait3A_118 = tpu.memref_slice %arg4[%select_n3A, %dma_wait3A_115, %select_n3A_106, %dma_wait3A_116, %dma_wait3A_117] : memref<50x8x128x8x128xf32, #tpu.memory_space<hbm>> -> memref<1x8x1x8x128xf32, #tpu.memory_space<hbm>>
    %dma_wait3A_119 = tpu.memref_squeeze %dma_wait3A_118 : memref<1x8x1x8x128xf32, #tpu.memory_space<hbm>> -> memref<8x8x128xf32, #tpu.memory_space<hbm>>
    %dma_wait3A_120 = arith.constant 0 : i32
    %dma_wait3A_121 = arith.constant 0 : i32
    %dma_wait3A_122 = arith.constant 0 : i32
    %dma_wait3A_123 = tpu.memref_slice %arg13[%dma_wait3A_120, %dma_wait3A_121, %dma_wait3A_122] : memref<8x8x129xf32, #tpu.memory_space<vmem>> -> memref<8x8x128xf32, #tpu.memory_space<vmem>>
    tpu.wait_dma2 semaphore(%arg21 : memref<!tpu.dma_semaphore, #tpu.memory_space<semaphore_mem>>) src(%dma_wait3A_123 : memref<8x8x128xf32, #tpu.memory_space<vmem>>) dst(%dma_wait3A_119 : memref<8x8x128xf32, #tpu.memory_space<hbm>>)
    return
  }
}

</mosaic_0001>

<sc_bundles>
// kernel: kernel.3.cloned.1.call-start
scs
__scs_entry_jumppad:
0x0: {  	(pc) =	sbr.rel $0x88, $3  }
0x1: {  	(tag) =	ssettag $0x0;
	lr =	simm.s32 $0x1  }
0x2: {  	[smem:$0x3F9F] =	sst lr;
	_ =	strace $0xD0000000  }
0x3: {  	_ = 	snop  }
0x4: {  	_ = 	snop  }
0x5: {  	_ = 	snop  }
0x6: {  	_ = 	snop  }
0x7: {  	_ = 	snop  }
__scs_overlays_trampoline_lowered:
0x8: {  	[smem:$0x3FAE] =	sst s0  }
0x9: {  	[smem:$0x3FAF] =	sst s1  }
0xa: {  	[smem:$0x3FB0] =	sst s2  }
0xb: {  	[smem:$0x3FB1] =	sst s3  }
0xc: {  	[smem:$0x3FB2] =	sst s4  }
0xd: {  	[smem:$0x3FB3] =	sst s5  }
0xe: {  	[smem:$0x3FB4] =	sst s6  }
0xf: {  	[smem:$0x3FB5] =	sst s7  }
0x10: {  	[smem:$0x3FB6] =	sst s8  }
0x11: {  	[smem:$0x3FB7] =	sst s9;
	s0 =	simm.s32 @!p0 $0x0  }
0x12: {  	s1 =	sld [smem:$0x3F9D];
	s0 =	simm.s32 @p0 $0x1  }
0x13: {  	[smem:$0x3FB8] =	sst s0;
	s0 =	simm.s32 @!p1 $0x0  }
0x14: {  	s2 =	sld [smem:$0x3F9C];
	s0 =	simm.s32 @p1 $0x1  }
0x15: {  	[smem:$0x3FB9] =	sst s0;
	s0 =	simm.s32 @!p2 $0x0  }
0x16: {  	s3 =	sld [smem:$0x3FDB];
	s0 =	simm.s32 @p2 $0x1  }
0x17: {  	s4 =	simm.s32 $0x1BF5;
	[smem:$0x3FBB] =	sst s0  }
0x18: {  	s0 =	sld [smem:$0x3F9E];
	_ =	swait.ge [sflag:s4], $0x0  }
0x19: {  	s7 =	sld [smem:$0x3F9F]  }
0x1a: {  	s8 =	sadd.s32 $0xFFFFE003, lr  }
0x1b: {  	s9 =	sadd.s32 $0xFFFFFEF7, lr;
	s5 =	simm.s32 $0xFFFFFFFF;
	p2 =	slt.u32 s8, $0xFFFFF086  }
0x1c: {  	p1 =	slt.u32 s9, $0xF7A;
	s5 =	simm.s32 @!p2 $0x0  }
0x1d: {  	s5 =	simm.s32 @p1 $0x1;
	p0 =	seq.s32 s7, s2  }
0x1e: {  	s7 =	smul.u32 @!p0 $0xF7A, s2;
	p2 =	seq.s32 @!p0 s5, $0x0  }
0x1f: {  	s9 =	smul.u32 $0xF7A, s1;
	s8 =	simm.s32 @!p0 $0x1BF5;
	p2 =	por !p2, p0  }
0x20: {  	[sflag:s8] =	ssyncset.s32 @!p0 $0xFFFFF086;
	s6 =	sadd.s32 @!p0 s3, s7;
	s7 =	simm.s32 @!p0 $0x108  }
0x21: {  	s3 =	sadd.s32 s3, s9;
	s6 =	sadd.s32 @!p0 $0x88, s6;
	s7 =	simm.s32 @p2 $0x1082  }
0x22: {  	[simem:s7], [sflag:s8] =	dma.local @!p0 [hbm:s6], $0xF7A  }
0x23: {  	s9 =	sor.u32 $0xD0000000, s2;
	s6 =	simm.s32 $0x108;
	_ =	swait.ge @!p0 [sflag:s8], $0x0  }
0x24: {  	s3 =	sadd.s32 $0x88, s3;
	s6 =	simm.s32 @!p1 $0x1082;
	[sflag:s4] =	ssyncset.s32 $0xFFFFF086  }
0x25: {  	[simem:s6], [sflag:s4] =	dma.local [hbm:s3], $0xF7A  }
0x26: {  	[smem:$0x3F9F] =	sst s1;
	(tag) =	ssettag s2;
	_ =	strace s9  }
0x27: {  	s1 =	sld [smem:$0x3FAF]  }
0x28: {  	s2 =	sld [smem:$0x3FB0]  }
0x29: {  	s4 =	sld [smem:$0x3FB2]  }
0x2a: {  	p0 =	seq.s32 s5, $0x0;
	s5 =	sld [smem:$0x3FB3]  }
0x2b: {  	s6 =	sld [smem:$0x3FB4]  }
0x2c: {  	s7 =	sld [smem:$0x3FB5]  }
0x2d: {  	s3 =	simm.s32 $0x108;
	s8 =	sld [smem:$0x3FB6]  }
0x2e: {  	s3 =	simm.s32 @!p0 $0x1082;
	s9 =	sld [smem:$0x3FB7]  }
0x2f: {  	lr =	sadd.s32 s0, s3;
	s0 =	sld [smem:$0x3FAE]  }
0x30: {  	s3 =	sld [smem:$0x3FB1]  }
0x31: {  	[smem:$0x3FBA] =	sst s10  }
0x32: {  	s10 =	sld [smem:$0x3FB8];
	_ =	sdelay $0x3  }
0x33: {  	p0 =	seq.s32 s10, $0x1;
	s10 =	sld [smem:$0x3FBA];
	_ =	sdelay $0x3  }
0x34: {  	[smem:$0x3FBA] =	sst s10  }
0x35: {  	s10 =	sld [smem:$0x3FB9];
	_ =	sdelay $0x3  }
0x36: {  	p1 =	seq.s32 s10, $0x1;
	s10 =	sld [smem:$0x3FBA];
	_ =	sdelay $0x3  }
0x37: {  	[smem:$0x3FBA] =	sst s10  }
0x38: {  	s10 =	sld [smem:$0x3FBB]  }
0x39: {  	_ = 	snop;
	(pc) =	sbr.ind lr, $3  }
0x3a: {  	_ = 	snop  }
0x3b: {  	_ = 	snop  }
0x3c: {  	p2 =	seq.s32 s10, $0x1;
	s10 =	sld [smem:$0x3FBA]  }
0x3d: {  	_ =	shalt  }
0x3e: {  	_ =	shalt  }
0x3f: {  	_ =	shalt  }
0x40: {  	_ =	shalt  }
0x41: {  	_ =	shalt  }
0x42: {  	_ =	shalt  }
0x43: {  	_ =	shalt  }
0x44: {  	_ =	shalt  }
0x45: {  	_ =	shalt  }
0x46: {  	_ =	shalt  }
0x47: {  	_ =	shalt  }
0x48: {  	_ =	shalt  }
0x49: {  	_ =	shalt  }
0x4a: {  	_ =	shalt  }
0x4b: {  	_ =	shalt  }
0x4c: {  	_ =	shalt  }
0x4d: {  	_ =	shalt  }
0x4e: {  	_ =	shalt  }
0x4f: {  	_ =	shalt  }
0x50: {  	_ =	shalt  }
0x51: {  	_ =	shalt  }
0x52: {  	_ =	shalt  }
0x53: {  	_ =	shalt  }
0x54: {  	_ =	shalt  }
0x55: {  	_ =	shalt  }
0x56: {  	_ =	shalt  }
0x57: {  	_ =	shalt  }
0x58: {  	_ =	shalt  }
0x59: {  	_ =	shalt  }
0x5a: {  	_ =	shalt  }
0x5b: {  	_ =	shalt  }
0x5c: {  	_ =	shalt  }
0x5d: {  	_ =	shalt  }
0x5e: {  	_ =	shalt  }
0x5f: {  	_ =	shalt  }
0x60: {  	_ =	shalt  }
0x61: {  	_ =	shalt  }
0x62: {  	_ =	shalt  }
0x63: {  	_ =	shalt  }
0x64: {  	_ =	shalt  }
0x65: {  	_ =	shalt  }
0x66: {  	_ =	shalt  }
0x67: {  	_ =	shalt  }
0x68: {  	_ =	shalt  }
0x69: {  	_ =	shalt  }
0x6a: {  	_ =	shalt  }
0x6b: {  	_ =	shalt  }
0x6c: {  	_ =	shalt  }
0x6d: {  	_ =	shalt  }
0x6e: {  	_ =	shalt  }
0x6f: {  	_ =	shalt  }
0x70: {  	_ =	shalt  }
0x71: {  	_ =	shalt  }
0x72: {  	_ =	shalt  }
0x73: {  	_ =	shalt  }
0x74: {  	_ =	shalt  }
0x75: {  	_ =	shalt  }
0x76: {  	_ =	shalt  }
0x77: {  	_ =	shalt  }
0x78: {  	_ =	shalt  }
0x79: {  	_ =	shalt  }
0x7a: {  	_ =	shalt  }
0x7b: {  	_ =	shalt  }
0x7c: {  	_ =	shalt  }
0x7d: {  	_ =	shalt  }
0x7e: {  	_ =	shalt  }
0x7f: {  	_ =	shalt  }
0x80: {  	_ =	shalt  }
0x81: {  	_ =	shalt  }
0x82: {  	_ =	shalt  }
0x83: {  	_ =	shalt  }
0x84: {  	_ =	shalt  }
0x85: {  	_ =	shalt  }
0x86: {  	_ =	shalt  }
0x87: {  	_ =	shalt  }
.Lfunc_end0:
.L_simem_size_0:
called_computation_lowered:
.L_overlay_start_0:
0x88: {  	s2 =	sld [smem:$0x3FD9]  }
0x89: {  	s3 =	sld [smem:$0x3FFE];
	_ =	sdelay $0x1  }
0x8a: {  	s1 =	srdreg.scid  }
0x8b: {  	s0 =	sand.u32 $0x1, s1  }
0x8c: {  	s17 =	sshll.u32 s0, $0xA;
	s2 =	sadd.s32 s3, s2  }
0x8d: {  	s2 =	sadd.s32 s2, s17  }
0x8e: {  	[smem:$0x3FC6] =	sst s2  }
0x8f: {  	_ = 	snop  }
0x90: {  	s2 =	sld [smem:$0x3FD0];
	(tm) =	ssettm $0x1  }
0x91: {  	s18 =	sld [smem:$0x3FFB];
	_ =	sdelay $0x3  }
0x92: {  	_ =	strace s18  }
0x93: {  	s3 =	sld [smem:$0x3FFC];
	_ =	sdelay $0x3  }
0x94: {  	_ =	strace s3  }
0x95: {  	s3 =	sld [smem:$0x3FFD];
	_ =	sdelay $0x3  }
0x96: {  	_ =	strace s3  }
0x97: {  	_ =	strace $0x8FFFFFFF  }
0x98: {  	s19 =	sld [smem:$0x3FDB];
	_ =	sdelay $0x1  }
0x99: {  	s4 =	simm.s32 $_scs_section_size  }
0x9a: {  	s5 =	simm.s32 $_size__tile_overlayer_lowered;
	s6 =	simm.s32 $_tile_overlayer_lowered  }
0x9b: {  	s22 =	simm.s32 $0x1BFF;
	s21 =	sshll.u32 s6, $0x1;
	s3 =	sadd.s32 s4, s19  }
0x9c: {  	s7 =	simm.s32 $0x0;
	s20 =	sshll.u32 s5, $0x1;
	s5 =	sadd.s32 s21, s3  }
0x9d: {  	[timem:s7], [sflag:s22] =	dma.local [hbm:s5], s20  }
0x9e: {  	_ =	swait.ge [sflag:s22], s20  }
0x9f: {  	s4 =	ssub.s32 $0x0, s20;
	[sflag:s22] =	ssyncset.done $0x0  }
0xa0: {  	[sflag:s22] =	ssyncadd.s32 s4;
	_ =	sdelay $0x1  }
0xa1: {  	s23 =	simm.s32 $0x1B8B  }
0xa2: {  	_ =	swait.ge [sflag:s23], $0x1  }
0xa3: {  	[sflag:s23] =	ssyncset.done $0x0  }
0xa4: {  	s25 =	simm.s32 $0x1B8E;
	s24 =	sld [smem:$0x3FFE];
	[sflag:s23] =	ssyncadd.s32 $0xFFFFFFFF  }
0xa5: {  	s26 =	simm.s32 $execute0_lowered;
	[smem:$0x3FD2] =	sst s25  }
0xa6: {  	s5 =	sshll.u32 s26, $0x1;
	_ =	strace $0x80000046;
	[dreg:$0x1] =	wrdreg $0xFFFFFFFF  }
0xa7: {  	s28 =	simm.s32 $_size_execute0_lowered;
	s3 =	sadd.s32 s3, s5;
	[dreg:$0x0] =	wrdreg $0x0  }
0xa8: {  	s5 =	sshll.u32 s28, $0x1;
	[dreg:$0x2] =	wrdreg s3  }
0xa9: {  	[dreg:$0x3] =	wrdreg s5  }
0xaa: {  	[dreg:$0x4] =	wrdreg $0xC0  }
0xab: {  	_ =	task [dreg:s7], $0x5FFFF  }
0xac: {  	[dreg:$0x1] =	wrdreg $0xFFFFFFFF  }
0xad: {  	[dreg:$0x0] =	wrdreg $0x60  }
0xae: {  	[dreg:$0x2] =	wrdreg s24  }
0xaf: {  	[dreg:$0x3] =	wrdreg s2  }
0xb0: {  	[dreg:$0x4] =	wrdreg $0x9  }
0xb1: {  	_ =	task.clear_ibuf [dreg:s7], $0x5FFFF;
	_ =	strace $0x90000046  }
0xb2: {  	s29 =	simm.s32 $0x9;
	_ =	strace $0x80000048  }
0xb3: {  	_ =	swait.ge [sflag:s29], $0x1  }
0xb4: {  	[sflag:s29] =	ssyncadd.s32 $0xFFFFFFFF  }
0xb5: {  	_ =	strace $0x90000048  }
0xb6: {  	_ =	sfence  }
0xb7: {  	s30 =	sld [smem:$0x0];
	_ =	sdelay $0x2  }
0xb8: {  	s31 =	sshll.u32 s1, $0xD;
	s1 =	sshrl.u32 s1, $0x2  }
0xb9: {  	s3 =	sand.u32 $0x4000, s31;
	s1 =	sadd.s32 s1, s30  }
0xba: {  	s0 =	sor.u32 s3, s0;
	s1 =	sshll.u32 s1, $0x11  }
0xbb: {  	s0 =	sor.u32 s1, s0  }
0xbc: {  	s0 =	sadd.s32 $0x8F2B, s0  }
0xbd: {  	[sflag:s0] =	ssyncadd.remote.s32 $0x1  }
0xbe: {  	_ =	sfence.sel $0xFFFF  }
0xbf: {  	[dreg:$0x0] =	wrdreg $0xFFFFFFFF;
	(pc) =	sbr.abs _section_cstart, $3  }
0xc0: {  	[dreg:$0x1] =	wrdreg $0xFFFFFFFF  }
0xc1: {  	_ =	task.clear_ibuf [dreg:s7], $0x2FFFF;
	_ =	strace $0x9FFFFFFF  }
0xc2: {  	(tm) =	ssettm $0x7FFFFFFF  }
0xc3: {  	_ =	shalt  }
tec
execute0_lowered:
.L_overlay_start_1:
0x0: {  	(tag) =	ssettag $0x1  }
0x1: {  	s0 =	rddreg [dreg:$0x0];
	v0 =	vlaneseq.u32  }
0x2: {  	s1 =	srdreg.scid;
	s3 =	stileid.u32;
	v0 =	vmul.u32 $0x88, v0  }
0x3: {  	s2 =	rddreg [dreg:$0x1];
	v1 =	vimm.s32 $0x0;
	vm0 =	vcmask $0x300;
	s8 =	simm.s32 $0x9;
	s9 =	simm.s32 $0x80  }
0x4: {  	s13 =	simm.s32 $0xA400;
	s14 =	simm.s32 $0x1;
	s15 =	simm.s32 $0xE400;
	v1 =	vsel vm0, $0x3, v1;
	v2 =	vadd.s32 $0x880, v0  }
0x5: {  	s16 =	simm.s32 $0xC400;
	s17 =	simm.s32 $0x2;
	s18 =	simm.s32 $0x10600;
	v3 =	vadd.s32 $0x1100, v0;
	v4 =	vadd.s32 $0x1980, v0;
	v5 =	vor.u32 $0x1, v0  }
0x6: {  	s19 =	simm.s32 $0x5;
	s20 =	simm.s32 $0x3;
	s21 =	simm.s32 $0x12800;
	v6 =	vadd.s32 $0x881, v0;
	v7 =	vadd.s32 $0x1101, v0;
	v8 =	vadd.s32 $0x1981, v0  }
0x7: {  	s22 =	simm.s32 $0x6;
	s1 =	sand.u32 $0x1, s1;
	s4 =	sshll.u32 s3, $0x1;
	v9 =	vor.u32 $0x2, v0;
	v10 =	vadd.s32 $0x882, v0;
	v11 =	vadd.s32 $0x1102, v0  }
0x8: {  	s23 =	simm.s32 $0x4;
	s24 =	simm.s32 $0x14A00;
	s5 =	sor.u32 s1, s4;
	v12 =	vadd.s32 $0x1982, v0;
	v13 =	vor.u32 $0x3, v0;
	v14 =	vadd.s32 $0x883, v0  }
0x9: {  	s25 =	simm.s32 $0x7;
	s1 =	ssub.s32 $0x2, s1;
	s6 =	smul.u32 $0xC80, s5;
	v15 =	vadd.s32 $0x1103, v0;
	v16 =	vadd.s32 $0x1983, v0;
	v17 =	vor.u32 $0x4, v0  }
.Ltmp0:
0xa: {  	s3 =	simm.s32 $0x0;
	s30 =	sshrl.u32 s1, $0x1;
	v18 =	vadd.s32 $0x884, v0;
	v19 =	vadd.s32 $0x1104, v0;
	v20 =	vadd.s32 $0x1984, v0;
	(pc) =	sbr.rel .LBB2_1-.Ltmp0, $4  }
0xb: {  	s26 =	simm.s32 $0x8;
	[smem:$0x7FF] =	sst s3;
	v21 =	vor.u32 $0x5, v0;
	v22 =	vadd.s32 $0x885, v0;
	v23 =	vadd.s32 $0x1105, v0;
	s1 =	ssub.s32 s1, s30  }
0xc: {  	s4 =	sadd.s32 $0xF42A00, s0;
	v24 =	vadd.s32 $0x1985, v0;
	v25 =	vor.u32 $0x6, v0;
	v26 =	vadd.s32 $0x886, v0;
	s0 =	sadd.s32 s6, s0;
	s31 =	smax.u32 s1, $0x1  }
0xd: {  	_ =	strace $0x80000047;
	v27 =	vadd.s32 $0x1106, v0;
	v28 =	vadd.s32 $0x1986, v0;
	v29 =	vor.u32 $0x7, v0;
	s0 =	sadd.s32 $0x600, s0;
	[dreg:$0x4] =	wrdreg s31  }
0xe: {  	s28 =	simm.s32 $0x0;
	s5 =	smul.u32 $0xC8, s5;
	v30 =	vadd.s32 $0x887, v0;
	v31 =	vadd.s32 $0x1107, v0;
	v32 =	vadd.s32 $0x1987, v0;
	[dreg:$0x3] =	wrdreg s0  }
.LBB2_20:
0xf: {  	_ =	swait.ge [sflag:s26], $0x2000  }
0x10: {  	s28 =	sadd.s32 $0x1, s28;
	s0 =	rddreg [dreg:$0x4]  }
0x11: {  	p0 =	sne.s32 s28, s0  }
.Ltmp1:
0x12: {  	_ = 	snop;
	(pc) =	sbr.rel @!p0 .LBB2_21-.Ltmp1, $3  }
0x13: {  	_ =	sdelay $0x1  }
0x14: {  	[sflag:s26] =	ssyncset.done $0x0  }
0x15: {  	[sflag:s26] =	ssyncadd.s32 $0xFFFFE000  }
.LBB2_1:
0x16: {  	s0 =	rddreg [dreg:$0x3]  }
0x17: {  	[tilespmem:s3], [sflag:$0x9] =	stream.linear.gather [hbm4b:s0+s3], $0x6400, $0x38;
	[tilespmem:$0x16C00] =	vst v63  }
0x18: {  	_ =	swait.ge [sflag:s8], $0x6400  }
0x19: {  	[sflag:s8] =	ssyncset.done $0x0  }
0x1a: {  	s12 =	simm.s32 $0x6400;
	[sflag:s8] =	ssyncadd.s32 $0xFFFF9C00  }
0x1b: {  	[tilespmem:s12], [sflag:$0x1] =	stream.indirect.gather [hbm4b:s4+s9], $0x40, s3, s9, $0xb8;
	[tilespmem:$0x16C00] =	vst v63  }
0x1c: {  	s30 =	simm.s32 $0x8400  }
0x1d: {  	[tilespmem:s30], [sflag:$0x2] =	stream.indirect.gather [hbm4b:s4+s9], $0x40, s9, s9, $0xb8;
	[tilespmem:$0x16C00] =	vst v63  }
0x1e: {  	s31 =	simm.s32 $0x100;
	s29 =	simm.s32 $0x0  }
0x1f: {  	[tilespmem:s13], [sflag:$0x3] =	stream.indirect.gather [hbm4b:s4+s9], $0x40, s31, s9, $0xb8;
	[tilespmem:$0x16C00] =	vst v63  }
.LBB2_2:
0x20: {  	s0 =	simm.s32 $0x0  }
0x21: {  	v33 =	vmov s0  }
0x22: {  	v33 =	vshrl.u32 v33, $0x3  }
0x23: {  	_ =	swait.ge [sflag:s14], $0x2000;
	v33 =	vshll.u32 v33, v1  }
0x24: {  	[sflag:s14] =	ssyncset.done $0x0;
	v33 =	vbroadcast v33, $0x0  }
0x25: {  	s1 =	simm.s32 $0x6500;
	[sflag:s14] =	ssyncadd.s32 $0xFFFFE000  }
0x26: {  	v34 =	vld [tilespmem:s1+$0xFFFFFF00];
	v35 =	vadd.s32 v0, v33;
	_ =	sdelay $0x4  }
0x27: {  	[tilespmem:v35+s15+$0x0] =	vst.idx.msk $0xffff, v34  }
0x28: {  	v56 =	vadd.s32 v2, v33;
	v34 =	vld [tilespmem:s1+$0xFFFFFF10];
	_ =	sdelay $0x4  }
0x29: {  	[tilespmem:v56+s15+$0x0] =	vst.idx.msk $0xffff, v34  }
0x2a: {  	v57 =	vadd.s32 v3, v33;
	v34 =	vld [tilespmem:s1+$0xFFFFFF20];
	_ =	sdelay $0x4  }
0x2b: {  	[tilespmem:v57+s15+$0x0] =	vst.idx.msk $0xffff, v34  }
0x2c: {  	s6 =	simm.s32 $0x1;
	v33 =	vadd.s32 v4, v33;
	v34 =	vld [tilespmem:s1+$0xFFFFFF30]  }
0x2d: {  	v58 =	vmov s6  }
0x2e: {  	v35 =	vshrl.u32 v58, $0x3  }
0x2f: {  	v35 =	vshll.u32 v35, v1  }
0x30: {  	v35 =	vbroadcast v35, $0x0  }
0x31: {  	[tilespmem:v33+s15+$0x0] =	vst.idx.msk $0xffff, v34  }
0x32: {  	v59 =	vadd.s32 v5, v35;
	v33 =	vld [tilespmem:s1+$0xFFFFFF40];
	_ =	sdelay $0x4  }
0x33: {  	[tilespmem:v59+s15+$0x0] =	vst.idx.msk $0xffff, v33  }
0x34: {  	v60 =	vadd.s32 v6, v35;
	v33 =	vld [tilespmem:s1+$0xFFFFFF50];
	_ =	sdelay $0x4  }
0x35: {  	[tilespmem:v60+s15+$0x0] =	vst.idx.msk $0xffff, v33  }
0x36: {  	v61 =	vadd.s32 v7, v35;
	v33 =	vld [tilespmem:s1+$0xFFFFFF60];
	_ =	sdelay $0x4  }
0x37: {  	[tilespmem:v61+s15+$0x0] =	vst.idx.msk $0xffff, v33  }
0x38: {  	s7 =	simm.s32 $0x2;
	v62 =	vadd.s32 v8, v35;
	v33 =	vld [tilespmem:s1+$0xFFFFFF70]  }
0x39: {  	v63 =	vmov s7  }
0x3a: {  	v35 =	vshrl.u32 v63, $0x3  }
0x3b: {  	v35 =	vshll.u32 v35, v1  }
0x3c: {  	v35 =	vbroadcast v35, $0x0  }
0x3d: {  	[tilespmem:v62+s15+$0x0] =	vst.idx.msk $0xffff, v33  }
0x3e: {  	v36 =	vadd.s32 v9, v35;
	v33 =	vld [tilespmem:s1+$0xFFFFFF80];
	_ =	sdelay $0x4  }
0x3f: {  	[tilespmem:v36+s15+$0x0] =	vst.idx.msk $0xffff, v33  }
0x40: {  	v37 =	vadd.s32 v10, v35;
	v33 =	vld [tilespmem:s1+$0xFFFFFF90];
	_ =	sdelay $0x4  }
0x41: {  	[tilespmem:v37+s15+$0x0] =	vst.idx.msk $0xffff, v33  }
0x42: {  	v38 =	vadd.s32 v11, v35;
	v33 =	vld [tilespmem:s1+$0xFFFFFFA0];
	_ =	sdelay $0x4  }
0x43: {  	[tilespmem:v38+s15+$0x0] =	vst.idx.msk $0xffff, v33  }
0x44: {  	s10 =	simm.s32 $0x3;
	v39 =	vadd.s32 v12, v35;
	v33 =	vld [tilespmem:s1+$0xFFFFFFB0]  }
0x45: {  	v40 =	vmov s10  }
0x46: {  	v35 =	vshrl.u32 v40, $0x3  }
0x47: {  	v35 =	vshll.u32 v35, v1  }
0x48: {  	v35 =	vbroadcast v35, $0x0  }
0x49: {  	[tilespmem:v39+s15+$0x0] =	vst.idx.msk $0xffff, v33  }
0x4a: {  	v41 =	vadd.s32 v13, v35;
	v33 =	vld [tilespmem:s1+$0xFFFFFFC0];
	_ =	sdelay $0x4  }
0x4b: {  	[tilespmem:v41+s15+$0x0] =	vst.idx.msk $0xffff, v33  }
0x4c: {  	v42 =	vadd.s32 v14, v35;
	v33 =	vld [tilespmem:s1+$0xFFFFFFD0];
	_ =	sdelay $0x4  }
0x4d: {  	[tilespmem:v42+s15+$0x0] =	vst.idx.msk $0xffff, v33  }
0x4e: {  	v43 =	vadd.s32 v15, v35;
	v33 =	vld [tilespmem:s1+$0xFFFFFFE0];
	_ =	sdelay $0x4  }
0x4f: {  	[tilespmem:v43+s15+$0x0] =	vst.idx.msk $0xffff, v33  }
0x50: {  	s11 =	simm.s32 $0x4;
	v44 =	vadd.s32 v16, v35;
	v33 =	vld [tilespmem:s1+$0xFFFFFFF0]  }
0x51: {  	v45 =	vmov s11  }
0x52: {  	v35 =	vshrl.u32 v45, $0x3  }
0x53: {  	v35 =	vshll.u32 v35, v1  }
0x54: {  	v35 =	vbroadcast v35, $0x0  }
0x55: {  	[tilespmem:v44+s15+$0x0] =	vst.idx.msk $0xffff, v33  }
0x56: {  	v46 =	vadd.s32 v17, v35;
	v33 =	vld [tilespmem:s1+$0x0];
	_ =	sdelay $0x4  }
0x57: {  	[tilespmem:v46+s15+$0x0] =	vst.idx.msk $0xffff, v33  }
0x58: {  	v47 =	vadd.s32 v18, v35;
	v33 =	vld [tilespmem:s1+$0x10];
	_ =	sdelay $0x4  }
0x59: {  	[tilespmem:v47+s15+$0x0] =	vst.idx.msk $0xffff, v33  }
0x5a: {  	v48 =	vadd.s32 v19, v35;
	v33 =	vld [tilespmem:s1+$0x20];
	_ =	sdelay $0x4  }
0x5b: {  	[tilespmem:v48+s15+$0x0] =	vst.idx.msk $0xffff, v33  }
0x5c: {  	s12 =	simm.s32 $0x5;
	v49 =	vadd.s32 v20, v35;
	v33 =	vld [tilespmem:s1+$0x30]  }
0x5d: {  	v50 =	vmov s12  }
0x5e: {  	v35 =	vshrl.u32 v50, $0x3  }
0x5f: {  	v35 =	vshll.u32 v35, v1  }
0x60: {  	v35 =	vbroadcast v35, $0x0  }
0x61: {  	[tilespmem:v49+s15+$0x0] =	vst.idx.msk $0xffff, v33  }
0x62: {  	v51 =	vadd.s32 v21, v35;
	v33 =	vld [tilespmem:s1+$0x40];
	_ =	sdelay $0x4  }
0x63: {  	[tilespmem:v51+s15+$0x0] =	vst.idx.msk $0xffff, v33  }
0x64: {  	v52 =	vadd.s32 v22, v35;
	v33 =	vld [tilespmem:s1+$0x50];
	_ =	sdelay $0x4  }
0x65: {  	[tilespmem:v52+s15+$0x0] =	vst.idx.msk $0xffff, v33  }
0x66: {  	v53 =	vadd.s32 v23, v35;
	v33 =	vld [tilespmem:s1+$0x60];
	_ =	sdelay $0x4  }
0x67: {  	[tilespmem:v53+s15+$0x0] =	vst.idx.msk $0xffff, v33  }
0x68: {  	s30 =	simm.s32 $0x6;
	v54 =	vadd.s32 v24, v35;
	v33 =	vld [tilespmem:s1+$0x70]  }
0x69: {  	v55 =	vmov s30  }
0x6a: {  	v35 =	vshrl.u32 v55, $0x3  }
0x6b: {  	v35 =	vshll.u32 v35, v1  }
0x6c: {  	v35 =	vbroadcast v35, $0x0  }
0x6d: {  	[tilespmem:v54+s15+$0x0] =	vst.idx.msk $0xffff, v33  }
0x6e: {  	v56 =	vadd.s32 v25, v35;
	v33 =	vld [tilespmem:s1+$0x80];
	_ =	sdelay $0x4  }
0x6f: {  	[tilespmem:v56+s15+$0x0] =	vst.idx.msk $0xffff, v33  }
0x70: {  	v57 =	vadd.s32 v26, v35;
	v33 =	vld [tilespmem:s1+$0x90];
	_ =	sdelay $0x4  }
0x71: {  	[tilespmem:v57+s15+$0x0] =	vst.idx.msk $0xffff, v33  }
0x72: {  	v58 =	vadd.s32 v27, v35;
	v33 =	vld [tilespmem:s1+$0xA0];
	_ =	sdelay $0x4  }
0x73: {  	[tilespmem:v58+s15+$0x0] =	vst.idx.msk $0xffff, v33  }
0x74: {  	s31 =	simm.s32 $0x7;
	v59 =	vadd.s32 v28, v35;
	v33 =	vld [tilespmem:s1+$0xB0]  }
0x75: {  	v60 =	vmov s31  }
0x76: {  	v35 =	vshrl.u32 v60, $0x3  }
0x77: {  	v35 =	vshll.u32 v35, v1  }
0x78: {  	v35 =	vbroadcast v35, $0x0  }
0x79: {  	[tilespmem:v59+s15+$0x0] =	vst.idx.msk $0xffff, v33  }
0x7a: {  	v61 =	vadd.s32 v29, v35;
	v33 =	vld [tilespmem:s1+$0xC0];
	_ =	sdelay $0x4  }
0x7b: {  	[tilespmem:v61+s15+$0x0] =	vst.idx.msk $0xffff, v33  }
0x7c: {  	v62 =	vadd.s32 v30, v35;
	v33 =	vld [tilespmem:s1+$0xD0];
	_ =	sdelay $0x4  }
0x7d: {  	[tilespmem:v62+s15+$0x0] =	vst.idx.msk $0xffff, v33  }
0x7e: {  	v63 =	vadd.s32 v31, v35;
	v33 =	vld [tilespmem:s1+$0xE0];
	_ =	sdelay $0x4  }
0x7f: {  	[tilespmem:v63+s15+$0x0] =	vst.idx.msk $0xffff, v33  }
0x80: {  	s0 =	simm.s32 $0xF;
	s11 =	simm.s32 $0x8;
	s10 =	simm.s32 $0x17;
	v34 =	vadd.s32 v32, v35;
	v33 =	vld [tilespmem:s1+$0xF0]  }
.LBB2_3:
0x81: {  	p0 =	sne.s32 s10, $0x7F;
	v35 =	vmov s11  }
0x82: {  	v35 =	vshrl.u32 v35, $0x3  }
0x83: {  	v35 =	vshll.u32 v35, v1  }
0x84: {  	v35 =	vbroadcast v35, $0x0  }
0x85: {  	s1 =	sadd.s32 $0x200, s1;
	[tilespmem:v34+s15+$0x0] =	vst.idx.msk $0xffff, v33  }
0x86: {  	v33 =	vld [tilespmem:s1+$0xFFFFFF00];
	v34 =	vadd.s32 v0, v35;
	_ =	sdelay $0x4  }
0x87: {  	[tilespmem:v34+s15+$0x0] =	vst.idx.msk $0xffff, v33  }
0x88: {  	v34 =	vadd.s32 v2, v35;
	v33 =	vld [tilespmem:s1+$0xFFFFFF10];
	_ =	sdelay $0x4  }
0x89: {  	[tilespmem:v34+s15+$0x0] =	vst.idx.msk $0xffff, v33  }
0x8a: {  	v34 =	vadd.s32 v3, v35;
	v33 =	vld [tilespmem:s1+$0xFFFFFF20];
	_ =	sdelay $0x4  }
0x8b: {  	[tilespmem:v34+s15+$0x0] =	vst.idx.msk $0xffff, v33  }
0x8c: {  	s11 =	sadd.s32 $0xFFFFFFFA, s0;
	v34 =	vadd.s32 v4, v35;
	v33 =	vld [tilespmem:s1+$0xFFFFFF30]  }
0x8d: {  	v35 =	vmov s11  }
0x8e: {  	v35 =	vshrl.u32 v35, $0x3  }
0x8f: {  	v35 =	vshll.u32 v35, v1  }
0x90: {  	v35 =	vbroadcast v35, $0x0  }
0x91: {  	[tilespmem:v34+s15+$0x0] =	vst.idx.msk $0xffff, v33  }
0x92: {  	v34 =	vadd.s32 v5, v35;
	v33 =	vld [tilespmem:s1+$0xFFFFFF40];
	_ =	sdelay $0x4  }
0x93: {  	[tilespmem:v34+s15+$0x0] =	vst.idx.msk $0xffff, v33  }
0x94: {  	v34 =	vadd.s32 v6, v35;
	v33 =	vld [tilespmem:s1+$0xFFFFFF50];
	_ =	sdelay $0x4  }
0x95: {  	[tilespmem:v34+s15+$0x0] =	vst.idx.msk $0xffff, v33  }
0x96: {  	v34 =	vadd.s32 v7, v35;
	v33 =	vld [tilespmem:s1+$0xFFFFFF60];
	_ =	sdelay $0x4  }
0x97: {  	[tilespmem:v34+s15+$0x0] =	vst.idx.msk $0xffff, v33  }
0x98: {  	s11 =	sadd.s32 $0xFFFFFFFB, s0;
	v34 =	vadd.s32 v8, v35;
	v33 =	vld [tilespmem:s1+$0xFFFFFF70]  }
0x99: {  	v35 =	vmov s11  }
0x9a: {  	v35 =	vshrl.u32 v35, $0x3  }
0x9b: {  	v35 =	vshll.u32 v35, v1  }
0x9c: {  	v35 =	vbroadcast v35, $0x0  }
0x9d: {  	[tilespmem:v34+s15+$0x0] =	vst.idx.msk $0xffff, v33  }
0x9e: {  	v34 =	vadd.s32 v9, v35;
	v33 =	vld [tilespmem:s1+$0xFFFFFF80];
	_ =	sdelay $0x4  }
0x9f: {  	[tilespmem:v34+s15+$0x0] =	vst.idx.msk $0xffff, v33  }
0xa0: {  	v34 =	vadd.s32 v10, v35;
	v33 =	vld [tilespmem:s1+$0xFFFFFF90];
	_ =	sdelay $0x4  }
0xa1: {  	[tilespmem:v34+s15+$0x0] =	vst.idx.msk $0xffff, v33  }
0xa2: {  	v34 =	vadd.s32 v11, v35;
	v33 =	vld [tilespmem:s1+$0xFFFFFFA0];
	_ =	sdelay $0x4  }
0xa3: {  	[tilespmem:v34+s15+$0x0] =	vst.idx.msk $0xffff, v33  }
0xa4: {  	s11 =	sadd.s32 $0xFFFFFFFC, s0;
	v34 =	vadd.s32 v12, v35;
	v33 =	vld [tilespmem:s1+$0xFFFFFFB0]  }
0xa5: {  	v35 =	vmov s11  }
0xa6: {  	v35 =	vshrl.u32 v35, $0x3  }
0xa7: {  	v35 =	vshll.u32 v35, v1  }
0xa8: {  	v35 =	vbroadcast v35, $0x0  }
0xa9: {  	[tilespmem:v34+s15+$0x0] =	vst.idx.msk $0xffff, v33  }
0xaa: {  	v34 =	vadd.s32 v13, v35;
	v33 =	vld [tilespmem:s1+$0xFFFFFFC0];
	_ =	sdelay $0x4  }
0xab: {  	[tilespmem:v34+s15+$0x0] =	vst.idx.msk $0xffff, v33  }
0xac: {  	v34 =	vadd.s32 v14, v35;
	v33 =	vld [tilespmem:s1+$0xFFFFFFD0];
	_ =	sdelay $0x4  }
0xad: {  	[tilespmem:v34+s15+$0x0] =	vst.idx.msk $0xffff, v33  }
0xae: {  	v34 =	vadd.s32 v15, v35;
	v33 =	vld [tilespmem:s1+$0xFFFFFFE0];
	_ =	sdelay $0x4  }
0xaf: {  	[tilespmem:v34+s15+$0x0] =	vst.idx.msk $0xffff, v33  }
0xb0: {  	s11 =	sadd.s32 $0xFFFFFFFD, s0;
	v34 =	vadd.s32 v16, v35;
	v33 =	vld [tilespmem:s1+$0xFFFFFFF0]  }
0xb1: {  	v35 =	vmov s11  }
0xb2: {  	v35 =	vshrl.u32 v35, $0x3  }
0xb3: {  	v35 =	vshll.u32 v35, v1  }
0xb4: {  	v35 =	vbroadcast v35, $0x0  }
0xb5: {  	[tilespmem:v34+s15+$0x0] =	vst.idx.msk $0xffff, v33  }
0xb6: {  	v34 =	vadd.s32 v17, v35;
	v33 =	vld [tilespmem:s1+$0x0];
	_ =	sdelay $0x4  }
0xb7: {  	[tilespmem:v34+s15+$0x0] =	vst.idx.msk $0xffff, v33  }
0xb8: {  	v34 =	vadd.s32 v18, v35;
	v33 =	vld [tilespmem:s1+$0x10];
	_ =	sdelay $0x4  }
0xb9: {  	[tilespmem:v34+s15+$0x0] =	vst.idx.msk $0xffff, v33  }
0xba: {  	v34 =	vadd.s32 v19, v35;
	v33 =	vld [tilespmem:s1+$0x20];
	_ =	sdelay $0x4  }
0xbb: {  	[tilespmem:v34+s15+$0x0] =	vst.idx.msk $0xffff, v33  }
0xbc: {  	s11 =	sadd.s32 $0xFFFFFFFE, s0;
	v34 =	vadd.s32 v20, v35;
	v33 =	vld [tilespmem:s1+$0x30]  }
0xbd: {  	v35 =	vmov s11  }
0xbe: {  	v35 =	vshrl.u32 v35, $0x3  }
0xbf: {  	v35 =	vshll.u32 v35, v1  }
0xc0: {  	v35 =	vbroadcast v35, $0x0  }
0xc1: {  	[tilespmem:v34+s15+$0x0] =	vst.idx.msk $0xffff, v33  }
0xc2: {  	v34 =	vadd.s32 v21, v35;
	v33 =	vld [tilespmem:s1+$0x40];
	_ =	sdelay $0x4  }
0xc3: {  	[tilespmem:v34+s15+$0x0] =	vst.idx.msk $0xffff, v33  }
0xc4: {  	v34 =	vadd.s32 v22, v35;
	v33 =	vld [tilespmem:s1+$0x50];
	_ =	sdelay $0x4  }
0xc5: {  	[tilespmem:v34+s15+$0x0] =	vst.idx.msk $0xffff, v33  }
0xc6: {  	v34 =	vadd.s32 v23, v35;
	v33 =	vld [tilespmem:s1+$0x60];
	_ =	sdelay $0x4  }
0xc7: {  	[tilespmem:v34+s15+$0x0] =	vst.idx.msk $0xffff, v33  }
0xc8: {  	s11 =	sadd.s32 $0xFFFFFFFF, s0;
	v34 =	vadd.s32 v24, v35;
	v33 =	vld [tilespmem:s1+$0x70]  }
0xc9: {  	v35 =	vmov s11  }
0xca: {  	v35 =	vshrl.u32 v35, $0x3  }
0xcb: {  	v35 =	vshll.u32 v35, v1  }
0xcc: {  	v35 =	vbroadcast v35, $0x0  }
0xcd: {  	[tilespmem:v34+s15+$0x0] =	vst.idx.msk $0xffff, v33  }
0xce: {  	v34 =	vadd.s32 v25, v35;
	v33 =	vld [tilespmem:s1+$0x80];
	_ =	sdelay $0x4  }
0xcf: {  	[tilespmem:v34+s15+$0x0] =	vst.idx.msk $0xffff, v33  }
0xd0: {  	v34 =	vadd.s32 v26, v35;
	v33 =	vld [tilespmem:s1+$0x90];
	_ =	sdelay $0x4  }
0xd1: {  	[tilespmem:v34+s15+$0x0] =	vst.idx.msk $0xffff, v33  }
0xd2: {  	v34 =	vadd.s32 v27, v35;
	v33 =	vld [tilespmem:s1+$0xA0];
	_ =	sdelay $0x4  }
0xd3: {  	[tilespmem:v34+s15+$0x0] =	vst.idx.msk $0xffff, v33  }
0xd4: {  	v34 =	vadd.s32 v28, v35;
	v33 =	vld [tilespmem:s1+$0xB0]  }
0xd5: {  	v35 =	vmov s0;
	s0 =	smov.u32 s10  }
0xd6: {  	v35 =	vshrl.u32 v35, $0x3  }
0xd7: {  	v35 =	vshll.u32 v35, v1  }
0xd8: {  	v35 =	vbroadcast v35, $0x0  }
0xd9: {  	[tilespmem:v34+s15+$0x0] =	vst.idx.msk $0xffff, v33  }
0xda: {  	v34 =	vadd.s32 v29, v35;
	v33 =	vld [tilespmem:s1+$0xC0];
	_ =	sdelay $0x4  }
0xdb: {  	[tilespmem:v34+s15+$0x0] =	vst.idx.msk $0xffff, v33  }
0xdc: {  	v34 =	vadd.s32 v30, v35;
	v33 =	vld [tilespmem:s1+$0xD0];
	_ =	sdelay $0x4  }
0xdd: {  	[tilespmem:v34+s15+$0x0] =	vst.idx.msk $0xffff, v33  }
0xde: {  	v34 =	vadd.s32 v31, v35;
	v33 =	vld [tilespmem:s1+$0xE0];
	_ =	sdelay $0x1  }
.Ltmp2:
0xdf: {  	(pc) =	sbr.rel @p0 .LBB2_3-.Ltmp2, $3  }
0xe0: {  	_ =	sdelay $0x1  }
0xe1: {  	[tilespmem:v34+s15+$0x0] =	vst.idx.msk $0xffff, v33  }
0xe2: {  	s10 =	sadd.s32 $0x8, s10;
	s11 =	sadd.s32 $0xFFFFFFF9, s0;
	v34 =	vadd.s32 v32, v35;
	v33 =	vld [tilespmem:s1+$0xF0]  }
0xe3: {  	v35 =	vmov s11  }
0xe4: {  	v35 =	vshrl.u32 v35, $0x3  }
0xe5: {  	v35 =	vshll.u32 v35, v1  }
0xe6: {  	v35 =	vbroadcast v35, $0x0  }
0xe7: {  	s1 =	sadd.s32 $0x200, s1;
	[tilespmem:v34+s15+$0x0] =	vst.idx.msk $0xffff, v33  }
0xe8: {  	v33 =	vld [tilespmem:s1+$0xFFFFFF00];
	v53 =	vadd.s32 v0, v35;
	_ =	sdelay $0x4  }
0xe9: {  	[tilespmem:v53+s15+$0x0] =	vst.idx.msk $0xffff, v33  }
0xea: {  	v54 =	vadd.s32 v2, v35;
	v33 =	vld [tilespmem:s1+$0xFFFFFF10];
	_ =	sdelay $0x4  }
0xeb: {  	[tilespmem:v54+s15+$0x0] =	vst.idx.msk $0xffff, v33  }
0xec: {  	v55 =	vadd.s32 v3, v35;
	v33 =	vld [tilespmem:s1+$0xFFFFFF20];
	_ =	sdelay $0x4  }
0xed: {  	[tilespmem:v55+s15+$0x0] =	vst.idx.msk $0xffff, v33  }
0xee: {  	s10 =	sadd.s32 $0xFFFFFFFA, s0;
	v56 =	vadd.s32 v4, v35;
	v33 =	vld [tilespmem:s1+$0xFFFFFF30]  }
0xef: {  	v57 =	vmov s10  }
0xf0: {  	v35 =	vshrl.u32 v57, $0x3  }
0xf1: {  	v35 =	vshll.u32 v35, v1  }
0xf2: {  	v35 =	vbroadcast v35, $0x0  }
0xf3: {  	[tilespmem:v56+s15+$0x0] =	vst.idx.msk $0xffff, v33  }
0xf4: {  	v58 =	vadd.s32 v5, v35;
	v33 =	vld [tilespmem:s1+$0xFFFFFF40];
	_ =	sdelay $0x4  }
0xf5: {  	[tilespmem:v58+s15+$0x0] =	vst.idx.msk $0xffff, v33  }
0xf6: {  	v59 =	vadd.s32 v6, v35;
	v33 =	vld [tilespmem:s1+$0xFFFFFF50];
	_ =	sdelay $0x4  }
0xf7: {  	[tilespmem:v59+s15+$0x0] =	vst.idx.msk $0xffff, v33  }
0xf8: {  	v60 =	vadd.s32 v7, v35;
	v33 =	vld [tilespmem:s1+$0xFFFFFF60];
	_ =	sdelay $0x4  }
0xf9: {  	[tilespmem:v60+s15+$0x0] =	vst.idx.msk $0xffff, v33  }
0xfa: {  	s11 =	sadd.s32 $0xFFFFFFFB, s0;
	v61 =	vadd.s32 v8, v35;
	v33 =	vld [tilespmem:s1+$0xFFFFFF70]  }
0xfb: {  	v62 =	vmov s11  }
0xfc: {  	v35 =	vshrl.u32 v62, $0x3  }
0xfd: {  	v35 =	vshll.u32 v35, v1  }
0xfe: {  	v35 =	vbroadcast v35, $0x0  }
0xff: {  	[tilespmem:v61+s15+$0x0] =	vst.idx.msk $0xffff, v33  }
0x100: {  	v63 =	vadd.s32 v9, v35;
	v33 =	vld [tilespmem:s1+$0xFFFFFF80];
	_ =	sdelay $0x4  }
0x101: {  	[tilespmem:v63+s15+$0x0] =	vst.idx.msk $0xffff, v33  }
0x102: {  	v36 =	vadd.s32 v10, v35;
	v33 =	vld [tilespmem:s1+$0xFFFFFF90];
	_ =	sdelay $0x4  }
0x103: {  	[tilespmem:v36+s15+$0x0] =	vst.idx.msk $0xffff, v33  }
0x104: {  	v37 =	vadd.s32 v11, v35;
	v33 =	vld [tilespmem:s1+$0xFFFFFFA0];
	_ =	sdelay $0x4  }
0x105: {  	[tilespmem:v37+s15+$0x0] =	vst.idx.msk $0xffff, v33  }
0x106: {  	s12 =	sadd.s32 $0xFFFFFFFC, s0;
	v38 =	vadd.s32 v12, v35;
	v33 =	vld [tilespmem:s1+$0xFFFFFFB0]  }
0x107: {  	v39 =	vmov s12  }
0x108: {  	v35 =	vshrl.u32 v39, $0x3  }
0x109: {  	v35 =	vshll.u32 v35, v1  }
0x10a: {  	v35 =	vbroadcast v35, $0x0  }
0x10b: {  	[tilespmem:v38+s15+$0x0] =	vst.idx.msk $0xffff, v33  }
0x10c: {  	v40 =	vadd.s32 v13, v35;
	v33 =	vld [tilespmem:s1+$0xFFFFFFC0];
	_ =	sdelay $0x4  }
0x10d: {  	[tilespmem:v40+s15+$0x0] =	vst.idx.msk $0xffff, v33  }
0x10e: {  	v41 =	vadd.s32 v14, v35;
	v33 =	vld [tilespmem:s1+$0xFFFFFFD0];
	_ =	sdelay $0x4  }
0x10f: {  	[tilespmem:v41+s15+$0x0] =	vst.idx.msk $0xffff, v33  }
0x110: {  	v42 =	vadd.s32 v15, v35;
	v33 =	vld [tilespmem:s1+$0xFFFFFFE0];
	_ =	sdelay $0x4  }
0x111: {  	[tilespmem:v42+s15+$0x0] =	vst.idx.msk $0xffff, v33  }
0x112: {  	s30 =	sadd.s32 $0xFFFFFFFD, s0;
	v43 =	vadd.s32 v16, v35;
	v33 =	vld [tilespmem:s1+$0xFFFFFFF0]  }
0x113: {  	v44 =	vmov s30  }
0x114: {  	v35 =	vshrl.u32 v44, $0x3  }
0x115: {  	v35 =	vshll.u32 v35, v1  }
0x116: {  	v35 =	vbroadcast v35, $0x0  }
0x117: {  	[tilespmem:v43+s15+$0x0] =	vst.idx.msk $0xffff, v33  }
0x118: {  	v45 =	vadd.s32 v17, v35;
	v33 =	vld [tilespmem:s1+$0x0];
	_ =	sdelay $0x4  }
0x119: {  	[tilespmem:v45+s15+$0x0] =	vst.idx.msk $0xffff, v33  }
0x11a: {  	v46 =	vadd.s32 v18, v35;
	v33 =	vld [tilespmem:s1+$0x10];
	_ =	sdelay $0x4  }
0x11b: {  	[tilespmem:v46+s15+$0x0] =	vst.idx.msk $0xffff, v33  }
0x11c: {  	v47 =	vadd.s32 v19, v35;
	v33 =	vld [tilespmem:s1+$0x20];
	_ =	sdelay $0x4  }
0x11d: {  	[tilespmem:v47+s15+$0x0] =	vst.idx.msk $0xffff, v33  }
0x11e: {  	s6 =	sadd.s32 $0xFFFFFFFE, s0;
	v48 =	vadd.s32 v20, v35;
	v33 =	vld [tilespmem:s1+$0x30]  }
0x11f: {  	v49 =	vmov s6  }
0x120: {  	v35 =	vshrl.u32 v49, $0x3  }
0x121: {  	v35 =	vshll.u32 v35, v1  }
0x122: {  	v35 =	vbroadcast v35, $0x0  }
0x123: {  	[tilespmem:v48+s15+$0x0] =	vst.idx.msk $0xffff, v33  }
0x124: {  	v50 =	vadd.s32 v21, v35;
	v33 =	vld [tilespmem:s1+$0x40];
	_ =	sdelay $0x4  }
0x125: {  	[tilespmem:v50+s15+$0x0] =	vst.idx.msk $0xffff, v33  }
0x126: {  	v51 =	vadd.s32 v22, v35;
	v33 =	vld [tilespmem:s1+$0x50];
	_ =	sdelay $0x4  }
0x127: {  	[tilespmem:v51+s15+$0x0] =	vst.idx.msk $0xffff, v33  }
0x128: {  	v52 =	vadd.s32 v23, v35;
	v33 =	vld [tilespmem:s1+$0x60];
	_ =	sdelay $0x4  }
0x129: {  	[tilespmem:v52+s15+$0x0] =	vst.idx.msk $0xffff, v33  }
0x12a: {  	s7 =	sadd.s32 $0xFFFFFFFF, s0;
	v53 =	vadd.s32 v24, v35;
	v33 =	vld [tilespmem:s1+$0x70]  }
0x12b: {  	v54 =	vmov s7  }
0x12c: {  	v35 =	vshrl.u32 v54, $0x3  }
0x12d: {  	v35 =	vshll.u32 v35, v1  }
0x12e: {  	v35 =	vbroadcast v35, $0x0  }
0x12f: {  	[tilespmem:v53+s15+$0x0] =	vst.idx.msk $0xffff, v33  }
0x130: {  	v55 =	vadd.s32 v25, v35;
	v33 =	vld [tilespmem:s1+$0x80];
	_ =	sdelay $0x4  }
0x131: {  	[tilespmem:v55+s15+$0x0] =	vst.idx.msk $0xffff, v33  }
0x132: {  	v56 =	vadd.s32 v26, v35;
	v33 =	vld [tilespmem:s1+$0x90];
	_ =	sdelay $0x4  }
0x133: {  	[tilespmem:v56+s15+$0x0] =	vst.idx.msk $0xffff, v33  }
0x134: {  	v57 =	vadd.s32 v27, v35;
	v33 =	vld [tilespmem:s1+$0xA0];
	_ =	sdelay $0x4  }
0x135: {  	[tilespmem:v57+s15+$0x0] =	vst.idx.msk $0xffff, v33  }
0x136: {  	v58 =	vadd.s32 v28, v35;
	v33 =	vld [tilespmem:s1+$0xB0]  }
0x137: {  	v59 =	vmov s0  }
0x138: {  	v35 =	vshrl.u32 v59, $0x3  }
0x139: {  	v35 =	vshll.u32 v35, v1  }
0x13a: {  	v35 =	vbroadcast v35, $0x0  }
0x13b: {  	[tilespmem:v58+s15+$0x0] =	vst.idx.msk $0xffff, v33  }
0x13c: {  	v60 =	vadd.s32 v29, v35;
	v33 =	vld [tilespmem:s1+$0xC0];
	_ =	sdelay $0x4  }
0x13d: {  	[tilespmem:v60+s15+$0x0] =	vst.idx.msk $0xffff, v33  }
0x13e: {  	v61 =	vadd.s32 v30, v35;
	v33 =	vld [tilespmem:s1+$0xD0];
	_ =	sdelay $0x4  }
0x13f: {  	[tilespmem:v61+s15+$0x0] =	vst.idx.msk $0xffff, v33  }
0x140: {  	v62 =	vadd.s32 v31, v35;
	v33 =	vld [tilespmem:s1+$0xE0];
	_ =	sdelay $0x4  }
0x141: {  	[tilespmem:v62+s15+$0x0] =	vst.idx.msk $0xffff, v33  }
0x142: {  	s31 =	sshll.u32 s29, $0x2;
	v63 =	vadd.s32 v32, v35;
	v33 =	vld [tilespmem:s1+$0xF0]  }
0x143: {  	s11 =	sadd.s32 s5, s31  }
0x144: {  	s12 =	sshll.u32 s11, $0x7  }
0x145: {  	s0 =	sshll.u32 s11, $0xA;
	s1 =	sand.u32 $0x3E00, s12  }
0x146: {  	s0 =	sand.u32 $0xFFE0000, s0;
	s1 =	sadd.s32 s2, s1  }
0x147: {  	s30 =	simm.s32 $0xE400;
	s1 =	sadd.s32 s0, s1;
	[tilespmem:v63+s15+$0x0] =	vst.idx.msk $0xffff, v33  }
0x148: {  	[hbm4b:s1+s3] =	stream.linear.scatter [tilespmem:s30], [sflag:$0x5], $0x80, $0x38;
	[tilespmem:$0x16C00] =	vst v63  }
0x149: {  	s6 =	simm.s32 $0xE488;
	s7 =	sadd.s32 $0x10, s1  }
0x14a: {  	[hbm4b:s7+s3] =	stream.linear.scatter [tilespmem:s6], [sflag:$0x5], $0x80, $0x38;
	[tilespmem:$0x16C00] =	vst v63  }
0x14b: {  	s10 =	simm.s32 $0xE510;
	s11 =	sadd.s32 $0x20, s1  }
0x14c: {  	[hbm4b:s11+s3] =	stream.linear.scatter [tilespmem:s10], [sflag:$0x5], $0x80, $0x38;
	[tilespmem:$0x16C00] =	vst v63  }
0x14d: {  	s12 =	simm.s32 $0xE598;
	s30 =	sadd.s32 $0x30, s1  }
0x14e: {  	[hbm4b:s30+s3] =	stream.linear.scatter [tilespmem:s12], [sflag:$0x5], $0x80, $0x38;
	[tilespmem:$0x16C00] =	vst v63  }
0x14f: {  	s6 =	simm.s32 $0xE620;
	s7 =	sadd.s32 $0x40, s1  }
0x150: {  	[hbm4b:s7+s3] =	stream.linear.scatter [tilespmem:s6], [sflag:$0x5], $0x80, $0x38;
	[tilespmem:$0x16C00] =	vst v63  }
0x151: {  	s0 =	simm.s32 $0x440;
	s10 =	simm.s32 $0xE6A8;
	s11 =	sadd.s32 $0x50, s1  }
0x152: {  	[hbm4b:s11+s3] =	stream.linear.scatter [tilespmem:s10], [sflag:$0x5], $0x80, $0x38;
	[tilespmem:$0x16C00] =	vst v63  }
0x153: {  	s12 =	simm.s32 $0xE730;
	s30 =	sadd.s32 $0x60, s1;
	s10 =	simm.s32 $0x2200  }
0x154: {  	[hbm4b:s30+s3] =	stream.linear.scatter [tilespmem:s12], [sflag:$0x5], $0x80, $0x38;
	[tilespmem:$0x16C00] =	vst v63  }
0x155: {  	s11 =	simm.s32 $0xE7B8;
	s12 =	sadd.s32 $0x70, s1;
	s1 =	sadd.s32 $0x4000, s1  }
.LBB2_5:
0x156: {  	[hbm4b:s12+s3] =	stream.linear.scatter [tilespmem:s11], [sflag:$0x5], $0x80, $0x38;
	[tilespmem:$0x16C00] =	vst v63  }
0x157: {  	s11 =	smov.u32 s0;
	s0 =	smov.u32 s10  }
0x158: {  	s30 =	sadd.s32 $0x1100, s10;
	s0 =	sshra.s32 s0, $0x2;
	s12 =	sadd.s32 $0xE400, s11  }
0x159: {  	[hbm4b:s1+s3] =	stream.linear.scatter [tilespmem:s12], [sflag:$0x5], $0x80, $0x38;
	[tilespmem:$0x16C00] =	vst v63  }
0x15a: {  	p0 =	sne.s32 s10, $0x7700;
	s10 =	sadd.s32 $0xE488, s11;
	s12 =	sadd.s32 $0x10, s1  }
0x15b: {  	[hbm4b:s12+s3] =	stream.linear.scatter [tilespmem:s10], [sflag:$0x5], $0x80, $0x38;
	[tilespmem:$0x16C00] =	vst v63  }
0x15c: {  	s10 =	sadd.s32 $0xE510, s11;
	s12 =	sadd.s32 $0x20, s1  }
0x15d: {  	[hbm4b:s12+s3] =	stream.linear.scatter [tilespmem:s10], [sflag:$0x5], $0x80, $0x38;
	[tilespmem:$0x16C00] =	vst v63  }
0x15e: {  	s10 =	sadd.s32 $0xE598, s11;
	s12 =	sadd.s32 $0x30, s1  }
0x15f: {  	[hbm4b:s12+s3] =	stream.linear.scatter [tilespmem:s10], [sflag:$0x5], $0x80, $0x38;
	[tilespmem:$0x16C00] =	vst v63  }
0x160: {  	s10 =	sadd.s32 $0xE620, s11;
	s12 =	sadd.s32 $0x40, s1  }
0x161: {  	[hbm4b:s12+s3] =	stream.linear.scatter [tilespmem:s10], [sflag:$0x5], $0x80, $0x38;
	[tilespmem:$0x16C00] =	vst v63  }
.Ltmp3:
0x162: {  	s10 =	sadd.s32 $0xE6A8, s11;
	s12 =	sadd.s32 $0x50, s1;
	(pc) =	sbr.rel @p0 .LBB2_5-.Ltmp3, $4  }
0x163: {  	[hbm4b:s12+s3] =	stream.linear.scatter [tilespmem:s10], [sflag:$0x5], $0x80, $0x38;
	[tilespmem:$0x16C00] =	vst v63  }
0x164: {  	s10 =	sadd.s32 $0xE730, s11;
	s12 =	sadd.s32 $0x60, s1;
	s11 =	sadd.s32 $0xE7B8, s11  }
0x165: {  	[hbm4b:s12+s3] =	stream.linear.scatter [tilespmem:s10], [sflag:$0x5], $0x80, $0x38;
	[tilespmem:$0x16C00] =	vst v63  }
0x166: {  	s12 =	sadd.s32 $0x70, s1;
	s1 =	sadd.s32 $0x4000, s1;
	s10 =	smov.u32 s30  }
0x167: {  	[hbm4b:s12+s3] =	stream.linear.scatter [tilespmem:s11], [sflag:$0x5], $0x80, $0x38;
	[tilespmem:$0x16C00] =	vst v63  }
0x168: {  	s10 =	sadd.s32 $0xE400, s0  }
0x169: {  	[hbm4b:s1+s3] =	stream.linear.scatter [tilespmem:s10], [sflag:$0x5], $0x80, $0x38;
	[tilespmem:$0x16C00] =	vst v63  }
0x16a: {  	s11 =	sadd.s32 $0xE488, s0;
	s12 =	sadd.s32 $0x10, s1  }
0x16b: {  	[hbm4b:s12+s3] =	stream.linear.scatter [tilespmem:s11], [sflag:$0x5], $0x80, $0x38;
	[tilespmem:$0x16C00] =	vst v63  }
0x16c: {  	s6 =	sadd.s32 $0xE510, s0;
	s7 =	sadd.s32 $0x20, s1  }
0x16d: {  	[hbm4b:s7+s3] =	stream.linear.scatter [tilespmem:s6], [sflag:$0x5], $0x80, $0x38;
	[tilespmem:$0x16C00] =	vst v63  }
0x16e: {  	s11 =	sadd.s32 $0xE598, s0;
	s12 =	sadd.s32 $0x30, s1  }
0x16f: {  	[hbm4b:s12+s3] =	stream.linear.scatter [tilespmem:s11], [sflag:$0x5], $0x80, $0x38;
	[tilespmem:$0x16C00] =	vst v63  }
0x170: {  	s6 =	sadd.s32 $0xE620, s0;
	s7 =	sadd.s32 $0x40, s1  }
0x171: {  	[hbm4b:s7+s3] =	stream.linear.scatter [tilespmem:s6], [sflag:$0x5], $0x80, $0x38;
	[tilespmem:$0x16C00] =	vst v63  }
0x172: {  	s11 =	sadd.s32 $0xE6A8, s0;
	s12 =	sadd.s32 $0x50, s1  }
0x173: {  	[hbm4b:s12+s3] =	stream.linear.scatter [tilespmem:s11], [sflag:$0x5], $0x80, $0x38;
	[tilespmem:$0x16C00] =	vst v63  }
0x174: {  	p0 =	seq.s32 s29, $0x0;
	s6 =	sadd.s32 $0xE730, s0;
	s7 =	sadd.s32 $0x60, s1  }
0x175: {  	[hbm4b:s7+s3] =	stream.linear.scatter [tilespmem:s6], [sflag:$0x5], $0x80, $0x38;
	[tilespmem:$0x16C00] =	vst v63  }
0x176: {  	s10 =	sadd.s32 $0xE7B8, s0;
	s0 =	simm.s32 @!p0 $0x8;
	s11 =	sadd.s32 $0x70, s1  }
0x177: {  	[hbm4b:s11+s3] =	stream.linear.scatter [tilespmem:s10], [sflag:$0x5], $0x80, $0x38;
	[tilespmem:$0x16C00] =	vst v63  }
0x178: {  	s30 =	sor.u32 $0x3, s31;
	_ =	swait.ge @!p0 [sflag:s0], $0x2000  }
0x179: {  	s12 =	sshll.u32 s30, $0x7;
	s6 =	simm.s32 $0x0;
	[sflag:s0] =	ssyncset.done @!p0 $0x0  }
0x17a: {  	s7 =	sand.u32 $0x3FFFFF80, s12;
	v33 =	vmov s6;
	[sflag:s0] =	ssyncadd.s32 @!p0 $0xFFFFE000  }
0x17b: {  	v33 =	vshrl.u32 v33, $0x3;
	[tilespmem:s16], [sflag:$0x4] =	stream.indirect.gather [hbm4b:s4+s9], $0x40, s7, s9, $0xb8;
	[tilespmem:$0x16C00] =	vst v63  }
0x17c: {  	v33 =	vshll.u32 v33, v1;
	_ =	swait.ge [sflag:s17], $0x2000  }
0x17d: {  	v33 =	vbroadcast v33, $0x0;
	[sflag:s17] =	ssyncset.done $0x0  }
0x17e: {  	s1 =	simm.s32 $0x8500;
	[sflag:s17] =	ssyncadd.s32 $0xFFFFE000  }
0x17f: {  	v35 =	vadd.s32 v0, v33;
	v34 =	vld [tilespmem:s1+$0xFFFFFF00];
	_ =	sdelay $0x4  }
0x180: {  	[tilespmem:v35+s18+$0x0] =	vst.idx.msk $0xffff, v34  }
0x181: {  	v56 =	vadd.s32 v2, v33;
	v34 =	vld [tilespmem:s1+$0xFFFFFF10];
	_ =	sdelay $0x4  }
0x182: {  	[tilespmem:v56+s18+$0x0] =	vst.idx.msk $0xffff, v34  }
0x183: {  	v57 =	vadd.s32 v3, v33;
	v34 =	vld [tilespmem:s1+$0xFFFFFF20];
	_ =	sdelay $0x4  }
0x184: {  	[tilespmem:v57+s18+$0x0] =	vst.idx.msk $0xffff, v34  }
0x185: {  	s11 =	simm.s32 $0x1;
	v33 =	vadd.s32 v4, v33;
	v34 =	vld [tilespmem:s1+$0xFFFFFF30]  }
0x186: {  	v58 =	vmov s11  }
0x187: {  	v35 =	vshrl.u32 v58, $0x3  }
0x188: {  	v35 =	vshll.u32 v35, v1  }
0x189: {  	v35 =	vbroadcast v35, $0x0  }
0x18a: {  	[tilespmem:v33+s18+$0x0] =	vst.idx.msk $0xffff, v34  }
0x18b: {  	v59 =	vadd.s32 v5, v35;
	v33 =	vld [tilespmem:s1+$0xFFFFFF40];
	_ =	sdelay $0x4  }
0x18c: {  	[tilespmem:v59+s18+$0x0] =	vst.idx.msk $0xffff, v33  }
0x18d: {  	v60 =	vadd.s32 v6, v35;
	v33 =	vld [tilespmem:s1+$0xFFFFFF50];
	_ =	sdelay $0x4  }
0x18e: {  	[tilespmem:v60+s18+$0x0] =	vst.idx.msk $0xffff, v33  }
0x18f: {  	v61 =	vadd.s32 v7, v35;
	v33 =	vld [tilespmem:s1+$0xFFFFFF60];
	_ =	sdelay $0x4  }
0x190: {  	[tilespmem:v61+s18+$0x0] =	vst.idx.msk $0xffff, v33  }
0x191: {  	s12 =	simm.s32 $0x2;
	v62 =	vadd.s32 v8, v35;
	v33 =	vld [tilespmem:s1+$0xFFFFFF70]  }
0x192: {  	v63 =	vmov s12  }
0x193: {  	v35 =	vshrl.u32 v63, $0x3  }
0x194: {  	v35 =	vshll.u32 v35, v1  }
0x195: {  	v35 =	vbroadcast v35, $0x0  }
0x196: {  	[tilespmem:v62+s18+$0x0] =	vst.idx.msk $0xffff, v33  }
0x197: {  	v36 =	vadd.s32 v9, v35;
	v33 =	vld [tilespmem:s1+$0xFFFFFF80];
	_ =	sdelay $0x4  }
0x198: {  	[tilespmem:v36+s18+$0x0] =	vst.idx.msk $0xffff, v33  }
0x199: {  	v37 =	vadd.s32 v10, v35;
	v33 =	vld [tilespmem:s1+$0xFFFFFF90];
	_ =	sdelay $0x4  }
0x19a: {  	[tilespmem:v37+s18+$0x0] =	vst.idx.msk $0xffff, v33  }
0x19b: {  	v38 =	vadd.s32 v11, v35;
	v33 =	vld [tilespmem:s1+$0xFFFFFFA0];
	_ =	sdelay $0x4  }
0x19c: {  	[tilespmem:v38+s18+$0x0] =	vst.idx.msk $0xffff, v33  }
0x19d: {  	s6 =	simm.s32 $0x3;
	v39 =	vadd.s32 v12, v35;
	v33 =	vld [tilespmem:s1+$0xFFFFFFB0]  }
0x19e: {  	v40 =	vmov s6  }
0x19f: {  	v35 =	vshrl.u32 v40, $0x3  }
0x1a0: {  	v35 =	vshll.u32 v35, v1  }
0x1a1: {  	v35 =	vbroadcast v35, $0x0  }
0x1a2: {  	[tilespmem:v39+s18+$0x0] =	vst.idx.msk $0xffff, v33  }
0x1a3: {  	v41 =	vadd.s32 v13, v35;
	v33 =	vld [tilespmem:s1+$0xFFFFFFC0];
	_ =	sdelay $0x4  }
0x1a4: {  	[tilespmem:v41+s18+$0x0] =	vst.idx.msk $0xffff, v33  }
0x1a5: {  	v42 =	vadd.s32 v14, v35;
	v33 =	vld [tilespmem:s1+$0xFFFFFFD0];
	_ =	sdelay $0x4  }
0x1a6: {  	[tilespmem:v42+s18+$0x0] =	vst.idx.msk $0xffff, v33  }
0x1a7: {  	v43 =	vadd.s32 v15, v35;
	v33 =	vld [tilespmem:s1+$0xFFFFFFE0];
	_ =	sdelay $0x4  }
0x1a8: {  	[tilespmem:v43+s18+$0x0] =	vst.idx.msk $0xffff, v33  }
0x1a9: {  	s7 =	simm.s32 $0x4;
	v44 =	vadd.s32 v16, v35;
	v33 =	vld [tilespmem:s1+$0xFFFFFFF0]  }
0x1aa: {  	v45 =	vmov s7  }
0x1ab: {  	v35 =	vshrl.u32 v45, $0x3  }
0x1ac: {  	v35 =	vshll.u32 v35, v1  }
0x1ad: {  	v35 =	vbroadcast v35, $0x0  }
0x1ae: {  	[tilespmem:v44+s18+$0x0] =	vst.idx.msk $0xffff, v33  }
0x1af: {  	v46 =	vadd.s32 v17, v35;
	v33 =	vld [tilespmem:s1+$0x0];
	_ =	sdelay $0x4  }
0x1b0: {  	[tilespmem:v46+s18+$0x0] =	vst.idx.msk $0xffff, v33  }
0x1b1: {  	v47 =	vadd.s32 v18, v35;
	v33 =	vld [tilespmem:s1+$0x10];
	_ =	sdelay $0x4  }
0x1b2: {  	[tilespmem:v47+s18+$0x0] =	vst.idx.msk $0xffff, v33  }
0x1b3: {  	v48 =	vadd.s32 v19, v35;
	v33 =	vld [tilespmem:s1+$0x20];
	_ =	sdelay $0x4  }
0x1b4: {  	[tilespmem:v48+s18+$0x0] =	vst.idx.msk $0xffff, v33  }
0x1b5: {  	s10 =	simm.s32 $0x5;
	v49 =	vadd.s32 v20, v35;
	v33 =	vld [tilespmem:s1+$0x30]  }
0x1b6: {  	v50 =	vmov s10  }
0x1b7: {  	v35 =	vshrl.u32 v50, $0x3  }
0x1b8: {  	v35 =	vshll.u32 v35, v1  }
0x1b9: {  	v35 =	vbroadcast v35, $0x0  }
0x1ba: {  	[tilespmem:v49+s18+$0x0] =	vst.idx.msk $0xffff, v33  }
0x1bb: {  	v51 =	vadd.s32 v21, v35;
	v33 =	vld [tilespmem:s1+$0x40];
	_ =	sdelay $0x4  }
0x1bc: {  	[tilespmem:v51+s18+$0x0] =	vst.idx.msk $0xffff, v33  }
0x1bd: {  	v52 =	vadd.s32 v22, v35;
	v33 =	vld [tilespmem:s1+$0x50];
	_ =	sdelay $0x4  }
0x1be: {  	[tilespmem:v52+s18+$0x0] =	vst.idx.msk $0xffff, v33  }
0x1bf: {  	v53 =	vadd.s32 v23, v35;
	v33 =	vld [tilespmem:s1+$0x60];
	_ =	sdelay $0x4  }
0x1c0: {  	[tilespmem:v53+s18+$0x0] =	vst.idx.msk $0xffff, v33  }
0x1c1: {  	s11 =	simm.s32 $0x6;
	v54 =	vadd.s32 v24, v35;
	v33 =	vld [tilespmem:s1+$0x70]  }
0x1c2: {  	v55 =	vmov s11  }
0x1c3: {  	v35 =	vshrl.u32 v55, $0x3  }
0x1c4: {  	v35 =	vshll.u32 v35, v1  }
0x1c5: {  	v35 =	vbroadcast v35, $0x0  }
0x1c6: {  	[tilespmem:v54+s18+$0x0] =	vst.idx.msk $0xffff, v33  }
0x1c7: {  	v56 =	vadd.s32 v25, v35;
	v33 =	vld [tilespmem:s1+$0x80];
	_ =	sdelay $0x4  }
0x1c8: {  	[tilespmem:v56+s18+$0x0] =	vst.idx.msk $0xffff, v33  }
0x1c9: {  	v57 =	vadd.s32 v26, v35;
	v33 =	vld [tilespmem:s1+$0x90];
	_ =	sdelay $0x4  }
0x1ca: {  	[tilespmem:v57+s18+$0x0] =	vst.idx.msk $0xffff, v33  }
0x1cb: {  	v58 =	vadd.s32 v27, v35;
	v33 =	vld [tilespmem:s1+$0xA0];
	_ =	sdelay $0x4  }
0x1cc: {  	[tilespmem:v58+s18+$0x0] =	vst.idx.msk $0xffff, v33  }
0x1cd: {  	s12 =	simm.s32 $0x7;
	v59 =	vadd.s32 v28, v35;
	v33 =	vld [tilespmem:s1+$0xB0]  }
0x1ce: {  	v60 =	vmov s12  }
0x1cf: {  	v35 =	vshrl.u32 v60, $0x3  }
0x1d0: {  	v35 =	vshll.u32 v35, v1  }
0x1d1: {  	v35 =	vbroadcast v35, $0x0  }
0x1d2: {  	[tilespmem:v59+s18+$0x0] =	vst.idx.msk $0xffff, v33  }
0x1d3: {  	v61 =	vadd.s32 v29, v35;
	v33 =	vld [tilespmem:s1+$0xC0];
	_ =	sdelay $0x4  }
0x1d4: {  	[tilespmem:v61+s18+$0x0] =	vst.idx.msk $0xffff, v33  }
0x1d5: {  	v62 =	vadd.s32 v30, v35;
	v33 =	vld [tilespmem:s1+$0xD0];
	_ =	sdelay $0x4  }
0x1d6: {  	[tilespmem:v62+s18+$0x0] =	vst.idx.msk $0xffff, v33  }
0x1d7: {  	v63 =	vadd.s32 v31, v35;
	v33 =	vld [tilespmem:s1+$0xE0];
	_ =	sdelay $0x4  }
0x1d8: {  	[tilespmem:v63+s18+$0x0] =	vst.idx.msk $0xffff, v33  }
0x1d9: {  	s10 =	simm.s32 $0x17;
	s11 =	simm.s32 $0x8;
	s0 =	simm.s32 $0xF;
	v34 =	vadd.s32 v32, v35;
	v33 =	vld [tilespmem:s1+$0xF0]  }
.LBB2_7:
0x1da: {  	p0 =	sne.s32 s10, $0x7F;
	v35 =	vmov s11  }
0x1db: {  	v35 =	vshrl.u32 v35, $0x3  }
0x1dc: {  	v35 =	vshll.u32 v35, v1  }
0x1dd: {  	v35 =	vbroadcast v35, $0x0  }
0x1de: {  	s1 =	sadd.s32 $0x200, s1;
	[tilespmem:v34+s18+$0x0] =	vst.idx.msk $0xffff, v33  }
0x1df: {  	v33 =	vld [tilespmem:s1+$0xFFFFFF00];
	v34 =	vadd.s32 v0, v35;
	_ =	sdelay $0x4  }
0x1e0: {  	[tilespmem:v34+s18+$0x0] =	vst.idx.msk $0xffff, v33  }
0x1e1: {  	v34 =	vadd.s32 v2, v35;
	v33 =	vld [tilespmem:s1+$0xFFFFFF10];
	_ =	sdelay $0x4  }
0x1e2: {  	[tilespmem:v34+s18+$0x0] =	vst.idx.msk $0xffff, v33  }
0x1e3: {  	v34 =	vadd.s32 v3, v35;
	v33 =	vld [tilespmem:s1+$0xFFFFFF20];
	_ =	sdelay $0x4  }
0x1e4: {  	[tilespmem:v34+s18+$0x0] =	vst.idx.msk $0xffff, v33  }
0x1e5: {  	s11 =	sadd.s32 $0xFFFFFFFA, s0;
	v34 =	vadd.s32 v4, v35;
	v33 =	vld [tilespmem:s1+$0xFFFFFF30]  }
0x1e6: {  	v35 =	vmov s11  }
0x1e7: {  	v35 =	vshrl.u32 v35, $0x3  }
0x1e8: {  	v35 =	vshll.u32 v35, v1  }
0x1e9: {  	v35 =	vbroadcast v35, $0x0  }
0x1ea: {  	[tilespmem:v34+s18+$0x0] =	vst.idx.msk $0xffff, v33  }
0x1eb: {  	v34 =	vadd.s32 v5, v35;
	v33 =	vld [tilespmem:s1+$0xFFFFFF40];
	_ =	sdelay $0x4  }
0x1ec: {  	[tilespmem:v34+s18+$0x0] =	vst.idx.msk $0xffff, v33  }
0x1ed: {  	v34 =	vadd.s32 v6, v35;
	v33 =	vld [tilespmem:s1+$0xFFFFFF50];
	_ =	sdelay $0x4  }
0x1ee: {  	[tilespmem:v34+s18+$0x0] =	vst.idx.msk $0xffff, v33  }
0x1ef: {  	v34 =	vadd.s32 v7, v35;
	v33 =	vld [tilespmem:s1+$0xFFFFFF60];
	_ =	sdelay $0x4  }
0x1f0: {  	[tilespmem:v34+s18+$0x0] =	vst.idx.msk $0xffff, v33  }
0x1f1: {  	s11 =	sadd.s32 $0xFFFFFFFB, s0;
	v34 =	vadd.s32 v8, v35;
	v33 =	vld [tilespmem:s1+$0xFFFFFF70]  }
0x1f2: {  	v35 =	vmov s11  }
0x1f3: {  	v35 =	vshrl.u32 v35, $0x3  }
0x1f4: {  	v35 =	vshll.u32 v35, v1  }
0x1f5: {  	v35 =	vbroadcast v35, $0x0  }
0x1f6: {  	[tilespmem:v34+s18+$0x0] =	vst.idx.msk $0xffff, v33  }
0x1f7: {  	v34 =	vadd.s32 v9, v35;
	v33 =	vld [tilespmem:s1+$0xFFFFFF80];
	_ =	sdelay $0x4  }
0x1f8: {  	[tilespmem:v34+s18+$0x0] =	vst.idx.msk $0xffff, v33  }
0x1f9: {  	v34 =	vadd.s32 v10, v35;
	v33 =	vld [tilespmem:s1+$0xFFFFFF90];
	_ =	sdelay $0x4  }
0x1fa: {  	[tilespmem:v34+s18+$0x0] =	vst.idx.msk $0xffff, v33  }
0x1fb: {  	v34 =	vadd.s32 v11, v35;
	v33 =	vld [tilespmem:s1+$0xFFFFFFA0];
	_ =	sdelay $0x4  }
0x1fc: {  	[tilespmem:v34+s18+$0x0] =	vst.idx.msk $0xffff, v33  }
0x1fd: {  	s11 =	sadd.s32 $0xFFFFFFFC, s0;
	v34 =	vadd.s32 v12, v35;
	v33 =	vld [tilespmem:s1+$0xFFFFFFB0]  }
0x1fe: {  	v35 =	vmov s11  }
0x1ff: {  	v35 =	vshrl.u32 v35, $0x3  }
0x200: {  	v35 =	vshll.u32 v35, v1  }
0x201: {  	v35 =	vbroadcast v35, $0x0  }
0x202: {  	[tilespmem:v34+s18+$0x0] =	vst.idx.msk $0xffff, v33  }
0x203: {  	v34 =	vadd.s32 v13, v35;
	v33 =	vld [tilespmem:s1+$0xFFFFFFC0];
	_ =	sdelay $0x4  }
0x204: {  	[tilespmem:v34+s18+$0x0] =	vst.idx.msk $0xffff, v33  }
0x205: {  	v34 =	vadd.s32 v14, v35;
	v33 =	vld [tilespmem:s1+$0xFFFFFFD0];
	_ =	sdelay $0x4  }
0x206: {  	[tilespmem:v34+s18+$0x0] =	vst.idx.msk $0xffff, v33  }
0x207: {  	v34 =	vadd.s32 v15, v35;
	v33 =	vld [tilespmem:s1+$0xFFFFFFE0];
	_ =	sdelay $0x4  }
0x208: {  	[tilespmem:v34+s18+$0x0] =	vst.idx.msk $0xffff, v33  }
0x209: {  	s11 =	sadd.s32 $0xFFFFFFFD, s0;
	v34 =	vadd.s32 v16, v35;
	v33 =	vld [tilespmem:s1+$0xFFFFFFF0]  }
0x20a: {  	v35 =	vmov s11  }
0x20b: {  	v35 =	vshrl.u32 v35, $0x3  }
0x20c: {  	v35 =	vshll.u32 v35, v1  }
0x20d: {  	v35 =	vbroadcast v35, $0x0  }
0x20e: {  	[tilespmem:v34+s18+$0x0] =	vst.idx.msk $0xffff, v33  }
0x20f: {  	v34 =	vadd.s32 v17, v35;
	v33 =	vld [tilespmem:s1+$0x0];
	_ =	sdelay $0x4  }
0x210: {  	[tilespmem:v34+s18+$0x0] =	vst.idx.msk $0xffff, v33  }
0x211: {  	v34 =	vadd.s32 v18, v35;
	v33 =	vld [tilespmem:s1+$0x10];
	_ =	sdelay $0x4  }
0x212: {  	[tilespmem:v34+s18+$0x0] =	vst.idx.msk $0xffff, v33  }
0x213: {  	v34 =	vadd.s32 v19, v35;
	v33 =	vld [tilespmem:s1+$0x20];
	_ =	sdelay $0x4  }
0x214: {  	[tilespmem:v34+s18+$0x0] =	vst.idx.msk $0xffff, v33  }
0x215: {  	s11 =	sadd.s32 $0xFFFFFFFE, s0;
	v34 =	vadd.s32 v20, v35;
	v33 =	vld [tilespmem:s1+$0x30]  }
0x216: {  	v35 =	vmov s11  }
0x217: {  	v35 =	vshrl.u32 v35, $0x3  }
0x218: {  	v35 =	vshll.u32 v35, v1  }
0x219: {  	v35 =	vbroadcast v35, $0x0  }
0x21a: {  	[tilespmem:v34+s18+$0x0] =	vst.idx.msk $0xffff, v33  }
0x21b: {  	v34 =	vadd.s32 v21, v35;
	v33 =	vld [tilespmem:s1+$0x40];
	_ =	sdelay $0x4  }
0x21c: {  	[tilespmem:v34+s18+$0x0] =	vst.idx.msk $0xffff, v33  }
0x21d: {  	v34 =	vadd.s32 v22, v35;
	v33 =	vld [tilespmem:s1+$0x50];
	_ =	sdelay $0x4  }
0x21e: {  	[tilespmem:v34+s18+$0x0] =	vst.idx.msk $0xffff, v33  }
0x21f: {  	v34 =	vadd.s32 v23, v35;
	v33 =	vld [tilespmem:s1+$0x60];
	_ =	sdelay $0x4  }
0x220: {  	[tilespmem:v34+s18+$0x0] =	vst.idx.msk $0xffff, v33  }
0x221: {  	s11 =	sadd.s32 $0xFFFFFFFF, s0;
	v34 =	vadd.s32 v24, v35;
	v33 =	vld [tilespmem:s1+$0x70]  }
0x222: {  	v35 =	vmov s11  }
0x223: {  	v35 =	vshrl.u32 v35, $0x3  }
0x224: {  	v35 =	vshll.u32 v35, v1  }
0x225: {  	v35 =	vbroadcast v35, $0x0  }
0x226: {  	[tilespmem:v34+s18+$0x0] =	vst.idx.msk $0xffff, v33  }
0x227: {  	v34 =	vadd.s32 v25, v35;
	v33 =	vld [tilespmem:s1+$0x80];
	_ =	sdelay $0x4  }
0x228: {  	[tilespmem:v34+s18+$0x0] =	vst.idx.msk $0xffff, v33  }
0x229: {  	v34 =	vadd.s32 v26, v35;
	v33 =	vld [tilespmem:s1+$0x90];
	_ =	sdelay $0x4  }
0x22a: {  	[tilespmem:v34+s18+$0x0] =	vst.idx.msk $0xffff, v33  }
0x22b: {  	v34 =	vadd.s32 v27, v35;
	v33 =	vld [tilespmem:s1+$0xA0];
	_ =	sdelay $0x4  }
0x22c: {  	[tilespmem:v34+s18+$0x0] =	vst.idx.msk $0xffff, v33  }
0x22d: {  	v34 =	vadd.s32 v28, v35;
	v33 =	vld [tilespmem:s1+$0xB0]  }
0x22e: {  	v35 =	vmov s0;
	s0 =	smov.u32 s10  }
0x22f: {  	v35 =	vshrl.u32 v35, $0x3  }
0x230: {  	v35 =	vshll.u32 v35, v1  }
0x231: {  	v35 =	vbroadcast v35, $0x0  }
0x232: {  	[tilespmem:v34+s18+$0x0] =	vst.idx.msk $0xffff, v33  }
0x233: {  	v34 =	vadd.s32 v29, v35;
	v33 =	vld [tilespmem:s1+$0xC0];
	_ =	sdelay $0x4  }
0x234: {  	[tilespmem:v34+s18+$0x0] =	vst.idx.msk $0xffff, v33  }
0x235: {  	v34 =	vadd.s32 v30, v35;
	v33 =	vld [tilespmem:s1+$0xD0];
	_ =	sdelay $0x4  }
0x236: {  	[tilespmem:v34+s18+$0x0] =	vst.idx.msk $0xffff, v33  }
0x237: {  	v34 =	vadd.s32 v31, v35;
	v33 =	vld [tilespmem:s1+$0xE0];
	_ =	sdelay $0x1  }
.Ltmp4:
0x238: {  	(pc) =	sbr.rel @p0 .LBB2_7-.Ltmp4, $3  }
0x239: {  	_ =	sdelay $0x1  }
0x23a: {  	[tilespmem:v34+s18+$0x0] =	vst.idx.msk $0xffff, v33  }
0x23b: {  	s10 =	sadd.s32 $0x8, s10;
	s11 =	sadd.s32 $0xFFFFFFF9, s0;
	v34 =	vadd.s32 v32, v35;
	v33 =	vld [tilespmem:s1+$0xF0]  }
0x23c: {  	v35 =	vmov s11  }
0x23d: {  	v35 =	vshrl.u32 v35, $0x3  }
0x23e: {  	v35 =	vshll.u32 v35, v1  }
0x23f: {  	v35 =	vbroadcast v35, $0x0  }
0x240: {  	s1 =	sadd.s32 $0x200, s1;
	[tilespmem:v34+s18+$0x0] =	vst.idx.msk $0xffff, v33  }
0x241: {  	v33 =	vld [tilespmem:s1+$0xFFFFFF00];
	v53 =	vadd.s32 v0, v35;
	_ =	sdelay $0x4  }
0x242: {  	[tilespmem:v53+s18+$0x0] =	vst.idx.msk $0xffff, v33  }
0x243: {  	v54 =	vadd.s32 v2, v35;
	v33 =	vld [tilespmem:s1+$0xFFFFFF10];
	_ =	sdelay $0x4  }
0x244: {  	[tilespmem:v54+s18+$0x0] =	vst.idx.msk $0xffff, v33  }
0x245: {  	v55 =	vadd.s32 v3, v35;
	v33 =	vld [tilespmem:s1+$0xFFFFFF20];
	_ =	sdelay $0x4  }
0x246: {  	[tilespmem:v55+s18+$0x0] =	vst.idx.msk $0xffff, v33  }
0x247: {  	s10 =	sadd.s32 $0xFFFFFFFA, s0;
	v56 =	vadd.s32 v4, v35;
	v33 =	vld [tilespmem:s1+$0xFFFFFF30]  }
0x248: {  	v57 =	vmov s10  }
0x249: {  	v35 =	vshrl.u32 v57, $0x3  }
0x24a: {  	v35 =	vshll.u32 v35, v1  }
0x24b: {  	v35 =	vbroadcast v35, $0x0  }
0x24c: {  	[tilespmem:v56+s18+$0x0] =	vst.idx.msk $0xffff, v33  }
0x24d: {  	v58 =	vadd.s32 v5, v35;
	v33 =	vld [tilespmem:s1+$0xFFFFFF40];
	_ =	sdelay $0x4  }
0x24e: {  	[tilespmem:v58+s18+$0x0] =	vst.idx.msk $0xffff, v33  }
0x24f: {  	v59 =	vadd.s32 v6, v35;
	v33 =	vld [tilespmem:s1+$0xFFFFFF50];
	_ =	sdelay $0x4  }
0x250: {  	[tilespmem:v59+s18+$0x0] =	vst.idx.msk $0xffff, v33  }
0x251: {  	v60 =	vadd.s32 v7, v35;
	v33 =	vld [tilespmem:s1+$0xFFFFFF60];
	_ =	sdelay $0x4  }
0x252: {  	[tilespmem:v60+s18+$0x0] =	vst.idx.msk $0xffff, v33  }
0x253: {  	s7 =	sadd.s32 $0xFFFFFFFB, s0;
	v61 =	vadd.s32 v8, v35;
	v33 =	vld [tilespmem:s1+$0xFFFFFF70]  }
0x254: {  	v62 =	vmov s7  }
0x255: {  	v35 =	vshrl.u32 v62, $0x3  }
0x256: {  	v35 =	vshll.u32 v35, v1  }
0x257: {  	v35 =	vbroadcast v35, $0x0  }
0x258: {  	[tilespmem:v61+s18+$0x0] =	vst.idx.msk $0xffff, v33  }
0x259: {  	v63 =	vadd.s32 v9, v35;
	v33 =	vld [tilespmem:s1+$0xFFFFFF80];
	_ =	sdelay $0x4  }
0x25a: {  	[tilespmem:v63+s18+$0x0] =	vst.idx.msk $0xffff, v33  }
0x25b: {  	v36 =	vadd.s32 v10, v35;
	v33 =	vld [tilespmem:s1+$0xFFFFFF90];
	_ =	sdelay $0x4  }
0x25c: {  	[tilespmem:v36+s18+$0x0] =	vst.idx.msk $0xffff, v33  }
0x25d: {  	v37 =	vadd.s32 v11, v35;
	v33 =	vld [tilespmem:s1+$0xFFFFFFA0];
	_ =	sdelay $0x4  }
0x25e: {  	[tilespmem:v37+s18+$0x0] =	vst.idx.msk $0xffff, v33  }
0x25f: {  	s11 =	sadd.s32 $0xFFFFFFFC, s0;
	v38 =	vadd.s32 v12, v35;
	v33 =	vld [tilespmem:s1+$0xFFFFFFB0]  }
0x260: {  	v39 =	vmov s11  }
0x261: {  	v35 =	vshrl.u32 v39, $0x3  }
0x262: {  	v35 =	vshll.u32 v35, v1  }
0x263: {  	v35 =	vbroadcast v35, $0x0  }
0x264: {  	[tilespmem:v38+s18+$0x0] =	vst.idx.msk $0xffff, v33  }
0x265: {  	v40 =	vadd.s32 v13, v35;
	v33 =	vld [tilespmem:s1+$0xFFFFFFC0];
	_ =	sdelay $0x4  }
0x266: {  	[tilespmem:v40+s18+$0x0] =	vst.idx.msk $0xffff, v33  }
0x267: {  	v41 =	vadd.s32 v14, v35;
	v33 =	vld [tilespmem:s1+$0xFFFFFFD0];
	_ =	sdelay $0x4  }
0x268: {  	[tilespmem:v41+s18+$0x0] =	vst.idx.msk $0xffff, v33  }
0x269: {  	v42 =	vadd.s32 v15, v35;
	v33 =	vld [tilespmem:s1+$0xFFFFFFE0];
	_ =	sdelay $0x4  }
0x26a: {  	[tilespmem:v42+s18+$0x0] =	vst.idx.msk $0xffff, v33  }
0x26b: {  	s12 =	sadd.s32 $0xFFFFFFFD, s0;
	v43 =	vadd.s32 v16, v35;
	v33 =	vld [tilespmem:s1+$0xFFFFFFF0]  }
0x26c: {  	v44 =	vmov s12  }
0x26d: {  	v35 =	vshrl.u32 v44, $0x3  }
0x26e: {  	v35 =	vshll.u32 v35, v1  }
0x26f: {  	v35 =	vbroadcast v35, $0x0  }
0x270: {  	[tilespmem:v43+s18+$0x0] =	vst.idx.msk $0xffff, v33  }
0x271: {  	v45 =	vadd.s32 v17, v35;
	v33 =	vld [tilespmem:s1+$0x0];
	_ =	sdelay $0x4  }
0x272: {  	[tilespmem:v45+s18+$0x0] =	vst.idx.msk $0xffff, v33  }
0x273: {  	v46 =	vadd.s32 v18, v35;
	v33 =	vld [tilespmem:s1+$0x10];
	_ =	sdelay $0x4  }
0x274: {  	[tilespmem:v46+s18+$0x0] =	vst.idx.msk $0xffff, v33  }
0x275: {  	v47 =	vadd.s32 v19, v35;
	v33 =	vld [tilespmem:s1+$0x20];
	_ =	sdelay $0x4  }
0x276: {  	[tilespmem:v47+s18+$0x0] =	vst.idx.msk $0xffff, v33  }
0x277: {  	s6 =	sadd.s32 $0xFFFFFFFE, s0;
	v48 =	vadd.s32 v20, v35;
	v33 =	vld [tilespmem:s1+$0x30]  }
0x278: {  	v49 =	vmov s6  }
0x279: {  	v35 =	vshrl.u32 v49, $0x3  }
0x27a: {  	v35 =	vshll.u32 v35, v1  }
0x27b: {  	v35 =	vbroadcast v35, $0x0  }
0x27c: {  	[tilespmem:v48+s18+$0x0] =	vst.idx.msk $0xffff, v33  }
0x27d: {  	v50 =	vadd.s32 v21, v35;
	v33 =	vld [tilespmem:s1+$0x40];
	_ =	sdelay $0x4  }
0x27e: {  	[tilespmem:v50+s18+$0x0] =	vst.idx.msk $0xffff, v33  }
0x27f: {  	v51 =	vadd.s32 v22, v35;
	v33 =	vld [tilespmem:s1+$0x50];
	_ =	sdelay $0x4  }
0x280: {  	[tilespmem:v51+s18+$0x0] =	vst.idx.msk $0xffff, v33  }
0x281: {  	v52 =	vadd.s32 v23, v35;
	v33 =	vld [tilespmem:s1+$0x60];
	_ =	sdelay $0x4  }
0x282: {  	[tilespmem:v52+s18+$0x0] =	vst.idx.msk $0xffff, v33  }
0x283: {  	s7 =	sadd.s32 $0xFFFFFFFF, s0;
	v53 =	vadd.s32 v24, v35;
	v33 =	vld [tilespmem:s1+$0x70]  }
0x284: {  	v54 =	vmov s7  }
0x285: {  	v35 =	vshrl.u32 v54, $0x3  }
0x286: {  	v35 =	vshll.u32 v35, v1  }
0x287: {  	v35 =	vbroadcast v35, $0x0  }
0x288: {  	[tilespmem:v53+s18+$0x0] =	vst.idx.msk $0xffff, v33  }
0x289: {  	v55 =	vadd.s32 v25, v35;
	v33 =	vld [tilespmem:s1+$0x80];
	_ =	sdelay $0x4  }
0x28a: {  	[tilespmem:v55+s18+$0x0] =	vst.idx.msk $0xffff, v33  }
0x28b: {  	v56 =	vadd.s32 v26, v35;
	v33 =	vld [tilespmem:s1+$0x90];
	_ =	sdelay $0x4  }
0x28c: {  	[tilespmem:v56+s18+$0x0] =	vst.idx.msk $0xffff, v33  }
0x28d: {  	v57 =	vadd.s32 v27, v35;
	v33 =	vld [tilespmem:s1+$0xA0];
	_ =	sdelay $0x4  }
0x28e: {  	[tilespmem:v57+s18+$0x0] =	vst.idx.msk $0xffff, v33  }
0x28f: {  	v58 =	vadd.s32 v28, v35;
	v33 =	vld [tilespmem:s1+$0xB0]  }
0x290: {  	v59 =	vmov s0  }
0x291: {  	v35 =	vshrl.u32 v59, $0x3  }
0x292: {  	v35 =	vshll.u32 v35, v1  }
0x293: {  	v35 =	vbroadcast v35, $0x0  }
0x294: {  	[tilespmem:v58+s18+$0x0] =	vst.idx.msk $0xffff, v33  }
0x295: {  	v60 =	vadd.s32 v29, v35;
	v33 =	vld [tilespmem:s1+$0xC0];
	_ =	sdelay $0x4  }
0x296: {  	[tilespmem:v60+s18+$0x0] =	vst.idx.msk $0xffff, v33  }
0x297: {  	v61 =	vadd.s32 v30, v35;
	v33 =	vld [tilespmem:s1+$0xD0];
	_ =	sdelay $0x4  }
0x298: {  	[tilespmem:v61+s18+$0x0] =	vst.idx.msk $0xffff, v33  }
0x299: {  	v62 =	vadd.s32 v31, v35;
	v33 =	vld [tilespmem:s1+$0xE0];
	_ =	sdelay $0x4  }
0x29a: {  	[tilespmem:v62+s18+$0x0] =	vst.idx.msk $0xffff, v33  }
0x29b: {  	s31 =	sadd.s32 s31, s5;
	v63 =	vadd.s32 v32, v35;
	v33 =	vld [tilespmem:s1+$0xF0]  }
0x29c: {  	s10 =	sadd.s32 $0x1, s31  }
0x29d: {  	s11 =	sshll.u32 s10, $0x7  }
0x29e: {  	s0 =	sshll.u32 s10, $0xA;
	s1 =	sand.u32 $0x3E80, s11  }
0x29f: {  	s0 =	sand.u32 $0xFFE0000, s0;
	s1 =	sadd.s32 s2, s1  }
0x2a0: {  	s12 =	simm.s32 $0x10600;
	s1 =	sadd.s32 s0, s1;
	[tilespmem:v63+s18+$0x0] =	vst.idx.msk $0xffff, v33  }
0x2a1: {  	[hbm4b:s1+s3] =	stream.linear.scatter [tilespmem:s12], [sflag:$0x6], $0x80, $0x38;
	[tilespmem:$0x16C00] =	vst v63  }
0x2a2: {  	s6 =	simm.s32 $0x10688;
	s7 =	sadd.s32 $0x10, s1  }
0x2a3: {  	[hbm4b:s7+s3] =	stream.linear.scatter [tilespmem:s6], [sflag:$0x6], $0x80, $0x38;
	[tilespmem:$0x16C00] =	vst v63  }
0x2a4: {  	s11 =	simm.s32 $0x10710;
	s12 =	sadd.s32 $0x20, s1  }
0x2a5: {  	[hbm4b:s12+s3] =	stream.linear.scatter [tilespmem:s11], [sflag:$0x6], $0x80, $0x38;
	[tilespmem:$0x16C00] =	vst v63  }
0x2a6: {  	s6 =	simm.s32 $0x10798;
	s7 =	sadd.s32 $0x30, s1  }
0x2a7: {  	[hbm4b:s7+s3] =	stream.linear.scatter [tilespmem:s6], [sflag:$0x6], $0x80, $0x38;
	[tilespmem:$0x16C00] =	vst v63  }
0x2a8: {  	s11 =	simm.s32 $0x10820;
	s12 =	sadd.s32 $0x40, s1  }
0x2a9: {  	[hbm4b:s12+s3] =	stream.linear.scatter [tilespmem:s11], [sflag:$0x6], $0x80, $0x38;
	[tilespmem:$0x16C00] =	vst v63  }
0x2aa: {  	s10 =	simm.s32 $0x2200;
	s6 =	simm.s32 $0x108A8;
	s7 =	sadd.s32 $0x50, s1  }
0x2ab: {  	[hbm4b:s7+s3] =	stream.linear.scatter [tilespmem:s6], [sflag:$0x6], $0x80, $0x38;
	[tilespmem:$0x16C00] =	vst v63  }
0x2ac: {  	s0 =	simm.s32 $0x440;
	s11 =	simm.s32 $0x10930;
	s12 =	sadd.s32 $0x60, s1  }
0x2ad: {  	[hbm4b:s12+s3] =	stream.linear.scatter [tilespmem:s11], [sflag:$0x6], $0x80, $0x38;
	[tilespmem:$0x16C00] =	vst v63  }
0x2ae: {  	s11 =	simm.s32 $0x109B8;
	s12 =	sadd.s32 $0x70, s1;
	s1 =	sadd.s32 $0x4000, s1  }
.LBB2_9:
0x2af: {  	[hbm4b:s12+s3] =	stream.linear.scatter [tilespmem:s11], [sflag:$0x6], $0x80, $0x38;
	[tilespmem:$0x16C00] =	vst v63  }
0x2b0: {  	s11 =	smov.u32 s0;
	s0 =	smov.u32 s10  }
0x2b1: {  	s6 =	sadd.s32 $0x1100, s10;
	s0 =	sshra.s32 s0, $0x2;
	s12 =	sadd.s32 $0x10600, s11  }
0x2b2: {  	[hbm4b:s1+s3] =	stream.linear.scatter [tilespmem:s12], [sflag:$0x6], $0x80, $0x38;
	[tilespmem:$0x16C00] =	vst v63  }
0x2b3: {  	p0 =	sne.s32 s10, $0x7700;
	s10 =	sadd.s32 $0x10688, s11;
	s12 =	sadd.s32 $0x10, s1  }
0x2b4: {  	[hbm4b:s12+s3] =	stream.linear.scatter [tilespmem:s10], [sflag:$0x6], $0x80, $0x38;
	[tilespmem:$0x16C00] =	vst v63  }
0x2b5: {  	s10 =	sadd.s32 $0x10710, s11;
	s12 =	sadd.s32 $0x20, s1  }
0x2b6: {  	[hbm4b:s12+s3] =	stream.linear.scatter [tilespmem:s10], [sflag:$0x6], $0x80, $0x38;
	[tilespmem:$0x16C00] =	vst v63  }
0x2b7: {  	s10 =	sadd.s32 $0x10798, s11;
	s12 =	sadd.s32 $0x30, s1  }
0x2b8: {  	[hbm4b:s12+s3] =	stream.linear.scatter [tilespmem:s10], [sflag:$0x6], $0x80, $0x38;
	[tilespmem:$0x16C00] =	vst v63  }
0x2b9: {  	s10 =	sadd.s32 $0x10820, s11;
	s12 =	sadd.s32 $0x40, s1  }
0x2ba: {  	[hbm4b:s12+s3] =	stream.linear.scatter [tilespmem:s10], [sflag:$0x6], $0x80, $0x38;
	[tilespmem:$0x16C00] =	vst v63  }
.Ltmp5:
0x2bb: {  	s10 =	sadd.s32 $0x108A8, s11;
	s12 =	sadd.s32 $0x50, s1;
	(pc) =	sbr.rel @p0 .LBB2_9-.Ltmp5, $4  }
0x2bc: {  	[hbm4b:s12+s3] =	stream.linear.scatter [tilespmem:s10], [sflag:$0x6], $0x80, $0x38;
	[tilespmem:$0x16C00] =	vst v63  }
0x2bd: {  	s10 =	sadd.s32 $0x10930, s11;
	s12 =	sadd.s32 $0x60, s1;
	s11 =	sadd.s32 $0x109B8, s11  }
0x2be: {  	[hbm4b:s12+s3] =	stream.linear.scatter [tilespmem:s10], [sflag:$0x6], $0x80, $0x38;
	[tilespmem:$0x16C00] =	vst v63  }
0x2bf: {  	s12 =	sadd.s32 $0x70, s1;
	s1 =	sadd.s32 $0x4000, s1;
	s10 =	smov.u32 s6  }
0x2c0: {  	[hbm4b:s12+s3] =	stream.linear.scatter [tilespmem:s11], [sflag:$0x6], $0x80, $0x38;
	[tilespmem:$0x16C00] =	vst v63  }
0x2c1: {  	s6 =	sadd.s32 $0x10600, s0  }
0x2c2: {  	[hbm4b:s1+s3] =	stream.linear.scatter [tilespmem:s6], [sflag:$0x6], $0x80, $0x38;
	[tilespmem:$0x16C00] =	vst v63  }
0x2c3: {  	s7 =	sadd.s32 $0x10688, s0;
	s10 =	sadd.s32 $0x10, s1  }
0x2c4: {  	[hbm4b:s10+s3] =	stream.linear.scatter [tilespmem:s7], [sflag:$0x6], $0x80, $0x38;
	[tilespmem:$0x16C00] =	vst v63  }
0x2c5: {  	s11 =	sadd.s32 $0x20, s1;
	s10 =	sadd.s32 $0x10710, s0  }
0x2c6: {  	[hbm4b:s11+s3] =	stream.linear.scatter [tilespmem:s10], [sflag:$0x6], $0x80, $0x38;
	[tilespmem:$0x16C00] =	vst v63  }
0x2c7: {  	s12 =	sadd.s32 $0x10798, s0;
	s7 =	sadd.s32 $0x30, s1  }
0x2c8: {  	[hbm4b:s7+s3] =	stream.linear.scatter [tilespmem:s12], [sflag:$0x6], $0x80, $0x38;
	[tilespmem:$0x16C00] =	vst v63  }
0x2c9: {  	s10 =	sadd.s32 $0x10820, s0;
	s11 =	sadd.s32 $0x40, s1  }
0x2ca: {  	[hbm4b:s11+s3] =	stream.linear.scatter [tilespmem:s10], [sflag:$0x6], $0x80, $0x38;
	[tilespmem:$0x16C00] =	vst v63  }
0x2cb: {  	s12 =	sadd.s32 $0x108A8, s0;
	s7 =	sadd.s32 $0x50, s1  }
0x2cc: {  	[hbm4b:s7+s3] =	stream.linear.scatter [tilespmem:s12], [sflag:$0x6], $0x80, $0x38;
	[tilespmem:$0x16C00] =	vst v63  }
0x2cd: {  	s10 =	sadd.s32 $0x10930, s0;
	s11 =	sadd.s32 $0x60, s1  }
0x2ce: {  	[hbm4b:s11+s3] =	stream.linear.scatter [tilespmem:s10], [sflag:$0x6], $0x80, $0x38;
	[tilespmem:$0x16C00] =	vst v63  }
0x2cf: {  	p0 =	seq.s32 s29, $0x31;
	s6 =	sadd.s32 $0x70, s1;
	s12 =	sadd.s32 $0x109B8, s0  }
0x2d0: {  	[hbm4b:s6+s3] =	stream.linear.scatter [tilespmem:s12], [sflag:$0x6], $0x80, $0x38;
	[tilespmem:$0x16C00] =	vst v63  }
0x2d1: {  	s0 =	sshll.u32 @!p0 s29, $0x9;
	s7 =	simm.s32 $0x0;
	_ =	swait.ge [sflag:s19], $0x2000  }
0x2d2: {  	s1 =	sand.u32 @!p0 $0x3FFFFE00, s0;
	s10 =	simm.s32 @!p0 $0x80;
	[sflag:s19] =	ssyncset.done $0x0  }
0x2d3: {  	v33 =	vmov s7;
	s11 =	simm.s32 @!p0 $0x6400;
	s6 =	sadd.s32 @!p0 $0x200, s1;
	[sflag:s19] =	ssyncadd.s32 $0xFFFFE000  }
0x2d4: {  	v33 =	vshrl.u32 v33, $0x3;
	[tilespmem:s11], [sflag:$0x1] =	stream.indirect.gather @!p0 [hbm4b:s4+s10], $0x40, s6, s10, $0xb8;
	[tilespmem:$0x16C00] =	vst v63  }
0x2d5: {  	v33 =	vshll.u32 v33, v1;
	_ =	swait.ge [sflag:s20], $0x2000  }
0x2d6: {  	v33 =	vbroadcast v33, $0x0;
	[sflag:s20] =	ssyncset.done $0x0  }
0x2d7: {  	s0 =	simm.s32 $0xA500;
	[sflag:s20] =	ssyncadd.s32 $0xFFFFE000  }
0x2d8: {  	v35 =	vadd.s32 v0, v33;
	v34 =	vld [tilespmem:s0+$0xFFFFFF00];
	_ =	sdelay $0x4  }
0x2d9: {  	[tilespmem:v35+s21+$0x0] =	vst.idx.msk $0xffff, v34  }
0x2da: {  	v56 =	vadd.s32 v2, v33;
	v34 =	vld [tilespmem:s0+$0xFFFFFF10];
	_ =	sdelay $0x4  }
0x2db: {  	[tilespmem:v56+s21+$0x0] =	vst.idx.msk $0xffff, v34  }
0x2dc: {  	v57 =	vadd.s32 v3, v33;
	v34 =	vld [tilespmem:s0+$0xFFFFFF20];
	_ =	sdelay $0x4  }
0x2dd: {  	[tilespmem:v57+s21+$0x0] =	vst.idx.msk $0xffff, v34  }
0x2de: {  	v33 =	vadd.s32 v4, v33;
	s10 =	simm.s32 $0x1;
	v34 =	vld [tilespmem:s0+$0xFFFFFF30]  }
0x2df: {  	v58 =	vmov s10  }
0x2e0: {  	v35 =	vshrl.u32 v58, $0x3  }
0x2e1: {  	v35 =	vshll.u32 v35, v1  }
0x2e2: {  	v35 =	vbroadcast v35, $0x0  }
0x2e3: {  	[tilespmem:v33+s21+$0x0] =	vst.idx.msk $0xffff, v34  }
0x2e4: {  	v59 =	vadd.s32 v5, v35;
	v33 =	vld [tilespmem:s0+$0xFFFFFF40];
	_ =	sdelay $0x4  }
0x2e5: {  	[tilespmem:v59+s21+$0x0] =	vst.idx.msk $0xffff, v33  }
0x2e6: {  	v60 =	vadd.s32 v6, v35;
	v33 =	vld [tilespmem:s0+$0xFFFFFF50];
	_ =	sdelay $0x4  }
0x2e7: {  	[tilespmem:v60+s21+$0x0] =	vst.idx.msk $0xffff, v33  }
0x2e8: {  	v61 =	vadd.s32 v7, v35;
	v33 =	vld [tilespmem:s0+$0xFFFFFF60];
	_ =	sdelay $0x4  }
0x2e9: {  	[tilespmem:v61+s21+$0x0] =	vst.idx.msk $0xffff, v33  }
0x2ea: {  	s11 =	simm.s32 $0x2;
	v62 =	vadd.s32 v8, v35;
	v33 =	vld [tilespmem:s0+$0xFFFFFF70]  }
0x2eb: {  	v63 =	vmov s11  }
0x2ec: {  	v35 =	vshrl.u32 v63, $0x3  }
0x2ed: {  	v35 =	vshll.u32 v35, v1  }
0x2ee: {  	v35 =	vbroadcast v35, $0x0  }
0x2ef: {  	[tilespmem:v62+s21+$0x0] =	vst.idx.msk $0xffff, v33  }
0x2f0: {  	v36 =	vadd.s32 v9, v35;
	v33 =	vld [tilespmem:s0+$0xFFFFFF80];
	_ =	sdelay $0x4  }
0x2f1: {  	[tilespmem:v36+s21+$0x0] =	vst.idx.msk $0xffff, v33  }
0x2f2: {  	v37 =	vadd.s32 v10, v35;
	v33 =	vld [tilespmem:s0+$0xFFFFFF90];
	_ =	sdelay $0x4  }
0x2f3: {  	[tilespmem:v37+s21+$0x0] =	vst.idx.msk $0xffff, v33  }
0x2f4: {  	v38 =	vadd.s32 v11, v35;
	v33 =	vld [tilespmem:s0+$0xFFFFFFA0];
	_ =	sdelay $0x4  }
0x2f5: {  	[tilespmem:v38+s21+$0x0] =	vst.idx.msk $0xffff, v33  }
0x2f6: {  	s12 =	simm.s32 $0x3;
	v39 =	vadd.s32 v12, v35;
	v33 =	vld [tilespmem:s0+$0xFFFFFFB0]  }
0x2f7: {  	v40 =	vmov s12  }
0x2f8: {  	v35 =	vshrl.u32 v40, $0x3  }
0x2f9: {  	v35 =	vshll.u32 v35, v1  }
0x2fa: {  	v35 =	vbroadcast v35, $0x0  }
0x2fb: {  	[tilespmem:v39+s21+$0x0] =	vst.idx.msk $0xffff, v33  }
0x2fc: {  	v41 =	vadd.s32 v13, v35;
	v33 =	vld [tilespmem:s0+$0xFFFFFFC0];
	_ =	sdelay $0x4  }
0x2fd: {  	[tilespmem:v41+s21+$0x0] =	vst.idx.msk $0xffff, v33  }
0x2fe: {  	v42 =	vadd.s32 v14, v35;
	v33 =	vld [tilespmem:s0+$0xFFFFFFD0];
	_ =	sdelay $0x4  }
0x2ff: {  	[tilespmem:v42+s21+$0x0] =	vst.idx.msk $0xffff, v33  }
0x300: {  	v43 =	vadd.s32 v15, v35;
	v33 =	vld [tilespmem:s0+$0xFFFFFFE0];
	_ =	sdelay $0x4  }
0x301: {  	[tilespmem:v43+s21+$0x0] =	vst.idx.msk $0xffff, v33  }
0x302: {  	s7 =	simm.s32 $0x4;
	v44 =	vadd.s32 v16, v35;
	v33 =	vld [tilespmem:s0+$0xFFFFFFF0]  }
0x303: {  	v45 =	vmov s7  }
0x304: {  	v35 =	vshrl.u32 v45, $0x3  }
0x305: {  	v35 =	vshll.u32 v35, v1  }
0x306: {  	v35 =	vbroadcast v35, $0x0  }
0x307: {  	[tilespmem:v44+s21+$0x0] =	vst.idx.msk $0xffff, v33  }
0x308: {  	v46 =	vadd.s32 v17, v35;
	v33 =	vld [tilespmem:s0+$0x0];
	_ =	sdelay $0x4  }
0x309: {  	[tilespmem:v46+s21+$0x0] =	vst.idx.msk $0xffff, v33  }
0x30a: {  	v47 =	vadd.s32 v18, v35;
	v33 =	vld [tilespmem:s0+$0x10];
	_ =	sdelay $0x4  }
0x30b: {  	[tilespmem:v47+s21+$0x0] =	vst.idx.msk $0xffff, v33  }
0x30c: {  	v48 =	vadd.s32 v19, v35;
	v33 =	vld [tilespmem:s0+$0x20];
	_ =	sdelay $0x4  }
0x30d: {  	[tilespmem:v48+s21+$0x0] =	vst.idx.msk $0xffff, v33  }
0x30e: {  	s10 =	simm.s32 $0x5;
	v49 =	vadd.s32 v20, v35;
	v33 =	vld [tilespmem:s0+$0x30]  }
0x30f: {  	v50 =	vmov s10  }
0x310: {  	v35 =	vshrl.u32 v50, $0x3  }
0x311: {  	v35 =	vshll.u32 v35, v1  }
0x312: {  	v35 =	vbroadcast v35, $0x0  }
0x313: {  	[tilespmem:v49+s21+$0x0] =	vst.idx.msk $0xffff, v33  }
0x314: {  	v51 =	vadd.s32 v21, v35;
	v33 =	vld [tilespmem:s0+$0x40];
	_ =	sdelay $0x4  }
0x315: {  	[tilespmem:v51+s21+$0x0] =	vst.idx.msk $0xffff, v33  }
0x316: {  	v52 =	vadd.s32 v22, v35;
	v33 =	vld [tilespmem:s0+$0x50];
	_ =	sdelay $0x4  }
0x317: {  	[tilespmem:v52+s21+$0x0] =	vst.idx.msk $0xffff, v33  }
0x318: {  	v53 =	vadd.s32 v23, v35;
	v33 =	vld [tilespmem:s0+$0x60];
	_ =	sdelay $0x4  }
0x319: {  	[tilespmem:v53+s21+$0x0] =	vst.idx.msk $0xffff, v33  }
0x31a: {  	s11 =	simm.s32 $0x6;
	v54 =	vadd.s32 v24, v35;
	v33 =	vld [tilespmem:s0+$0x70]  }
0x31b: {  	v55 =	vmov s11  }
0x31c: {  	v35 =	vshrl.u32 v55, $0x3  }
0x31d: {  	v35 =	vshll.u32 v35, v1  }
0x31e: {  	v35 =	vbroadcast v35, $0x0  }
0x31f: {  	[tilespmem:v54+s21+$0x0] =	vst.idx.msk $0xffff, v33  }
0x320: {  	v56 =	vadd.s32 v25, v35;
	v33 =	vld [tilespmem:s0+$0x80];
	_ =	sdelay $0x4  }
0x321: {  	[tilespmem:v56+s21+$0x0] =	vst.idx.msk $0xffff, v33  }
0x322: {  	v57 =	vadd.s32 v26, v35;
	v33 =	vld [tilespmem:s0+$0x90];
	_ =	sdelay $0x4  }
0x323: {  	[tilespmem:v57+s21+$0x0] =	vst.idx.msk $0xffff, v33  }
0x324: {  	v58 =	vadd.s32 v27, v35;
	v33 =	vld [tilespmem:s0+$0xA0];
	_ =	sdelay $0x4  }
0x325: {  	[tilespmem:v58+s21+$0x0] =	vst.idx.msk $0xffff, v33  }
0x326: {  	s12 =	simm.s32 $0x7;
	v59 =	vadd.s32 v28, v35;
	v33 =	vld [tilespmem:s0+$0xB0]  }
0x327: {  	v60 =	vmov s12  }
0x328: {  	v35 =	vshrl.u32 v60, $0x3  }
0x329: {  	v35 =	vshll.u32 v35, v1  }
0x32a: {  	v35 =	vbroadcast v35, $0x0  }
0x32b: {  	[tilespmem:v59+s21+$0x0] =	vst.idx.msk $0xffff, v33  }
0x32c: {  	v61 =	vadd.s32 v29, v35;
	v33 =	vld [tilespmem:s0+$0xC0];
	_ =	sdelay $0x4  }
0x32d: {  	[tilespmem:v61+s21+$0x0] =	vst.idx.msk $0xffff, v33  }
0x32e: {  	v62 =	vadd.s32 v30, v35;
	v33 =	vld [tilespmem:s0+$0xD0];
	_ =	sdelay $0x4  }
0x32f: {  	[tilespmem:v62+s21+$0x0] =	vst.idx.msk $0xffff, v33  }
0x330: {  	v63 =	vadd.s32 v31, v35;
	v33 =	vld [tilespmem:s0+$0xE0];
	_ =	sdelay $0x4  }
0x331: {  	[tilespmem:v63+s21+$0x0] =	vst.idx.msk $0xffff, v33  }
0x332: {  	s10 =	simm.s32 $0xF;
	s11 =	simm.s32 $0x17;
	s12 =	simm.s32 $0x8;
	v34 =	vadd.s32 v32, v35;
	v33 =	vld [tilespmem:s0+$0xF0]  }
.LBB2_11:
0x333: {  	p1 =	sne.s32 s11, $0x7F;
	v35 =	vmov s12  }
0x334: {  	v35 =	vshrl.u32 v35, $0x3  }
0x335: {  	v35 =	vshll.u32 v35, v1  }
0x336: {  	v35 =	vbroadcast v35, $0x0  }
0x337: {  	s0 =	sadd.s32 $0x200, s0;
	[tilespmem:v34+s21+$0x0] =	vst.idx.msk $0xffff, v33  }
0x338: {  	v33 =	vld [tilespmem:s0+$0xFFFFFF00];
	v34 =	vadd.s32 v0, v35;
	_ =	sdelay $0x4  }
0x339: {  	[tilespmem:v34+s21+$0x0] =	vst.idx.msk $0xffff, v33  }
0x33a: {  	v34 =	vadd.s32 v2, v35;
	v33 =	vld [tilespmem:s0+$0xFFFFFF10];
	_ =	sdelay $0x4  }
0x33b: {  	[tilespmem:v34+s21+$0x0] =	vst.idx.msk $0xffff, v33  }
0x33c: {  	v34 =	vadd.s32 v3, v35;
	v33 =	vld [tilespmem:s0+$0xFFFFFF20];
	_ =	sdelay $0x4  }
0x33d: {  	[tilespmem:v34+s21+$0x0] =	vst.idx.msk $0xffff, v33  }
0x33e: {  	s6 =	sadd.s32 $0xFFFFFFFA, s10;
	v34 =	vadd.s32 v4, v35;
	v33 =	vld [tilespmem:s0+$0xFFFFFF30]  }
0x33f: {  	v35 =	vmov s6  }
0x340: {  	v35 =	vshrl.u32 v35, $0x3  }
0x341: {  	v35 =	vshll.u32 v35, v1  }
0x342: {  	v35 =	vbroadcast v35, $0x0  }
0x343: {  	[tilespmem:v34+s21+$0x0] =	vst.idx.msk $0xffff, v33  }
0x344: {  	v34 =	vadd.s32 v5, v35;
	v33 =	vld [tilespmem:s0+$0xFFFFFF40];
	_ =	sdelay $0x4  }
0x345: {  	[tilespmem:v34+s21+$0x0] =	vst.idx.msk $0xffff, v33  }
0x346: {  	v34 =	vadd.s32 v6, v35;
	v33 =	vld [tilespmem:s0+$0xFFFFFF50];
	_ =	sdelay $0x4  }
0x347: {  	[tilespmem:v34+s21+$0x0] =	vst.idx.msk $0xffff, v33  }
0x348: {  	v34 =	vadd.s32 v7, v35;
	v33 =	vld [tilespmem:s0+$0xFFFFFF60];
	_ =	sdelay $0x4  }
0x349: {  	[tilespmem:v34+s21+$0x0] =	vst.idx.msk $0xffff, v33  }
0x34a: {  	s6 =	sadd.s32 $0xFFFFFFFB, s10;
	v34 =	vadd.s32 v8, v35;
	v33 =	vld [tilespmem:s0+$0xFFFFFF70]  }
0x34b: {  	v35 =	vmov s6  }
0x34c: {  	v35 =	vshrl.u32 v35, $0x3  }
0x34d: {  	v35 =	vshll.u32 v35, v1  }
0x34e: {  	v35 =	vbroadcast v35, $0x0  }
0x34f: {  	[tilespmem:v34+s21+$0x0] =	vst.idx.msk $0xffff, v33  }
0x350: {  	v34 =	vadd.s32 v9, v35;
	v33 =	vld [tilespmem:s0+$0xFFFFFF80];
	_ =	sdelay $0x4  }
0x351: {  	[tilespmem:v34+s21+$0x0] =	vst.idx.msk $0xffff, v33  }
0x352: {  	v34 =	vadd.s32 v10, v35;
	v33 =	vld [tilespmem:s0+$0xFFFFFF90];
	_ =	sdelay $0x4  }
0x353: {  	[tilespmem:v34+s21+$0x0] =	vst.idx.msk $0xffff, v33  }
0x354: {  	v34 =	vadd.s32 v11, v35;
	v33 =	vld [tilespmem:s0+$0xFFFFFFA0];
	_ =	sdelay $0x4  }
0x355: {  	[tilespmem:v34+s21+$0x0] =	vst.idx.msk $0xffff, v33  }
0x356: {  	s6 =	sadd.s32 $0xFFFFFFFC, s10;
	v34 =	vadd.s32 v12, v35;
	v33 =	vld [tilespmem:s0+$0xFFFFFFB0]  }
0x357: {  	v35 =	vmov s6  }
0x358: {  	v35 =	vshrl.u32 v35, $0x3  }
0x359: {  	v35 =	vshll.u32 v35, v1  }
0x35a: {  	v35 =	vbroadcast v35, $0x0  }
0x35b: {  	[tilespmem:v34+s21+$0x0] =	vst.idx.msk $0xffff, v33  }
0x35c: {  	v34 =	vadd.s32 v13, v35;
	v33 =	vld [tilespmem:s0+$0xFFFFFFC0];
	_ =	sdelay $0x4  }
0x35d: {  	[tilespmem:v34+s21+$0x0] =	vst.idx.msk $0xffff, v33  }
0x35e: {  	v34 =	vadd.s32 v14, v35;
	v33 =	vld [tilespmem:s0+$0xFFFFFFD0];
	_ =	sdelay $0x4  }
0x35f: {  	[tilespmem:v34+s21+$0x0] =	vst.idx.msk $0xffff, v33  }
0x360: {  	v34 =	vadd.s32 v15, v35;
	v33 =	vld [tilespmem:s0+$0xFFFFFFE0];
	_ =	sdelay $0x4  }
0x361: {  	[tilespmem:v34+s21+$0x0] =	vst.idx.msk $0xffff, v33  }
0x362: {  	s6 =	sadd.s32 $0xFFFFFFFD, s10;
	v34 =	vadd.s32 v16, v35;
	v33 =	vld [tilespmem:s0+$0xFFFFFFF0]  }
0x363: {  	v35 =	vmov s6  }
0x364: {  	v35 =	vshrl.u32 v35, $0x3  }
0x365: {  	v35 =	vshll.u32 v35, v1  }
0x366: {  	v35 =	vbroadcast v35, $0x0  }
0x367: {  	[tilespmem:v34+s21+$0x0] =	vst.idx.msk $0xffff, v33  }
0x368: {  	v34 =	vadd.s32 v17, v35;
	v33 =	vld [tilespmem:s0+$0x0];
	_ =	sdelay $0x4  }
0x369: {  	[tilespmem:v34+s21+$0x0] =	vst.idx.msk $0xffff, v33  }
0x36a: {  	v34 =	vadd.s32 v18, v35;
	v33 =	vld [tilespmem:s0+$0x10];
	_ =	sdelay $0x4  }
0x36b: {  	[tilespmem:v34+s21+$0x0] =	vst.idx.msk $0xffff, v33  }
0x36c: {  	v34 =	vadd.s32 v19, v35;
	v33 =	vld [tilespmem:s0+$0x20];
	_ =	sdelay $0x4  }
0x36d: {  	[tilespmem:v34+s21+$0x0] =	vst.idx.msk $0xffff, v33  }
0x36e: {  	s6 =	sadd.s32 $0xFFFFFFFE, s10;
	v34 =	vadd.s32 v20, v35;
	v33 =	vld [tilespmem:s0+$0x30]  }
0x36f: {  	v35 =	vmov s6  }
0x370: {  	v35 =	vshrl.u32 v35, $0x3  }
0x371: {  	v35 =	vshll.u32 v35, v1  }
0x372: {  	v35 =	vbroadcast v35, $0x0  }
0x373: {  	[tilespmem:v34+s21+$0x0] =	vst.idx.msk $0xffff, v33  }
0x374: {  	v34 =	vadd.s32 v21, v35;
	v33 =	vld [tilespmem:s0+$0x40];
	_ =	sdelay $0x4  }
0x375: {  	[tilespmem:v34+s21+$0x0] =	vst.idx.msk $0xffff, v33  }
0x376: {  	v34 =	vadd.s32 v22, v35;
	v33 =	vld [tilespmem:s0+$0x50];
	_ =	sdelay $0x4  }
0x377: {  	[tilespmem:v34+s21+$0x0] =	vst.idx.msk $0xffff, v33  }
0x378: {  	v34 =	vadd.s32 v23, v35;
	v33 =	vld [tilespmem:s0+$0x60];
	_ =	sdelay $0x4  }
0x379: {  	[tilespmem:v34+s21+$0x0] =	vst.idx.msk $0xffff, v33  }
0x37a: {  	s6 =	sadd.s32 $0xFFFFFFFF, s10;
	v34 =	vadd.s32 v24, v35;
	v33 =	vld [tilespmem:s0+$0x70]  }
0x37b: {  	v35 =	vmov s6  }
0x37c: {  	v35 =	vshrl.u32 v35, $0x3  }
0x37d: {  	v35 =	vshll.u32 v35, v1  }
0x37e: {  	v35 =	vbroadcast v35, $0x0  }
0x37f: {  	[tilespmem:v34+s21+$0x0] =	vst.idx.msk $0xffff, v33  }
0x380: {  	v34 =	vadd.s32 v25, v35;
	v33 =	vld [tilespmem:s0+$0x80];
	_ =	sdelay $0x4  }
0x381: {  	[tilespmem:v34+s21+$0x0] =	vst.idx.msk $0xffff, v33  }
0x382: {  	v34 =	vadd.s32 v26, v35;
	v33 =	vld [tilespmem:s0+$0x90];
	_ =	sdelay $0x4  }
0x383: {  	[tilespmem:v34+s21+$0x0] =	vst.idx.msk $0xffff, v33  }
0x384: {  	v34 =	vadd.s32 v27, v35;
	v33 =	vld [tilespmem:s0+$0xA0];
	_ =	sdelay $0x4  }
0x385: {  	[tilespmem:v34+s21+$0x0] =	vst.idx.msk $0xffff, v33  }
0x386: {  	v34 =	vadd.s32 v28, v35;
	v33 =	vld [tilespmem:s0+$0xB0]  }
0x387: {  	v35 =	vmov s10;
	s10 =	smov.u32 s11  }
0x388: {  	v35 =	vshrl.u32 v35, $0x3  }
0x389: {  	v35 =	vshll.u32 v35, v1  }
0x38a: {  	v35 =	vbroadcast v35, $0x0  }
0x38b: {  	[tilespmem:v34+s21+$0x0] =	vst.idx.msk $0xffff, v33  }
0x38c: {  	v34 =	vadd.s32 v29, v35;
	v33 =	vld [tilespmem:s0+$0xC0];
	_ =	sdelay $0x4  }
0x38d: {  	[tilespmem:v34+s21+$0x0] =	vst.idx.msk $0xffff, v33  }
0x38e: {  	v34 =	vadd.s32 v30, v35;
	v33 =	vld [tilespmem:s0+$0xD0];
	_ =	sdelay $0x4  }
0x38f: {  	[tilespmem:v34+s21+$0x0] =	vst.idx.msk $0xffff, v33  }
0x390: {  	v34 =	vadd.s32 v31, v35;
	v33 =	vld [tilespmem:s0+$0xE0];
	_ =	sdelay $0x1  }
.Ltmp6:
0x391: {  	(pc) =	sbr.rel @p1 .LBB2_11-.Ltmp6, $3  }
0x392: {  	_ =	sdelay $0x1  }
0x393: {  	[tilespmem:v34+s21+$0x0] =	vst.idx.msk $0xffff, v33  }
0x394: {  	s11 =	sadd.s32 $0x8, s11;
	s12 =	sadd.s32 $0xFFFFFFF9, s10;
	v34 =	vadd.s32 v32, v35;
	v33 =	vld [tilespmem:s0+$0xF0]  }
0x395: {  	v35 =	vmov s12  }
0x396: {  	v35 =	vshrl.u32 v35, $0x3  }
0x397: {  	v35 =	vshll.u32 v35, v1  }
0x398: {  	v35 =	vbroadcast v35, $0x0  }
0x399: {  	s0 =	sadd.s32 $0x200, s0;
	[tilespmem:v34+s21+$0x0] =	vst.idx.msk $0xffff, v33  }
0x39a: {  	v33 =	vld [tilespmem:s0+$0xFFFFFF00];
	v53 =	vadd.s32 v0, v35;
	_ =	sdelay $0x4  }
0x39b: {  	[tilespmem:v53+s21+$0x0] =	vst.idx.msk $0xffff, v33  }
0x39c: {  	v54 =	vadd.s32 v2, v35;
	v33 =	vld [tilespmem:s0+$0xFFFFFF10];
	_ =	sdelay $0x4  }
0x39d: {  	[tilespmem:v54+s21+$0x0] =	vst.idx.msk $0xffff, v33  }
0x39e: {  	v55 =	vadd.s32 v3, v35;
	v33 =	vld [tilespmem:s0+$0xFFFFFF20];
	_ =	sdelay $0x4  }
0x39f: {  	[tilespmem:v55+s21+$0x0] =	vst.idx.msk $0xffff, v33  }
0x3a0: {  	s6 =	sadd.s32 $0xFFFFFFFA, s10;
	v56 =	vadd.s32 v4, v35;
	v33 =	vld [tilespmem:s0+$0xFFFFFF30]  }
0x3a1: {  	v57 =	vmov s6  }
0x3a2: {  	v35 =	vshrl.u32 v57, $0x3  }
0x3a3: {  	v35 =	vshll.u32 v35, v1  }
0x3a4: {  	v35 =	vbroadcast v35, $0x0  }
0x3a5: {  	[tilespmem:v56+s21+$0x0] =	vst.idx.msk $0xffff, v33  }
0x3a6: {  	v58 =	vadd.s32 v5, v35;
	v33 =	vld [tilespmem:s0+$0xFFFFFF40];
	_ =	sdelay $0x4  }
0x3a7: {  	[tilespmem:v58+s21+$0x0] =	vst.idx.msk $0xffff, v33  }
0x3a8: {  	v59 =	vadd.s32 v6, v35;
	v33 =	vld [tilespmem:s0+$0xFFFFFF50];
	_ =	sdelay $0x4  }
0x3a9: {  	[tilespmem:v59+s21+$0x0] =	vst.idx.msk $0xffff, v33  }
0x3aa: {  	v60 =	vadd.s32 v7, v35;
	v33 =	vld [tilespmem:s0+$0xFFFFFF60];
	_ =	sdelay $0x4  }
0x3ab: {  	[tilespmem:v60+s21+$0x0] =	vst.idx.msk $0xffff, v33  }
0x3ac: {  	s11 =	sadd.s32 $0xFFFFFFFB, s10;
	v61 =	vadd.s32 v8, v35;
	v33 =	vld [tilespmem:s0+$0xFFFFFF70]  }
0x3ad: {  	v62 =	vmov s11  }
0x3ae: {  	v35 =	vshrl.u32 v62, $0x3  }
0x3af: {  	v35 =	vshll.u32 v35, v1  }
0x3b0: {  	v35 =	vbroadcast v35, $0x0  }
0x3b1: {  	[tilespmem:v61+s21+$0x0] =	vst.idx.msk $0xffff, v33  }
0x3b2: {  	v63 =	vadd.s32 v9, v35;
	v33 =	vld [tilespmem:s0+$0xFFFFFF80];
	_ =	sdelay $0x4  }
0x3b3: {  	[tilespmem:v63+s21+$0x0] =	vst.idx.msk $0xffff, v33  }
0x3b4: {  	v36 =	vadd.s32 v10, v35;
	v33 =	vld [tilespmem:s0+$0xFFFFFF90];
	_ =	sdelay $0x4  }
0x3b5: {  	[tilespmem:v36+s21+$0x0] =	vst.idx.msk $0xffff, v33  }
0x3b6: {  	v37 =	vadd.s32 v11, v35;
	v33 =	vld [tilespmem:s0+$0xFFFFFFA0];
	_ =	sdelay $0x4  }
0x3b7: {  	[tilespmem:v37+s21+$0x0] =	vst.idx.msk $0xffff, v33  }
0x3b8: {  	s12 =	sadd.s32 $0xFFFFFFFC, s10;
	v38 =	vadd.s32 v12, v35;
	v33 =	vld [tilespmem:s0+$0xFFFFFFB0]  }
0x3b9: {  	v39 =	vmov s12  }
0x3ba: {  	v35 =	vshrl.u32 v39, $0x3  }
0x3bb: {  	v35 =	vshll.u32 v35, v1  }
0x3bc: {  	v35 =	vbroadcast v35, $0x0  }
0x3bd: {  	[tilespmem:v38+s21+$0x0] =	vst.idx.msk $0xffff, v33  }
0x3be: {  	v40 =	vadd.s32 v13, v35;
	v33 =	vld [tilespmem:s0+$0xFFFFFFC0];
	_ =	sdelay $0x4  }
0x3bf: {  	[tilespmem:v40+s21+$0x0] =	vst.idx.msk $0xffff, v33  }
0x3c0: {  	v41 =	vadd.s32 v14, v35;
	v33 =	vld [tilespmem:s0+$0xFFFFFFD0];
	_ =	sdelay $0x4  }
0x3c1: {  	[tilespmem:v41+s21+$0x0] =	vst.idx.msk $0xffff, v33  }
0x3c2: {  	v42 =	vadd.s32 v15, v35;
	v33 =	vld [tilespmem:s0+$0xFFFFFFE0];
	_ =	sdelay $0x4  }
0x3c3: {  	[tilespmem:v42+s21+$0x0] =	vst.idx.msk $0xffff, v33  }
0x3c4: {  	s7 =	sadd.s32 $0xFFFFFFFD, s10;
	v43 =	vadd.s32 v16, v35;
	v33 =	vld [tilespmem:s0+$0xFFFFFFF0]  }
0x3c5: {  	v44 =	vmov s7  }
0x3c6: {  	v35 =	vshrl.u32 v44, $0x3  }
0x3c7: {  	v35 =	vshll.u32 v35, v1  }
0x3c8: {  	v35 =	vbroadcast v35, $0x0  }
0x3c9: {  	[tilespmem:v43+s21+$0x0] =	vst.idx.msk $0xffff, v33  }
0x3ca: {  	v45 =	vadd.s32 v17, v35;
	v33 =	vld [tilespmem:s0+$0x0];
	_ =	sdelay $0x4  }
0x3cb: {  	[tilespmem:v45+s21+$0x0] =	vst.idx.msk $0xffff, v33  }
0x3cc: {  	v46 =	vadd.s32 v18, v35;
	v33 =	vld [tilespmem:s0+$0x10];
	_ =	sdelay $0x4  }
0x3cd: {  	[tilespmem:v46+s21+$0x0] =	vst.idx.msk $0xffff, v33  }
0x3ce: {  	v47 =	vadd.s32 v19, v35;
	v33 =	vld [tilespmem:s0+$0x20];
	_ =	sdelay $0x4  }
0x3cf: {  	[tilespmem:v47+s21+$0x0] =	vst.idx.msk $0xffff, v33  }
0x3d0: {  	s11 =	sadd.s32 $0xFFFFFFFE, s10;
	v48 =	vadd.s32 v20, v35;
	v33 =	vld [tilespmem:s0+$0x30]  }
0x3d1: {  	v49 =	vmov s11  }
0x3d2: {  	v35 =	vshrl.u32 v49, $0x3  }
0x3d3: {  	v35 =	vshll.u32 v35, v1  }
0x3d4: {  	v35 =	vbroadcast v35, $0x0  }
0x3d5: {  	[tilespmem:v48+s21+$0x0] =	vst.idx.msk $0xffff, v33  }
0x3d6: {  	v50 =	vadd.s32 v21, v35;
	v33 =	vld [tilespmem:s0+$0x40];
	_ =	sdelay $0x4  }
0x3d7: {  	[tilespmem:v50+s21+$0x0] =	vst.idx.msk $0xffff, v33  }
0x3d8: {  	v51 =	vadd.s32 v22, v35;
	v33 =	vld [tilespmem:s0+$0x50];
	_ =	sdelay $0x4  }
0x3d9: {  	[tilespmem:v51+s21+$0x0] =	vst.idx.msk $0xffff, v33  }
0x3da: {  	v52 =	vadd.s32 v23, v35;
	v33 =	vld [tilespmem:s0+$0x60];
	_ =	sdelay $0x4  }
0x3db: {  	[tilespmem:v52+s21+$0x0] =	vst.idx.msk $0xffff, v33  }
0x3dc: {  	s12 =	sadd.s32 $0xFFFFFFFF, s10;
	v53 =	vadd.s32 v24, v35;
	v33 =	vld [tilespmem:s0+$0x70]  }
0x3dd: {  	v54 =	vmov s12  }
0x3de: {  	v35 =	vshrl.u32 v54, $0x3  }
0x3df: {  	v35 =	vshll.u32 v35, v1  }
0x3e0: {  	v35 =	vbroadcast v35, $0x0  }
0x3e1: {  	[tilespmem:v53+s21+$0x0] =	vst.idx.msk $0xffff, v33  }
0x3e2: {  	v55 =	vadd.s32 v25, v35;
	v33 =	vld [tilespmem:s0+$0x80];
	_ =	sdelay $0x4  }
0x3e3: {  	[tilespmem:v55+s21+$0x0] =	vst.idx.msk $0xffff, v33  }
0x3e4: {  	v56 =	vadd.s32 v26, v35;
	v33 =	vld [tilespmem:s0+$0x90];
	_ =	sdelay $0x4  }
0x3e5: {  	[tilespmem:v56+s21+$0x0] =	vst.idx.msk $0xffff, v33  }
0x3e6: {  	v57 =	vadd.s32 v27, v35;
	v33 =	vld [tilespmem:s0+$0xA0];
	_ =	sdelay $0x4  }
0x3e7: {  	[tilespmem:v57+s21+$0x0] =	vst.idx.msk $0xffff, v33  }
0x3e8: {  	v58 =	vadd.s32 v28, v35;
	v33 =	vld [tilespmem:s0+$0xB0]  }
0x3e9: {  	v59 =	vmov s10  }
0x3ea: {  	v35 =	vshrl.u32 v59, $0x3  }
0x3eb: {  	v35 =	vshll.u32 v35, v1  }
0x3ec: {  	v35 =	vbroadcast v35, $0x0  }
0x3ed: {  	[tilespmem:v58+s21+$0x0] =	vst.idx.msk $0xffff, v33  }
0x3ee: {  	v60 =	vadd.s32 v29, v35;
	v33 =	vld [tilespmem:s0+$0xC0];
	_ =	sdelay $0x4  }
0x3ef: {  	[tilespmem:v60+s21+$0x0] =	vst.idx.msk $0xffff, v33  }
0x3f0: {  	v61 =	vadd.s32 v30, v35;
	v33 =	vld [tilespmem:s0+$0xD0];
	_ =	sdelay $0x4  }
0x3f1: {  	[tilespmem:v61+s21+$0x0] =	vst.idx.msk $0xffff, v33  }
0x3f2: {  	v62 =	vadd.s32 v31, v35;
	v33 =	vld [tilespmem:s0+$0xE0];
	_ =	sdelay $0x4  }
0x3f3: {  	[tilespmem:v62+s21+$0x0] =	vst.idx.msk $0xffff, v33  }
0x3f4: {  	v63 =	vadd.s32 v32, v35;
	v33 =	vld [tilespmem:s0+$0xF0]  }
0x3f5: {  	s7 =	sadd.s32 $0x2, s31  }
0x3f6: {  	s10 =	sshll.u32 s7, $0x7  }
0x3f7: {  	s6 =	sand.u32 $0x3F00, s10;
	s0 =	sshll.u32 s7, $0xA  }
0x3f8: {  	s6 =	sadd.s32 s2, s6;
	s0 =	sand.u32 $0xFFE0000, s0  }
0x3f9: {  	s11 =	simm.s32 $0x12800;
	s6 =	sadd.s32 s0, s6;
	[tilespmem:v63+s21+$0x0] =	vst.idx.msk $0xffff, v33  }
0x3fa: {  	[hbm4b:s6+s3] =	stream.linear.scatter [tilespmem:s11], [sflag:$0x7], $0x80, $0x38;
	[tilespmem:$0x16C00] =	vst v63  }
0x3fb: {  	s12 =	simm.s32 $0x12888;
	s7 =	sadd.s32 $0x10, s6  }
0x3fc: {  	[hbm4b:s7+s3] =	stream.linear.scatter [tilespmem:s12], [sflag:$0x7], $0x80, $0x38;
	[tilespmem:$0x16C00] =	vst v63  }
0x3fd: {  	s10 =	simm.s32 $0x12910;
	s11 =	sadd.s32 $0x20, s6  }
0x3fe: {  	[hbm4b:s11+s3] =	stream.linear.scatter [tilespmem:s10], [sflag:$0x7], $0x80, $0x38;
	[tilespmem:$0x16C00] =	vst v63  }
0x3ff: {  	s12 =	simm.s32 $0x12998;
	s7 =	sadd.s32 $0x30, s6  }
0x400: {  	[hbm4b:s7+s3] =	stream.linear.scatter [tilespmem:s12], [sflag:$0x7], $0x80, $0x38;
	[tilespmem:$0x16C00] =	vst v63  }
0x401: {  	s10 =	simm.s32 $0x12A20;
	s11 =	sadd.s32 $0x40, s6  }
0x402: {  	[hbm4b:s11+s3] =	stream.linear.scatter [tilespmem:s10], [sflag:$0x7], $0x80, $0x38;
	[tilespmem:$0x16C00] =	vst v63  }
0x403: {  	s0 =	simm.s32 $0x440;
	s12 =	simm.s32 $0x12AA8;
	s7 =	sadd.s32 $0x50, s6  }
0x404: {  	[hbm4b:s7+s3] =	stream.linear.scatter [tilespmem:s12], [sflag:$0x7], $0x80, $0x38;
	[tilespmem:$0x16C00] =	vst v63  }
0x405: {  	s31 =	sadd.s32 $0x70, s6;
	s11 =	simm.s32 $0x12B30;
	s12 =	sadd.s32 $0x60, s6  }
0x406: {  	[hbm4b:s12+s3] =	stream.linear.scatter [tilespmem:s11], [sflag:$0x7], $0x80, $0x38;
	[tilespmem:$0x16C00] =	vst v63  }
0x407: {  	s10 =	sadd.s32 $0x4000, s6;
	s11 =	simm.s32 $0x2200;
	s12 =	simm.s32 $0x12BB8  }
.LBB2_13:
0x408: {  	[hbm4b:s31+s3] =	stream.linear.scatter [tilespmem:s12], [sflag:$0x7], $0x80, $0x38;
	[tilespmem:$0x16C00] =	vst v63  }
0x409: {  	s6 =	smov.u32 s0;
	s0 =	smov.u32 s11  }
0x40a: {  	s7 =	sadd.s32 $0x1100, s11;
	s0 =	sshra.s32 s0, $0x2;
	s12 =	sadd.s32 $0x12800, s6  }
0x40b: {  	[hbm4b:s10+s3] =	stream.linear.scatter [tilespmem:s12], [sflag:$0x7], $0x80, $0x38;
	[tilespmem:$0x16C00] =	vst v63  }
0x40c: {  	p1 =	sne.s32 s11, $0x7700;
	s11 =	sadd.s32 $0x12888, s6;
	s12 =	sadd.s32 $0x10, s10  }
0x40d: {  	[hbm4b:s12+s3] =	stream.linear.scatter [tilespmem:s11], [sflag:$0x7], $0x80, $0x38;
	[tilespmem:$0x16C00] =	vst v63  }
0x40e: {  	s11 =	sadd.s32 $0x12910, s6;
	s12 =	sadd.s32 $0x20, s10  }
0x40f: {  	[hbm4b:s12+s3] =	stream.linear.scatter [tilespmem:s11], [sflag:$0x7], $0x80, $0x38;
	[tilespmem:$0x16C00] =	vst v63  }
0x410: {  	s11 =	sadd.s32 $0x12998, s6;
	s12 =	sadd.s32 $0x30, s10  }
0x411: {  	[hbm4b:s12+s3] =	stream.linear.scatter [tilespmem:s11], [sflag:$0x7], $0x80, $0x38;
	[tilespmem:$0x16C00] =	vst v63  }
0x412: {  	s11 =	sadd.s32 $0x12A20, s6;
	s12 =	sadd.s32 $0x40, s10  }
0x413: {  	[hbm4b:s12+s3] =	stream.linear.scatter [tilespmem:s11], [sflag:$0x7], $0x80, $0x38;
	[tilespmem:$0x16C00] =	vst v63  }
.Ltmp7:
0x414: {  	s11 =	sadd.s32 $0x12AA8, s6;
	s12 =	sadd.s32 $0x50, s10;
	(pc) =	sbr.rel @p1 .LBB2_13-.Ltmp7, $4  }
0x415: {  	[hbm4b:s12+s3] =	stream.linear.scatter [tilespmem:s11], [sflag:$0x7], $0x80, $0x38;
	[tilespmem:$0x16C00] =	vst v63  }
0x416: {  	s31 =	sadd.s32 $0x70, s10;
	s11 =	sadd.s32 $0x12B30, s6;
	s12 =	sadd.s32 $0x60, s10  }
0x417: {  	[hbm4b:s12+s3] =	stream.linear.scatter [tilespmem:s11], [sflag:$0x7], $0x80, $0x38;
	[tilespmem:$0x16C00] =	vst v63  }
0x418: {  	s10 =	sadd.s32 $0x4000, s10;
	s12 =	sadd.s32 $0x12BB8, s6;
	s11 =	smov.u32 s7  }
0x419: {  	[hbm4b:s31+s3] =	stream.linear.scatter [tilespmem:s12], [sflag:$0x7], $0x80, $0x38;
	[tilespmem:$0x16C00] =	vst v63  }
0x41a: {  	s6 =	sadd.s32 $0x12800, s0  }
0x41b: {  	[hbm4b:s10+s3] =	stream.linear.scatter [tilespmem:s6], [sflag:$0x7], $0x80, $0x38;
	[tilespmem:$0x16C00] =	vst v63  }
0x41c: {  	s11 =	sadd.s32 $0x12888, s0;
	s7 =	sadd.s32 $0x10, s10  }
0x41d: {  	[hbm4b:s7+s3] =	stream.linear.scatter [tilespmem:s11], [sflag:$0x7], $0x80, $0x38;
	[tilespmem:$0x16C00] =	vst v63  }
0x41e: {  	s12 =	sadd.s32 $0x12910, s0;
	s31 =	sadd.s32 $0x20, s10  }
0x41f: {  	[hbm4b:s31+s3] =	stream.linear.scatter [tilespmem:s12], [sflag:$0x7], $0x80, $0x38;
	[tilespmem:$0x16C00] =	vst v63  }
0x420: {  	s7 =	sadd.s32 $0x12998, s0;
	s11 =	sadd.s32 $0x30, s10  }
0x421: {  	[hbm4b:s11+s3] =	stream.linear.scatter [tilespmem:s7], [sflag:$0x7], $0x80, $0x38;
	[tilespmem:$0x16C00] =	vst v63  }
0x422: {  	s12 =	sadd.s32 $0x12A20, s0;
	s31 =	sadd.s32 $0x40, s10  }
0x423: {  	[hbm4b:s31+s3] =	stream.linear.scatter [tilespmem:s12], [sflag:$0x7], $0x80, $0x38;
	[tilespmem:$0x16C00] =	vst v63  }
0x424: {  	s7 =	sadd.s32 $0x12AA8, s0;
	s11 =	sadd.s32 $0x50, s10  }
0x425: {  	[hbm4b:s11+s3] =	stream.linear.scatter [tilespmem:s7], [sflag:$0x7], $0x80, $0x38;
	[tilespmem:$0x16C00] =	vst v63  }
0x426: {  	s12 =	sadd.s32 $0x12B30, s0;
	s31 =	sadd.s32 $0x60, s10  }
0x427: {  	[hbm4b:s31+s3] =	stream.linear.scatter [tilespmem:s12], [sflag:$0x7], $0x80, $0x38;
	[tilespmem:$0x16C00] =	vst v63  }
0x428: {  	s7 =	sadd.s32 $0x12BB8, s0;
	s11 =	sadd.s32 $0x70, s10  }
0x429: {  	[hbm4b:s11+s3] =	stream.linear.scatter [tilespmem:s7], [sflag:$0x7], $0x80, $0x38;
	[tilespmem:$0x16C00] =	vst v63  }
0x42a: {  	_ =	swait.ge [sflag:s22], $0x2000  }
0x42b: {  	s1 =	sadd.s32 @!p0 $0x280, s1;
	s12 =	simm.s32 $0x0;
	[sflag:s22] =	ssyncset.done $0x0  }
0x42c: {  	s6 =	simm.s32 @!p0 $0x80;
	v33 =	vmov s12;
	s7 =	simm.s32 @!p0 $0x8400;
	[sflag:s22] =	ssyncadd.s32 $0xFFFFE000  }
0x42d: {  	v33 =	vshrl.u32 v33, $0x3;
	[tilespmem:s7], [sflag:$0x2] =	stream.indirect.gather @!p0 [hbm4b:s4+s6], $0x40, s1, s6, $0xb8;
	[tilespmem:$0x16C00] =	vst v63  }
0x42e: {  	v33 =	vshll.u32 v33, v1;
	_ =	swait.ge [sflag:s23], $0x2000  }
0x42f: {  	v33 =	vbroadcast v33, $0x0;
	[sflag:s23] =	ssyncset.done $0x0  }
0x430: {  	s0 =	simm.s32 $0xC500;
	[sflag:s23] =	ssyncadd.s32 $0xFFFFE000  }
0x431: {  	v35 =	vadd.s32 v0, v33;
	v34 =	vld [tilespmem:s0+$0xFFFFFF00];
	_ =	sdelay $0x4  }
0x432: {  	[tilespmem:v35+s24+$0x0] =	vst.idx.msk $0xffff, v34  }
0x433: {  	v56 =	vadd.s32 v2, v33;
	v34 =	vld [tilespmem:s0+$0xFFFFFF10];
	_ =	sdelay $0x4  }
0x434: {  	[tilespmem:v56+s24+$0x0] =	vst.idx.msk $0xffff, v34  }
0x435: {  	v57 =	vadd.s32 v3, v33;
	v34 =	vld [tilespmem:s0+$0xFFFFFF20];
	_ =	sdelay $0x4  }
0x436: {  	[tilespmem:v57+s24+$0x0] =	vst.idx.msk $0xffff, v34  }
0x437: {  	s31 =	simm.s32 $0x1;
	v33 =	vadd.s32 v4, v33;
	v34 =	vld [tilespmem:s0+$0xFFFFFF30]  }
0x438: {  	v58 =	vmov s31  }
0x439: {  	v35 =	vshrl.u32 v58, $0x3  }
0x43a: {  	v35 =	vshll.u32 v35, v1  }
0x43b: {  	v35 =	vbroadcast v35, $0x0  }
0x43c: {  	[tilespmem:v33+s24+$0x0] =	vst.idx.msk $0xffff, v34  }
0x43d: {  	v59 =	vadd.s32 v5, v35;
	v33 =	vld [tilespmem:s0+$0xFFFFFF40];
	_ =	sdelay $0x4  }
0x43e: {  	[tilespmem:v59+s24+$0x0] =	vst.idx.msk $0xffff, v33  }
0x43f: {  	v60 =	vadd.s32 v6, v35;
	v33 =	vld [tilespmem:s0+$0xFFFFFF50];
	_ =	sdelay $0x4  }
0x440: {  	[tilespmem:v60+s24+$0x0] =	vst.idx.msk $0xffff, v33  }
0x441: {  	v61 =	vadd.s32 v7, v35;
	v33 =	vld [tilespmem:s0+$0xFFFFFF60];
	_ =	sdelay $0x4  }
0x442: {  	[tilespmem:v61+s24+$0x0] =	vst.idx.msk $0xffff, v33  }
0x443: {  	s6 =	simm.s32 $0x2;
	v62 =	vadd.s32 v8, v35;
	v33 =	vld [tilespmem:s0+$0xFFFFFF70]  }
0x444: {  	v63 =	vmov s6  }
0x445: {  	v35 =	vshrl.u32 v63, $0x3  }
0x446: {  	v35 =	vshll.u32 v35, v1  }
0x447: {  	v35 =	vbroadcast v35, $0x0  }
0x448: {  	[tilespmem:v62+s24+$0x0] =	vst.idx.msk $0xffff, v33  }
0x449: {  	v36 =	vadd.s32 v9, v35;
	v33 =	vld [tilespmem:s0+$0xFFFFFF80];
	_ =	sdelay $0x4  }
0x44a: {  	[tilespmem:v36+s24+$0x0] =	vst.idx.msk $0xffff, v33  }
0x44b: {  	v37 =	vadd.s32 v10, v35;
	v33 =	vld [tilespmem:s0+$0xFFFFFF90];
	_ =	sdelay $0x4  }
0x44c: {  	[tilespmem:v37+s24+$0x0] =	vst.idx.msk $0xffff, v33  }
0x44d: {  	v38 =	vadd.s32 v11, v35;
	v33 =	vld [tilespmem:s0+$0xFFFFFFA0];
	_ =	sdelay $0x4  }
0x44e: {  	[tilespmem:v38+s24+$0x0] =	vst.idx.msk $0xffff, v33  }
0x44f: {  	s7 =	simm.s32 $0x3;
	v39 =	vadd.s32 v12, v35;
	v33 =	vld [tilespmem:s0+$0xFFFFFFB0]  }
0x450: {  	v40 =	vmov s7  }
0x451: {  	v35 =	vshrl.u32 v40, $0x3  }
0x452: {  	v35 =	vshll.u32 v35, v1  }
0x453: {  	v35 =	vbroadcast v35, $0x0  }
0x454: {  	[tilespmem:v39+s24+$0x0] =	vst.idx.msk $0xffff, v33  }
0x455: {  	v41 =	vadd.s32 v13, v35;
	v33 =	vld [tilespmem:s0+$0xFFFFFFC0];
	_ =	sdelay $0x4  }
0x456: {  	[tilespmem:v41+s24+$0x0] =	vst.idx.msk $0xffff, v33  }
0x457: {  	v42 =	vadd.s32 v14, v35;
	v33 =	vld [tilespmem:s0+$0xFFFFFFD0];
	_ =	sdelay $0x4  }
0x458: {  	[tilespmem:v42+s24+$0x0] =	vst.idx.msk $0xffff, v33  }
0x459: {  	v43 =	vadd.s32 v15, v35;
	v33 =	vld [tilespmem:s0+$0xFFFFFFE0];
	_ =	sdelay $0x4  }
0x45a: {  	[tilespmem:v43+s24+$0x0] =	vst.idx.msk $0xffff, v33  }
0x45b: {  	s10 =	simm.s32 $0x4;
	v44 =	vadd.s32 v16, v35;
	v33 =	vld [tilespmem:s0+$0xFFFFFFF0]  }
0x45c: {  	v45 =	vmov s10  }
0x45d: {  	v35 =	vshrl.u32 v45, $0x3  }
0x45e: {  	v35 =	vshll.u32 v35, v1  }
0x45f: {  	v35 =	vbroadcast v35, $0x0  }
0x460: {  	[tilespmem:v44+s24+$0x0] =	vst.idx.msk $0xffff, v33  }
0x461: {  	v46 =	vadd.s32 v17, v35;
	v33 =	vld [tilespmem:s0+$0x0];
	_ =	sdelay $0x4  }
0x462: {  	[tilespmem:v46+s24+$0x0] =	vst.idx.msk $0xffff, v33  }
0x463: {  	v47 =	vadd.s32 v18, v35;
	v33 =	vld [tilespmem:s0+$0x10];
	_ =	sdelay $0x4  }
0x464: {  	[tilespmem:v47+s24+$0x0] =	vst.idx.msk $0xffff, v33  }
0x465: {  	v48 =	vadd.s32 v19, v35;
	v33 =	vld [tilespmem:s0+$0x20];
	_ =	sdelay $0x4  }
0x466: {  	[tilespmem:v48+s24+$0x0] =	vst.idx.msk $0xffff, v33  }
0x467: {  	s11 =	simm.s32 $0x5;
	v49 =	vadd.s32 v20, v35;
	v33 =	vld [tilespmem:s0+$0x30]  }
0x468: {  	v50 =	vmov s11  }
0x469: {  	v35 =	vshrl.u32 v50, $0x3  }
0x46a: {  	v35 =	vshll.u32 v35, v1  }
0x46b: {  	v35 =	vbroadcast v35, $0x0  }
0x46c: {  	[tilespmem:v49+s24+$0x0] =	vst.idx.msk $0xffff, v33  }
0x46d: {  	v51 =	vadd.s32 v21, v35;
	v33 =	vld [tilespmem:s0+$0x40];
	_ =	sdelay $0x4  }
0x46e: {  	[tilespmem:v51+s24+$0x0] =	vst.idx.msk $0xffff, v33  }
0x46f: {  	v52 =	vadd.s32 v22, v35;
	v33 =	vld [tilespmem:s0+$0x50];
	_ =	sdelay $0x4  }
0x470: {  	[tilespmem:v52+s24+$0x0] =	vst.idx.msk $0xffff, v33  }
0x471: {  	v53 =	vadd.s32 v23, v35;
	v33 =	vld [tilespmem:s0+$0x60];
	_ =	sdelay $0x4  }
0x472: {  	[tilespmem:v53+s24+$0x0] =	vst.idx.msk $0xffff, v33  }
0x473: {  	s12 =	simm.s32 $0x6;
	v54 =	vadd.s32 v24, v35;
	v33 =	vld [tilespmem:s0+$0x70]  }
0x474: {  	v55 =	vmov s12  }
0x475: {  	v35 =	vshrl.u32 v55, $0x3  }
0x476: {  	v35 =	vshll.u32 v35, v1  }
0x477: {  	v35 =	vbroadcast v35, $0x0  }
0x478: {  	[tilespmem:v54+s24+$0x0] =	vst.idx.msk $0xffff, v33  }
0x479: {  	v56 =	vadd.s32 v25, v35;
	v33 =	vld [tilespmem:s0+$0x80];
	_ =	sdelay $0x4  }
0x47a: {  	[tilespmem:v56+s24+$0x0] =	vst.idx.msk $0xffff, v33  }
0x47b: {  	v57 =	vadd.s32 v26, v35;
	v33 =	vld [tilespmem:s0+$0x90];
	_ =	sdelay $0x4  }
0x47c: {  	[tilespmem:v57+s24+$0x0] =	vst.idx.msk $0xffff, v33  }
0x47d: {  	v58 =	vadd.s32 v27, v35;
	v33 =	vld [tilespmem:s0+$0xA0];
	_ =	sdelay $0x4  }
0x47e: {  	[tilespmem:v58+s24+$0x0] =	vst.idx.msk $0xffff, v33  }
0x47f: {  	s31 =	simm.s32 $0x7;
	v59 =	vadd.s32 v28, v35;
	v33 =	vld [tilespmem:s0+$0xB0]  }
0x480: {  	v60 =	vmov s31  }
0x481: {  	v35 =	vshrl.u32 v60, $0x3  }
0x482: {  	v35 =	vshll.u32 v35, v1  }
0x483: {  	v35 =	vbroadcast v35, $0x0  }
0x484: {  	[tilespmem:v59+s24+$0x0] =	vst.idx.msk $0xffff, v33  }
0x485: {  	v61 =	vadd.s32 v29, v35;
	v33 =	vld [tilespmem:s0+$0xC0];
	_ =	sdelay $0x4  }
0x486: {  	[tilespmem:v61+s24+$0x0] =	vst.idx.msk $0xffff, v33  }
0x487: {  	v62 =	vadd.s32 v30, v35;
	v33 =	vld [tilespmem:s0+$0xD0];
	_ =	sdelay $0x4  }
0x488: {  	[tilespmem:v62+s24+$0x0] =	vst.idx.msk $0xffff, v33  }
0x489: {  	v63 =	vadd.s32 v31, v35;
	v33 =	vld [tilespmem:s0+$0xE0];
	_ =	sdelay $0x4  }
0x48a: {  	[tilespmem:v63+s24+$0x0] =	vst.idx.msk $0xffff, v33  }
0x48b: {  	s10 =	simm.s32 $0x17;
	s11 =	simm.s32 $0x8;
	s1 =	simm.s32 $0xF;
	v34 =	vadd.s32 v32, v35;
	v33 =	vld [tilespmem:s0+$0xF0]  }
.LBB2_15:
0x48c: {  	p1 =	sne.s32 s10, $0x7F;
	v35 =	vmov s11  }
0x48d: {  	v35 =	vshrl.u32 v35, $0x3  }
0x48e: {  	v35 =	vshll.u32 v35, v1  }
0x48f: {  	v35 =	vbroadcast v35, $0x0  }
0x490: {  	s0 =	sadd.s32 $0x200, s0;
	[tilespmem:v34+s24+$0x0] =	vst.idx.msk $0xffff, v33  }
0x491: {  	v33 =	vld [tilespmem:s0+$0xFFFFFF00];
	v34 =	vadd.s32 v0, v35;
	_ =	sdelay $0x4  }
0x492: {  	[tilespmem:v34+s24+$0x0] =	vst.idx.msk $0xffff, v33  }
0x493: {  	v34 =	vadd.s32 v2, v35;
	v33 =	vld [tilespmem:s0+$0xFFFFFF10];
	_ =	sdelay $0x4  }
0x494: {  	[tilespmem:v34+s24+$0x0] =	vst.idx.msk $0xffff, v33  }
0x495: {  	v34 =	vadd.s32 v3, v35;
	v33 =	vld [tilespmem:s0+$0xFFFFFF20];
	_ =	sdelay $0x4  }
0x496: {  	[tilespmem:v34+s24+$0x0] =	vst.idx.msk $0xffff, v33  }
0x497: {  	s6 =	sadd.s32 $0xFFFFFFFA, s1;
	v34 =	vadd.s32 v4, v35;
	v33 =	vld [tilespmem:s0+$0xFFFFFF30]  }
0x498: {  	v35 =	vmov s6  }
0x499: {  	v35 =	vshrl.u32 v35, $0x3  }
0x49a: {  	v35 =	vshll.u32 v35, v1  }
0x49b: {  	v35 =	vbroadcast v35, $0x0  }
0x49c: {  	[tilespmem:v34+s24+$0x0] =	vst.idx.msk $0xffff, v33  }
0x49d: {  	v34 =	vadd.s32 v5, v35;
	v33 =	vld [tilespmem:s0+$0xFFFFFF40];
	_ =	sdelay $0x4  }
0x49e: {  	[tilespmem:v34+s24+$0x0] =	vst.idx.msk $0xffff, v33  }
0x49f: {  	v34 =	vadd.s32 v6, v35;
	v33 =	vld [tilespmem:s0+$0xFFFFFF50];
	_ =	sdelay $0x4  }
0x4a0: {  	[tilespmem:v34+s24+$0x0] =	vst.idx.msk $0xffff, v33  }
0x4a1: {  	v34 =	vadd.s32 v7, v35;
	v33 =	vld [tilespmem:s0+$0xFFFFFF60];
	_ =	sdelay $0x4  }
0x4a2: {  	[tilespmem:v34+s24+$0x0] =	vst.idx.msk $0xffff, v33  }
0x4a3: {  	s6 =	sadd.s32 $0xFFFFFFFB, s1;
	v34 =	vadd.s32 v8, v35;
	v33 =	vld [tilespmem:s0+$0xFFFFFF70]  }
0x4a4: {  	v35 =	vmov s6  }
0x4a5: {  	v35 =	vshrl.u32 v35, $0x3  }
0x4a6: {  	v35 =	vshll.u32 v35, v1  }
0x4a7: {  	v35 =	vbroadcast v35, $0x0  }
0x4a8: {  	[tilespmem:v34+s24+$0x0] =	vst.idx.msk $0xffff, v33  }
0x4a9: {  	v34 =	vadd.s32 v9, v35;
	v33 =	vld [tilespmem:s0+$0xFFFFFF80];
	_ =	sdelay $0x4  }
0x4aa: {  	[tilespmem:v34+s24+$0x0] =	vst.idx.msk $0xffff, v33  }
0x4ab: {  	v34 =	vadd.s32 v10, v35;
	v33 =	vld [tilespmem:s0+$0xFFFFFF90];
	_ =	sdelay $0x4  }
0x4ac: {  	[tilespmem:v34+s24+$0x0] =	vst.idx.msk $0xffff, v33  }
0x4ad: {  	v34 =	vadd.s32 v11, v35;
	v33 =	vld [tilespmem:s0+$0xFFFFFFA0];
	_ =	sdelay $0x4  }
0x4ae: {  	[tilespmem:v34+s24+$0x0] =	vst.idx.msk $0xffff, v33  }
0x4af: {  	s6 =	sadd.s32 $0xFFFFFFFC, s1;
	v34 =	vadd.s32 v12, v35;
	v33 =	vld [tilespmem:s0+$0xFFFFFFB0]  }
0x4b0: {  	v35 =	vmov s6  }
0x4b1: {  	v35 =	vshrl.u32 v35, $0x3  }
0x4b2: {  	v35 =	vshll.u32 v35, v1  }
0x4b3: {  	v35 =	vbroadcast v35, $0x0  }
0x4b4: {  	[tilespmem:v34+s24+$0x0] =	vst.idx.msk $0xffff, v33  }
0x4b5: {  	v34 =	vadd.s32 v13, v35;
	v33 =	vld [tilespmem:s0+$0xFFFFFFC0];
	_ =	sdelay $0x4  }
0x4b6: {  	[tilespmem:v34+s24+$0x0] =	vst.idx.msk $0xffff, v33  }
0x4b7: {  	v34 =	vadd.s32 v14, v35;
	v33 =	vld [tilespmem:s0+$0xFFFFFFD0];
	_ =	sdelay $0x4  }
0x4b8: {  	[tilespmem:v34+s24+$0x0] =	vst.idx.msk $0xffff, v33  }
0x4b9: {  	v34 =	vadd.s32 v15, v35;
	v33 =	vld [tilespmem:s0+$0xFFFFFFE0];
	_ =	sdelay $0x4  }
0x4ba: {  	[tilespmem:v34+s24+$0x0] =	vst.idx.msk $0xffff, v33  }
0x4bb: {  	s6 =	sadd.s32 $0xFFFFFFFD, s1;
	v34 =	vadd.s32 v16, v35;
	v33 =	vld [tilespmem:s0+$0xFFFFFFF0]  }
0x4bc: {  	v35 =	vmov s6  }
0x4bd: {  	v35 =	vshrl.u32 v35, $0x3  }
0x4be: {  	v35 =	vshll.u32 v35, v1  }
0x4bf: {  	v35 =	vbroadcast v35, $0x0  }
0x4c0: {  	[tilespmem:v34+s24+$0x0] =	vst.idx.msk $0xffff, v33  }
0x4c1: {  	v34 =	vadd.s32 v17, v35;
	v33 =	vld [tilespmem:s0+$0x0];
	_ =	sdelay $0x4  }
0x4c2: {  	[tilespmem:v34+s24+$0x0] =	vst.idx.msk $0xffff, v33  }
0x4c3: {  	v34 =	vadd.s32 v18, v35;
	v33 =	vld [tilespmem:s0+$0x10];
	_ =	sdelay $0x4  }
0x4c4: {  	[tilespmem:v34+s24+$0x0] =	vst.idx.msk $0xffff, v33  }
0x4c5: {  	v34 =	vadd.s32 v19, v35;
	v33 =	vld [tilespmem:s0+$0x20];
	_ =	sdelay $0x4  }
0x4c6: {  	[tilespmem:v34+s24+$0x0] =	vst.idx.msk $0xffff, v33  }
0x4c7: {  	s6 =	sadd.s32 $0xFFFFFFFE, s1;
	v34 =	vadd.s32 v20, v35;
	v33 =	vld [tilespmem:s0+$0x30]  }
0x4c8: {  	v35 =	vmov s6  }
0x4c9: {  	v35 =	vshrl.u32 v35, $0x3  }
0x4ca: {  	v35 =	vshll.u32 v35, v1  }
0x4cb: {  	v35 =	vbroadcast v35, $0x0  }
0x4cc: {  	[tilespmem:v34+s24+$0x0] =	vst.idx.msk $0xffff, v33  }
0x4cd: {  	v34 =	vadd.s32 v21, v35;
	v33 =	vld [tilespmem:s0+$0x40];
	_ =	sdelay $0x4  }
0x4ce: {  	[tilespmem:v34+s24+$0x0] =	vst.idx.msk $0xffff, v33  }
0x4cf: {  	v34 =	vadd.s32 v22, v35;
	v33 =	vld [tilespmem:s0+$0x50];
	_ =	sdelay $0x4  }
0x4d0: {  	[tilespmem:v34+s24+$0x0] =	vst.idx.msk $0xffff, v33  }
0x4d1: {  	v34 =	vadd.s32 v23, v35;
	v33 =	vld [tilespmem:s0+$0x60];
	_ =	sdelay $0x4  }
0x4d2: {  	[tilespmem:v34+s24+$0x0] =	vst.idx.msk $0xffff, v33  }
0x4d3: {  	s6 =	sadd.s32 $0xFFFFFFFF, s1;
	v34 =	vadd.s32 v24, v35;
	v33 =	vld [tilespmem:s0+$0x70]  }
0x4d4: {  	v35 =	vmov s6  }
0x4d5: {  	v35 =	vshrl.u32 v35, $0x3  }
0x4d6: {  	v35 =	vshll.u32 v35, v1  }
0x4d7: {  	v35 =	vbroadcast v35, $0x0  }
0x4d8: {  	[tilespmem:v34+s24+$0x0] =	vst.idx.msk $0xffff, v33  }
0x4d9: {  	v34 =	vadd.s32 v25, v35;
	v33 =	vld [tilespmem:s0+$0x80];
	_ =	sdelay $0x4  }
0x4da: {  	[tilespmem:v34+s24+$0x0] =	vst.idx.msk $0xffff, v33  }
0x4db: {  	v34 =	vadd.s32 v26, v35;
	v33 =	vld [tilespmem:s0+$0x90];
	_ =	sdelay $0x4  }
0x4dc: {  	[tilespmem:v34+s24+$0x0] =	vst.idx.msk $0xffff, v33  }
0x4dd: {  	v34 =	vadd.s32 v27, v35;
	v33 =	vld [tilespmem:s0+$0xA0];
	_ =	sdelay $0x4  }
0x4de: {  	[tilespmem:v34+s24+$0x0] =	vst.idx.msk $0xffff, v33  }
0x4df: {  	v34 =	vadd.s32 v28, v35;
	v33 =	vld [tilespmem:s0+$0xB0]  }
0x4e0: {  	v35 =	vmov s1;
	s1 =	smov.u32 s10  }
0x4e1: {  	v35 =	vshrl.u32 v35, $0x3  }
0x4e2: {  	v35 =	vshll.u32 v35, v1  }
0x4e3: {  	v35 =	vbroadcast v35, $0x0  }
0x4e4: {  	[tilespmem:v34+s24+$0x0] =	vst.idx.msk $0xffff, v33  }
0x4e5: {  	v34 =	vadd.s32 v29, v35;
	v33 =	vld [tilespmem:s0+$0xC0];
	_ =	sdelay $0x4  }
0x4e6: {  	[tilespmem:v34+s24+$0x0] =	vst.idx.msk $0xffff, v33  }
0x4e7: {  	v34 =	vadd.s32 v30, v35;
	v33 =	vld [tilespmem:s0+$0xD0];
	_ =	sdelay $0x4  }
0x4e8: {  	[tilespmem:v34+s24+$0x0] =	vst.idx.msk $0xffff, v33  }
0x4e9: {  	v34 =	vadd.s32 v31, v35;
	v33 =	vld [tilespmem:s0+$0xE0];
	_ =	sdelay $0x1  }
.Ltmp8:
0x4ea: {  	(pc) =	sbr.rel @p1 .LBB2_15-.Ltmp8, $3  }
0x4eb: {  	_ =	sdelay $0x1  }
0x4ec: {  	[tilespmem:v34+s24+$0x0] =	vst.idx.msk $0xffff, v33  }
0x4ed: {  	s10 =	sadd.s32 $0x8, s10;
	s11 =	sadd.s32 $0xFFFFFFF9, s1;
	v34 =	vadd.s32 v32, v35;
	v33 =	vld [tilespmem:s0+$0xF0]  }
0x4ee: {  	v35 =	vmov s11  }
0x4ef: {  	v35 =	vshrl.u32 v35, $0x3  }
0x4f0: {  	v35 =	vshll.u32 v35, v1  }
0x4f1: {  	v35 =	vbroadcast v35, $0x0  }
0x4f2: {  	s0 =	sadd.s32 $0x200, s0;
	[tilespmem:v34+s24+$0x0] =	vst.idx.msk $0xffff, v33  }
0x4f3: {  	v33 =	vld [tilespmem:s0+$0xFFFFFF00];
	v53 =	vadd.s32 v0, v35;
	_ =	sdelay $0x4  }
0x4f4: {  	[tilespmem:v53+s24+$0x0] =	vst.idx.msk $0xffff, v33  }
0x4f5: {  	v54 =	vadd.s32 v2, v35;
	v33 =	vld [tilespmem:s0+$0xFFFFFF10];
	_ =	sdelay $0x4  }
0x4f6: {  	[tilespmem:v54+s24+$0x0] =	vst.idx.msk $0xffff, v33  }
0x4f7: {  	v55 =	vadd.s32 v3, v35;
	v33 =	vld [tilespmem:s0+$0xFFFFFF20];
	_ =	sdelay $0x4  }
0x4f8: {  	[tilespmem:v55+s24+$0x0] =	vst.idx.msk $0xffff, v33  }
0x4f9: {  	s6 =	sadd.s32 $0xFFFFFFFA, s1;
	v56 =	vadd.s32 v4, v35;
	v33 =	vld [tilespmem:s0+$0xFFFFFF30]  }
0x4fa: {  	v57 =	vmov s6  }
0x4fb: {  	v35 =	vshrl.u32 v57, $0x3  }
0x4fc: {  	v35 =	vshll.u32 v35, v1  }
0x4fd: {  	v35 =	vbroadcast v35, $0x0  }
0x4fe: {  	[tilespmem:v56+s24+$0x0] =	vst.idx.msk $0xffff, v33  }
0x4ff: {  	v58 =	vadd.s32 v5, v35;
	v33 =	vld [tilespmem:s0+$0xFFFFFF40];
	_ =	sdelay $0x4  }
0x500: {  	[tilespmem:v58+s24+$0x0] =	vst.idx.msk $0xffff, v33  }
0x501: {  	v59 =	vadd.s32 v6, v35;
	v33 =	vld [tilespmem:s0+$0xFFFFFF50];
	_ =	sdelay $0x4  }
0x502: {  	[tilespmem:v59+s24+$0x0] =	vst.idx.msk $0xffff, v33  }
0x503: {  	v60 =	vadd.s32 v7, v35;
	v33 =	vld [tilespmem:s0+$0xFFFFFF60];
	_ =	sdelay $0x4  }
0x504: {  	[tilespmem:v60+s24+$0x0] =	vst.idx.msk $0xffff, v33  }
0x505: {  	s31 =	sadd.s32 $0xFFFFFFFB, s1;
	v61 =	vadd.s32 v8, v35;
	v33 =	vld [tilespmem:s0+$0xFFFFFF70]  }
0x506: {  	v62 =	vmov s31  }
0x507: {  	v35 =	vshrl.u32 v62, $0x3  }
0x508: {  	v35 =	vshll.u32 v35, v1  }
0x509: {  	v35 =	vbroadcast v35, $0x0  }
0x50a: {  	[tilespmem:v61+s24+$0x0] =	vst.idx.msk $0xffff, v33  }
0x50b: {  	v63 =	vadd.s32 v9, v35;
	v33 =	vld [tilespmem:s0+$0xFFFFFF80];
	_ =	sdelay $0x4  }
0x50c: {  	[tilespmem:v63+s24+$0x0] =	vst.idx.msk $0xffff, v33  }
0x50d: {  	v36 =	vadd.s32 v10, v35;
	v33 =	vld [tilespmem:s0+$0xFFFFFF90];
	_ =	sdelay $0x4  }
0x50e: {  	[tilespmem:v36+s24+$0x0] =	vst.idx.msk $0xffff, v33  }
0x50f: {  	v37 =	vadd.s32 v11, v35;
	v33 =	vld [tilespmem:s0+$0xFFFFFFA0];
	_ =	sdelay $0x4  }
0x510: {  	[tilespmem:v37+s24+$0x0] =	vst.idx.msk $0xffff, v33  }
0x511: {  	s7 =	sadd.s32 $0xFFFFFFFC, s1;
	v38 =	vadd.s32 v12, v35;
	v33 =	vld [tilespmem:s0+$0xFFFFFFB0]  }
0x512: {  	v39 =	vmov s7  }
0x513: {  	v35 =	vshrl.u32 v39, $0x3  }
0x514: {  	v35 =	vshll.u32 v35, v1  }
0x515: {  	v35 =	vbroadcast v35, $0x0  }
0x516: {  	[tilespmem:v38+s24+$0x0] =	vst.idx.msk $0xffff, v33  }
0x517: {  	v40 =	vadd.s32 v13, v35;
	v33 =	vld [tilespmem:s0+$0xFFFFFFC0];
	_ =	sdelay $0x4  }
0x518: {  	[tilespmem:v40+s24+$0x0] =	vst.idx.msk $0xffff, v33  }
0x519: {  	v41 =	vadd.s32 v14, v35;
	v33 =	vld [tilespmem:s0+$0xFFFFFFD0];
	_ =	sdelay $0x4  }
0x51a: {  	[tilespmem:v41+s24+$0x0] =	vst.idx.msk $0xffff, v33  }
0x51b: {  	v42 =	vadd.s32 v15, v35;
	v33 =	vld [tilespmem:s0+$0xFFFFFFE0];
	_ =	sdelay $0x4  }
0x51c: {  	[tilespmem:v42+s24+$0x0] =	vst.idx.msk $0xffff, v33  }
0x51d: {  	s10 =	sadd.s32 $0xFFFFFFFD, s1;
	v43 =	vadd.s32 v16, v35;
	v33 =	vld [tilespmem:s0+$0xFFFFFFF0]  }
0x51e: {  	v44 =	vmov s10  }
0x51f: {  	v35 =	vshrl.u32 v44, $0x3  }
0x520: {  	v35 =	vshll.u32 v35, v1  }
0x521: {  	v35 =	vbroadcast v35, $0x0  }
0x522: {  	[tilespmem:v43+s24+$0x0] =	vst.idx.msk $0xffff, v33  }
0x523: {  	v45 =	vadd.s32 v17, v35;
	v33 =	vld [tilespmem:s0+$0x0];
	_ =	sdelay $0x4  }
0x524: {  	[tilespmem:v45+s24+$0x0] =	vst.idx.msk $0xffff, v33  }
0x525: {  	v46 =	vadd.s32 v18, v35;
	v33 =	vld [tilespmem:s0+$0x10];
	_ =	sdelay $0x4  }
0x526: {  	[tilespmem:v46+s24+$0x0] =	vst.idx.msk $0xffff, v33  }
0x527: {  	v47 =	vadd.s32 v19, v35;
	v33 =	vld [tilespmem:s0+$0x20];
	_ =	sdelay $0x4  }
0x528: {  	[tilespmem:v47+s24+$0x0] =	vst.idx.msk $0xffff, v33  }
0x529: {  	s11 =	sadd.s32 $0xFFFFFFFE, s1;
	v48 =	vadd.s32 v20, v35;
	v33 =	vld [tilespmem:s0+$0x30]  }
0x52a: {  	v49 =	vmov s11  }
0x52b: {  	v35 =	vshrl.u32 v49, $0x3  }
0x52c: {  	v35 =	vshll.u32 v35, v1  }
0x52d: {  	v35 =	vbroadcast v35, $0x0  }
0x52e: {  	[tilespmem:v48+s24+$0x0] =	vst.idx.msk $0xffff, v33  }
0x52f: {  	v50 =	vadd.s32 v21, v35;
	v33 =	vld [tilespmem:s0+$0x40];
	_ =	sdelay $0x4  }
0x530: {  	[tilespmem:v50+s24+$0x0] =	vst.idx.msk $0xffff, v33  }
0x531: {  	v51 =	vadd.s32 v22, v35;
	v33 =	vld [tilespmem:s0+$0x50];
	_ =	sdelay $0x4  }
0x532: {  	[tilespmem:v51+s24+$0x0] =	vst.idx.msk $0xffff, v33  }
0x533: {  	v52 =	vadd.s32 v23, v35;
	v33 =	vld [tilespmem:s0+$0x60];
	_ =	sdelay $0x4  }
0x534: {  	[tilespmem:v52+s24+$0x0] =	vst.idx.msk $0xffff, v33  }
0x535: {  	s12 =	sadd.s32 $0xFFFFFFFF, s1;
	v53 =	vadd.s32 v24, v35;
	v33 =	vld [tilespmem:s0+$0x70]  }
0x536: {  	v54 =	vmov s12  }
0x537: {  	v35 =	vshrl.u32 v54, $0x3  }
0x538: {  	v35 =	vshll.u32 v35, v1  }
0x539: {  	v35 =	vbroadcast v35, $0x0  }
0x53a: {  	[tilespmem:v53+s24+$0x0] =	vst.idx.msk $0xffff, v33  }
0x53b: {  	v55 =	vadd.s32 v25, v35;
	v33 =	vld [tilespmem:s0+$0x80];
	_ =	sdelay $0x4  }
0x53c: {  	[tilespmem:v55+s24+$0x0] =	vst.idx.msk $0xffff, v33  }
0x53d: {  	v56 =	vadd.s32 v26, v35;
	v33 =	vld [tilespmem:s0+$0x90];
	_ =	sdelay $0x4  }
0x53e: {  	[tilespmem:v56+s24+$0x0] =	vst.idx.msk $0xffff, v33  }
0x53f: {  	v57 =	vadd.s32 v27, v35;
	v33 =	vld [tilespmem:s0+$0xA0];
	_ =	sdelay $0x4  }
0x540: {  	[tilespmem:v57+s24+$0x0] =	vst.idx.msk $0xffff, v33  }
0x541: {  	v58 =	vadd.s32 v28, v35;
	v33 =	vld [tilespmem:s0+$0xB0]  }
0x542: {  	v59 =	vmov s1  }
0x543: {  	v35 =	vshrl.u32 v59, $0x3  }
0x544: {  	v35 =	vshll.u32 v35, v1  }
0x545: {  	v35 =	vbroadcast v35, $0x0  }
0x546: {  	[tilespmem:v58+s24+$0x0] =	vst.idx.msk $0xffff, v33  }
0x547: {  	v60 =	vadd.s32 v29, v35;
	v33 =	vld [tilespmem:s0+$0xC0];
	_ =	sdelay $0x4  }
0x548: {  	[tilespmem:v60+s24+$0x0] =	vst.idx.msk $0xffff, v33  }
0x549: {  	v61 =	vadd.s32 v30, v35;
	v33 =	vld [tilespmem:s0+$0xD0];
	_ =	sdelay $0x4  }
0x54a: {  	[tilespmem:v61+s24+$0x0] =	vst.idx.msk $0xffff, v33  }
0x54b: {  	v62 =	vadd.s32 v31, v35;
	v33 =	vld [tilespmem:s0+$0xE0];
	_ =	sdelay $0x4  }
0x54c: {  	[tilespmem:v62+s24+$0x0] =	vst.idx.msk $0xffff, v33  }
0x54d: {  	v63 =	vadd.s32 v32, v35;
	v33 =	vld [tilespmem:s0+$0xF0]  }
0x54e: {  	s30 =	sadd.s32 s5, s30  }
0x54f: {  	s31 =	sshll.u32 s30, $0x7  }
0x550: {  	s1 =	sand.u32 $0x3F80, s31;
	s0 =	sshll.u32 s30, $0xA  }
0x551: {  	s1 =	sadd.s32 s2, s1;
	s0 =	sand.u32 $0xFFE0000, s0  }
0x552: {  	s6 =	simm.s32 $0x14A00;
	s1 =	sadd.s32 s0, s1;
	[tilespmem:v63+s24+$0x0] =	vst.idx.msk $0xffff, v33  }
0x553: {  	[hbm4b:s1+s3] =	stream.linear.scatter [tilespmem:s6], [sflag:$0x8], $0x80, $0x38;
	[tilespmem:$0x16C00] =	vst v63  }
0x554: {  	s7 =	simm.s32 $0x14A88;
	s10 =	sadd.s32 $0x10, s1  }
0x555: {  	[hbm4b:s10+s3] =	stream.linear.scatter [tilespmem:s7], [sflag:$0x8], $0x80, $0x38;
	[tilespmem:$0x16C00] =	vst v63  }
0x556: {  	s11 =	simm.s32 $0x14B10;
	s30 =	simm.s32 $0x14B98;
	s12 =	sadd.s32 $0x20, s1  }
0x557: {  	[hbm4b:s12+s3] =	stream.linear.scatter [tilespmem:s11], [sflag:$0x8], $0x80, $0x38;
	[tilespmem:$0x16C00] =	vst v63  }
0x558: {  	s0 =	simm.s32 $0x440;
	s31 =	sadd.s32 $0x30, s1;
	s7 =	simm.s32 $0x14C20  }
0x559: {  	[hbm4b:s31+s3] =	stream.linear.scatter [tilespmem:s30], [sflag:$0x8], $0x80, $0x38;
	[tilespmem:$0x16C00] =	vst v63  }
0x55a: {  	s10 =	sadd.s32 $0x40, s1;
	s11 =	simm.s32 $0x14CA8;
	s12 =	sadd.s32 $0x50, s1  }
0x55b: {  	[hbm4b:s10+s3] =	stream.linear.scatter [tilespmem:s7], [sflag:$0x8], $0x80, $0x38;
	[tilespmem:$0x16C00] =	vst v63  }
0x55c: {  	s30 =	simm.s32 $0x14D30;
	s31 =	sadd.s32 $0x60, s1;
	s10 =	simm.s32 $0x2200  }
0x55d: {  	[hbm4b:s12+s3] =	stream.linear.scatter [tilespmem:s11], [sflag:$0x8], $0x80, $0x38;
	[tilespmem:$0x16C00] =	vst v63  }
0x55e: {  	s11 =	simm.s32 $0x14DB8;
	s12 =	sadd.s32 $0x70, s1;
	s1 =	sadd.s32 $0x4000, s1  }
0x55f: {  	[hbm4b:s31+s3] =	stream.linear.scatter [tilespmem:s30], [sflag:$0x8], $0x80, $0x38;
	[tilespmem:$0x16C00] =	vst v63  }
.LBB2_17:
0x560: {  	[hbm4b:s12+s3] =	stream.linear.scatter [tilespmem:s11], [sflag:$0x8], $0x80, $0x38;
	[tilespmem:$0x16C00] =	vst v63  }
0x561: {  	s6 =	smov.u32 s0;
	s0 =	smov.u32 s10  }
0x562: {  	s7 =	sadd.s32 $0x1100, s10;
	s0 =	sshra.s32 s0, $0x2;
	s11 =	sadd.s32 $0x14A00, s6  }
0x563: {  	[hbm4b:s1+s3] =	stream.linear.scatter [tilespmem:s11], [sflag:$0x8], $0x80, $0x38;
	[tilespmem:$0x16C00] =	vst v63  }
0x564: {  	p1 =	sne.s32 s10, $0x7700;
	s10 =	sadd.s32 $0x14A88, s6;
	s11 =	sadd.s32 $0x10, s1  }
0x565: {  	[hbm4b:s11+s3] =	stream.linear.scatter [tilespmem:s10], [sflag:$0x8], $0x80, $0x38;
	[tilespmem:$0x16C00] =	vst v63  }
0x566: {  	s10 =	sadd.s32 $0x14B10, s6;
	s11 =	sadd.s32 $0x20, s1  }
0x567: {  	[hbm4b:s11+s3] =	stream.linear.scatter [tilespmem:s10], [sflag:$0x8], $0x80, $0x38;
	[tilespmem:$0x16C00] =	vst v63  }
0x568: {  	s10 =	sadd.s32 $0x14B98, s6;
	s11 =	sadd.s32 $0x30, s1  }
0x569: {  	[hbm4b:s11+s3] =	stream.linear.scatter [tilespmem:s10], [sflag:$0x8], $0x80, $0x38;
	[tilespmem:$0x16C00] =	vst v63  }
0x56a: {  	s10 =	sadd.s32 $0x14C20, s6;
	s11 =	sadd.s32 $0x40, s1  }
0x56b: {  	[hbm4b:s11+s3] =	stream.linear.scatter [tilespmem:s10], [sflag:$0x8], $0x80, $0x38;
	[tilespmem:$0x16C00] =	vst v63  }
.Ltmp9:
0x56c: {  	s10 =	sadd.s32 $0x14CA8, s6;
	s11 =	sadd.s32 $0x50, s1;
	(pc) =	sbr.rel @p1 .LBB2_17-.Ltmp9, $4  }
0x56d: {  	[hbm4b:s11+s3] =	stream.linear.scatter [tilespmem:s10], [sflag:$0x8], $0x80, $0x38;
	[tilespmem:$0x16C00] =	vst v63  }
0x56e: {  	s12 =	sadd.s32 $0x70, s1;
	s10 =	sadd.s32 $0x14D30, s6;
	s11 =	sadd.s32 $0x60, s1  }
0x56f: {  	[hbm4b:s11+s3] =	stream.linear.scatter [tilespmem:s10], [sflag:$0x8], $0x80, $0x38;
	[tilespmem:$0x16C00] =	vst v63  }
0x570: {  	s1 =	sadd.s32 $0x4000, s1;
	s11 =	sadd.s32 $0x14DB8, s6;
	s10 =	smov.u32 s7  }
0x571: {  	[hbm4b:s12+s3] =	stream.linear.scatter [tilespmem:s11], [sflag:$0x8], $0x80, $0x38;
	[tilespmem:$0x16C00] =	vst v63  }
0x572: {  	s6 =	sadd.s32 $0x14A00, s0  }
0x573: {  	[hbm4b:s1+s3] =	stream.linear.scatter [tilespmem:s6], [sflag:$0x8], $0x80, $0x38;
	[tilespmem:$0x16C00] =	vst v63  }
0x574: {  	s31 =	sadd.s32 $0x14A88, s0;
	s7 =	sadd.s32 $0x10, s1  }
0x575: {  	[hbm4b:s7+s3] =	stream.linear.scatter [tilespmem:s31], [sflag:$0x8], $0x80, $0x38;
	[tilespmem:$0x16C00] =	vst v63  }
0x576: {  	s10 =	sadd.s32 $0x20, s1;
	s7 =	sadd.s32 $0x14B10, s0  }
0x577: {  	[hbm4b:s10+s3] =	stream.linear.scatter [tilespmem:s7], [sflag:$0x8], $0x80, $0x38;
	[tilespmem:$0x16C00] =	vst v63  }
0x578: {  	s11 =	sadd.s32 $0x14B98, s0;
	s12 =	sadd.s32 $0x30, s1  }
0x579: {  	[hbm4b:s12+s3] =	stream.linear.scatter [tilespmem:s11], [sflag:$0x8], $0x80, $0x38;
	[tilespmem:$0x16C00] =	vst v63  }
0x57a: {  	s30 =	sadd.s32 $0x14C20, s0;
	s31 =	sadd.s32 $0x40, s1  }
0x57b: {  	[hbm4b:s31+s3] =	stream.linear.scatter [tilespmem:s30], [sflag:$0x8], $0x80, $0x38;
	[tilespmem:$0x16C00] =	vst v63  }
0x57c: {  	s7 =	sadd.s32 $0x14CA8, s0;
	s10 =	sadd.s32 $0x50, s1  }
0x57d: {  	[hbm4b:s10+s3] =	stream.linear.scatter [tilespmem:s7], [sflag:$0x8], $0x80, $0x38;
	[tilespmem:$0x16C00] =	vst v63  }
0x57e: {  	s11 =	sadd.s32 $0x14D30, s0;
	s12 =	sadd.s32 $0x60, s1  }
0x57f: {  	[hbm4b:s12+s3] =	stream.linear.scatter [tilespmem:s11], [sflag:$0x8], $0x80, $0x38;
	[tilespmem:$0x16C00] =	vst v63  }
.Ltmp10:
0x580: {  	s30 =	sadd.s32 $0x14DB8, s0;
	s31 =	sadd.s32 $0x70, s1;
	(pc) =	sbr.rel @p0 .LBB2_20-.Ltmp10, $4  }
0x581: {  	[hbm4b:s31+s3] =	stream.linear.scatter [tilespmem:s30], [sflag:$0x8], $0x80, $0x38;
	[tilespmem:$0x16C00] =	vst v63  }
0x582: {  	_ =	swait.ge [sflag:s25], $0x2000  }
0x583: {  	[sflag:s25] =	ssyncset.done $0x0  }
0x584: {  	[sflag:s25] =	ssyncadd.s32 $0xFFFFE000  }
.Ltmp11:
0x585: {  	(pc) =	sbr.rel .LBB2_2-.Ltmp11, $4  }
0x586: {  	s0 =	sshll.u32 s29, $0x9  }
0x587: {  	s0 =	sand.u32 $0x3FFFFE00, s0  }
0x588: {  	s29 =	sadd.s32 $0x1, s29;
	s0 =	sadd.s32 $0x300, s0  }
0x589: {  	[tilespmem:s13], [sflag:$0x3] =	stream.indirect.gather [hbm4b:s4+s9], $0x40, s0, s9, $0xb8;
	[tilespmem:$0x16C00] =	vst v63  }
.LBB2_21:
0x58a: {  	_ =	sfence.sel $0x180000  }
0x58b: {  	[bflag:$0x0] =	sbarrier.arrive $0xFFFF  }
0x58c: {  	_ =	strace $0x90000047  }
0x58d: {  	s0 =	stileid.u32;
	[bflag:$0x2] =	sbarrier.arrive $0xFFFF  }
0x58e: {  	p0 =	sne.s32 s0, $0x0;
	s0 =	rddreg [dreg:$0x2]  }
0x58f: {  	s0 =	sadd.s32 @!p0 $0x100000, s0  }
0x590: {  	[sflag:s0] =	ssyncadd.tile.s32 @!p0 $0x1;
	_ =	shalt  }
.Lfunc_end2:
_tile_overlayer_lowered:
.L_overlay_start_2:
0x591: {  	(tag) =	ssettag $0x2  }
0x592: {  	s0 =	rddreg [dreg:$0x0];
	s2 =	stileid.u32  }
0x593: {  	s1 =	rddreg [dreg:$0x1];
	p0 =	sne.s32 s2, $0x0  }
0x594: {  	s3 =	rddreg [dreg:$0x2];
	[bflag:$0x3] =	sbarrier.arrive $0xFFFF;
	s2 =	simm.s32 @!p0 $0x1C09  }
0x595: {  	[timem:s3], [sflag:s2] =	dma.local @!p0 [hbm:s0], s1  }
0x596: {  	s0 =	simm.s32 @!p0 $0x9  }
0x597: {  	_ =	swait.ge @!p0 [sflag:s0], s1  }
0x598: {  	s1 =	ssub.s32 @!p0 $0x0, s1;
	[sflag:s0] =	ssyncset.done @!p0 $0x0  }
0x599: {  	[sflag:s0] =	ssyncadd.s32 @!p0 s1  }
0x59a: {  	[bflag:$0x3] =	sbarrier.arrive $0xFFFF  }
0x59b: {  	_ =	shalt  }

</sc_bundles>
